<compile_context>
chip_gen: v7x
topology: tpu7x:2x2x1
jax: 0.10.2.dev20260603
libtpu: 0.0.44.dev20260713+nightly
codegen_flags: <defaults>
</compile_context>

<pallas_src>
import jax
import jax.numpy as jnp
from jax import lax
from jax.experimental import pallas as pl
from jax.experimental.pallas import tpu as pltpu
from jax.experimental.pallas import tpu_sc as plsc

NN = 10000
EE = 160000
DD = 256
HALF = 128
NC = 2
NS = 16
EPT = EE // NS
ACH = 80
ANCH = 125
DW = 128
NPAD = 10240
DSTR = NPAD // NS
BM = 2000
GRID = NN // BM


def _sc_mesh():
    return plsc.VectorSubcoreMesh(
        core_axis_name="c", subcore_axis_name="s", num_cores=NC, num_subcores=NS
    )


def _deg_body(edge_ref, ones_ref, zer_ref, out_ref, idxv, onesv, wb, deg_sh,
              sem, sem2):
    c = lax.axis_index("c")
    s = lax.axis_index("s")
    pltpu.sync_copy(edge_ref.at[c, s], idxv)
    pltpu.sync_copy(ones_ref, onesv)
    pltpu.sync_copy(zer_ref, wb)
    base = s * DSTR
    for k in range(DSTR // 80):
        pltpu.sync_copy(wb, deg_sh.at[pl.ds(base + k * 80, 80)])
    plsc.subcore_barrier()

    def pair(g, carry):
        c0 = 2 * g
        d0 = pltpu.async_copy(onesv, deg_sh.at[idxv.at[c0]], sem, add=True)
        d1 = pltpu.async_copy(onesv, deg_sh.at[idxv.at[c0 + 1]], sem2, add=True)
        d0.wait()
        d1.wait()
        return carry

    lax.fori_loop(0, ANCH // 2, pair, 0)
    pltpu.async_copy(onesv, deg_sh.at[idxv.at[ANCH - 1]], sem, add=True).wait()
    plsc.subcore_barrier()

    for k in range(DSTR // 80):
        pltpu.sync_copy(deg_sh.at[pl.ds(base + k * 80, 80)], wb)
        pltpu.sync_copy(wb, out_ref.at[c, pl.ds(base + k * 80, 80)])


_deg_call = pl.kernel(
    _deg_body,
    out_type=jax.ShapeDtypeStruct((NC, NPAD, DW), jnp.float32),
    mesh=_sc_mesh(),
    scratch_types=[
        pltpu.VMEM((ANCH, ACH), jnp.int32),
        pltpu.VMEM((ACH, DW), jnp.float32),
        pltpu.VMEM((80, DW), jnp.float32),
        pltpu.VMEM_SHARED((NPAD, DW), jnp.float32),
        pltpu.SemaphoreType.DMA,
        pltpu.SemaphoreType.DMA,
    ],
)


def _agg_body(feat_ref, srcr_ref, dstr_ref, z_ref, out_ref, srcv, dstv, rows,
              agg_sh, sem, sem2):
    c = lax.axis_index("c")
    s = lax.axis_index("s")
    pltpu.sync_copy(srcr_ref.at[c, s], srcv)
    pltpu.sync_copy(dstr_ref.at[s], dstv)
    zb = rows.at[pl.ds(0, 128)]
    pltpu.sync_copy(z_ref, zb)
    base = s * DSTR
    for k in range(DSTR // 128):
        pltpu.sync_copy(zb, agg_sh.at[pl.ds(base + k * 128, 128)])
    plsc.subcore_barrier()

    ra = rows.at[pl.ds(0, ACH)]
    rb = rows.at[pl.ds(ACH, ACH)]

    pltpu.async_copy(feat_ref.at[srcv.at[pl.ds(0, ACH)]], ra, sem)

    def pair(g, carry):
        c0 = 2 * g
        pltpu.make_async_copy(
            feat_ref.at[srcv.at[pl.ds(c0 * ACH, ACH)]], ra, sem).wait()
        pltpu.async_copy(
            feat_ref.at[srcv.at[pl.ds((c0 + 1) * ACH, ACH)]], rb, sem2)
        pltpu.sync_copy(ra, agg_sh.at[dstv.at[c0]], add=True)
        pltpu.make_async_copy(
            feat_ref.at[srcv.at[pl.ds((c0 + 1) * ACH, ACH)]], rb, sem2).wait()
        pltpu.async_copy(
            feat_ref.at[srcv.at[pl.ds((c0 + 2) * ACH, ACH)]], ra, sem)
        pltpu.sync_copy(rb, agg_sh.at[dstv.at[c0 + 1]], add=True)
        return carry

    lax.fori_loop(0, ANCH // 2, pair, 0)
    pltpu.make_async_copy(
        feat_ref.at[srcv.at[pl.ds((ANCH - 1) * ACH, ACH)]], ra, sem).wait()
    pltpu.sync_copy(ra, agg_sh.at[dstv.at[ANCH - 1]], add=True)
    plsc.subcore_barrier()

    for k in range(DSTR // 128):
        pltpu.sync_copy(agg_sh.at[pl.ds(base + k * 128, 128)], zb)
        pltpu.sync_copy(zb, out_ref.at[c, pl.ds(base + k * 128, 128)])


_agg_call = pl.kernel(
    _agg_body,
    out_type=jax.ShapeDtypeStruct((NC, NPAD, HALF), jnp.float32),
    mesh=_sc_mesh(),
    scratch_types=[
        pltpu.VMEM((EPT,), jnp.int32),
        pltpu.VMEM((ANCH, ACH), jnp.int32),
        pltpu.VMEM((2 * ACH, HALF), jnp.float32),
        pltpu.VMEM_SHARED((NPAD, HALF), jnp.float32),
        pltpu.SemaphoreType.DMA,
        pltpu.SemaphoreType.DMA,
    ],
)


def _mm1_body(h_ref, w_ref, dout_ref, o_ref):
    nsrc = lax.rsqrt(jnp.maximum(dout_ref[...], 1.0))
    y = jnp.dot(h_ref[...], w_ref[...], preferred_element_type=jnp.float32) * nsrc
    o_ref[0, :, :] = y[:, :HALF]
    o_ref[1, :, :] = y[:, HALF:]


def _mid_body(a_ref, din_ref, dout_ref, b_ref, w_ref, o_ref):
    x = jnp.concatenate([a_ref[0, :, :], a_ref[1, :, :]], axis=1)
    ndst = lax.rsqrt(jnp.maximum(din_ref[...], 1.0))
    h1 = jnp.maximum(x * ndst + b_ref[...], 0.0)
    nsrc = lax.rsqrt(jnp.maximum(dout_ref[...], 1.0))
    y = jnp.dot(h1, w_ref[...], preferred_element_type=jnp.float32) * nsrc
    o_ref[0, :, :] = y[:, :HALF]
    o_ref[1, :, :] = y[:, HALF:]


def _fin_body(a_ref, din_ref, b_ref, z_ref, wl1_ref, bl1_ref, w2r_ref, bl2_ref,
              o_ref, acc_ref):
    i = pl.program_id(0)
    x = jnp.concatenate([a_ref[0, :, :], a_ref[1, :, :]], axis=1)
    ndst = lax.rsqrt(jnp.maximum(din_ref[...], 1.0))
    h2 = jnp.maximum(x * ndst + b_ref[...], 0.0)
    ps = jnp.sum(h2, axis=0, keepdims=True)

    @pl.when(i == 0)
    def _init():
        acc_ref[...] = ps

    @pl.when(i > 0)
    def _acc():
        acc_ref[...] = acc_ref[...] + ps

    @pl.when(i == GRID - 1)
    def _final():
        pooled = acc_ref[...] * (1.0 / NN)
        zz = jnp.dot(z_ref[...], wl1_ref[...],
                     preferred_element_type=jnp.float32) + bl1_ref[...]
        val = (jnp.sum(pooled * w2r_ref[0:1, :])
               + jnp.sum(zz * w2r_ref[1:2, :]) + bl2_ref[0, 0])
        o_ref[...] = val.reshape(1, 1)


def _mm1(h, W1, dout_col):
    return pl.pallas_call(
        _mm1_body,
        grid=(GRID,),
        in_specs=[
            pl.BlockSpec((BM, DD), lambda i: (i, 0)),
            pl.BlockSpec((DD, DD), lambda i: (0, 0)),
            pl.BlockSpec((BM, 1), lambda i: (i, 0)),
        ],
        out_specs=pl.BlockSpec((NC, BM, HALF), lambda i: (0, i, 0)),
        out_shape=jax.ShapeDtypeStruct((NC, NN, HALF), jnp.float32),
    )(h, W1, dout_col)


def _mid(agg, din_col, dout_col, b, W2):
    return pl.pallas_call(
        _mid_body,
        grid=(GRID,),
        in_specs=[
            pl.BlockSpec((NC, BM, HALF), lambda i: (0, i, 0)),
            pl.BlockSpec((BM, 1), lambda i: (i, 0)),
            pl.BlockSpec((BM, 1), lambda i: (i, 0)),
            pl.BlockSpec((1, DD), lambda i: (0, 0)),
            pl.BlockSpec((DD, DD), lambda i: (0, 0)),
        ],
        out_specs=pl.BlockSpec((NC, BM, HALF), lambda i: (0, i, 0)),
        out_shape=jax.ShapeDtypeStruct((NC, NN, HALF), jnp.float32),
    )(agg, din_col, dout_col, b, W2)


def _fin(agg, din_col, b, z, Wl1, bl1, w2r, bl2):
    return pl.pallas_call(
        _fin_body,
        grid=(GRID,),
        in_specs=[
            pl.BlockSpec((NC, BM, HALF), lambda i: (0, i, 0)),
            pl.BlockSpec((BM, 1), lambda i: (i, 0)),
            pl.BlockSpec((1, DD), lambda i: (0, 0)),
            pl.BlockSpec((1, DD), lambda i: (0, 0)),
            pl.BlockSpec((DD, DD), lambda i: (0, 0)),
            pl.BlockSpec((1, DD), lambda i: (0, 0)),
            pl.BlockSpec((2, DD), lambda i: (0, 0)),
            pl.BlockSpec((1, 1), lambda i: (0, 0)),
        ],
        out_specs=pl.BlockSpec((1, 1), lambda i: (0, 0)),
        out_shape=jax.ShapeDtypeStruct((1, 1), jnp.float32),
        scratch_shapes=[pltpu.VMEM((1, DD), jnp.float32)],
    )(agg, din_col, b, z, Wl1, bl1, w2r, bl2)


def kernel(h, edge_index, z, W1, b1, W2, b2, Wl1, bl1, Wl2, bl2):
    src = edge_index[0]
    dst = edge_index[1]
    edge_r = edge_index.reshape(NC, NS, ANCH, ACH)
    src_off = jnp.stack([src, src + NN]).reshape(NC, NS, EPT)
    dst_r = dst.reshape(NS, ANCH, ACH)
    ones_h = jnp.ones((ACH, DW), jnp.float32)
    zdeg_h = jnp.zeros((80, DW), jnp.float32)
    zrow_h = jnp.zeros((128, HALF), jnp.float32)

    degx = _deg_call(edge_r, ones_h, zdeg_h)
    dout_col = degx[0, :NN, 0:1]
    din_col = degx[1, :NN, 0:1]

    feat1 = _mm1(h, W1, dout_col)
    agg1 = _agg_call(feat1.reshape(NC * NN, HALF), src_off, dst_r, zrow_h)
    feat2 = _mid(agg1, din_col, dout_col, b1.reshape(1, DD), W2)
    agg2 = _agg_call(feat2.reshape(NC * NN, HALF), src_off, dst_r, zrow_h)
    score = _fin(agg2, din_col, b2.reshape(1, DD), z, Wl1,
                 bl1.reshape(1, DD), Wl2.reshape(2, DD), bl2.reshape(1, 1))
    return score

# --- scband reference (transcript-rebuilt; emitter-appended) ---
"""Pipeline reference for scband-discriminator-54692113547690 (READ-ONLY COPY).

The authoritative reference and input builder live on the scoring server;
editing this copy changes nothing except your own understanding.
"""

import jax, jax.numpy as jnp
import numpy as np

N = 10000
E = 160000
D = 256
H = 256
O = 256


def setup_inputs(seed: int = 0) -> dict:
    key = jax.random.key(seed)
    ks = jax.random.split(key, 12)
    h = jax.random.normal(ks[0], (N, D), dtype=jnp.float32)
    edge_index = jax.random.randint(ks[1], (2, E), 0, N, dtype=jnp.int32)
    z = jax.random.normal(ks[2], (1, O), dtype=jnp.float32)
    W1 = jax.random.normal(ks[3], (D, H), dtype=jnp.float32) * 0.05
    b1 = jnp.zeros((H,), dtype=jnp.float32)
    W2 = jax.random.normal(ks[4], (H, H), dtype=jnp.float32) * 0.05
    b2 = jnp.zeros((H,), dtype=jnp.float32)
    Wl1 = jax.random.normal(ks[5], (O, H), dtype=jnp.float32) * 0.05
    bl1 = jnp.zeros((H,), dtype=jnp.float32)
    Wl2 = jax.random.normal(ks[6], (2 * H, 1), dtype=jnp.float32) * 0.05
    bl2 = jnp.zeros((1,), dtype=jnp.float32)
    return {"h": h, "edge_index": edge_index, "z": z,
            "W1": W1, "b1": b1, "W2": W2, "b2": b2,
            "Wl1": Wl1, "bl1": bl1, "Wl2": Wl2, "bl2": bl2}


def _graph_conv(h, W, b, src, dst):
    # DGL GraphConv with norm='both', allow_zero_in_degree=True
    deg_out = jnp.zeros((N,), jnp.float32).at[src].add(1.0)
    deg_in = jnp.zeros((N,), jnp.float32).at[dst].add(1.0)
    norm_src = jnp.clip(deg_out, 1.0, None) ** -0.5
    norm_dst = jnp.clip(deg_in, 1.0, None) ** -0.5
    feat = h * norm_src[:, None]
    feat = feat @ W  # mult W first (in_feats >= out_feats path)
    agg = jnp.zeros((N, W.shape[1]), feat.dtype).at[dst].add(feat[src])
    return agg * norm_dst[:, None] + b


def reference(h, edge_index, z, W1, b1, W2, b2, Wl1, bl1, Wl2, bl2):
    src = edge_index[0]
    dst = edge_index[1]
    h_d = jax.nn.relu(_graph_conv(h, W1, b1, src, dst))
    h_d = jax.nn.relu(_graph_conv(h_d, W2, b2, src, dst))
    # dgl.mean_nodes over a single graph -> [1, H]
    h_d = jnp.mean(h_d, axis=0, keepdims=True)
    zz = z @ Wl1 + bl1
    cat = jnp.concatenate([h_d, zz], axis=1)
    score = cat @ Wl2 + bl2
    return score

if __name__ == "__main__":
    import jax
    _d = setup_inputs()
    print(jax.jit(kernel)(*tuple(_d.values())))

</pallas_src>

<mosaic_0001>
#map = affine_map<(d0, d1) -> (0, 0, 0, 0)>
#map1 = affine_map<(d0, d1) -> (0, 0)>
#map2 = affine_map<(d0, d1) -> (0, 0, 0)>
module attributes {stable_mosaic.version = 14 : i64} {
  func.func @_deg_body(%arg0: i32, %arg1: i32, %arg2: memref<2x16x125x80xi32, #tpu.memory_space<hbm>>, %arg3: memref<80x128xf32, #tpu.memory_space<hbm>>, %arg4: memref<80x128xf32, #tpu.memory_space<hbm>>, %arg5: memref<2x10240x128xf32, #tpu.memory_space<hbm>>, %arg6: memref<125x80xi32, #tpu.memory_space<vmem>>, %arg7: memref<80x128xf32, #tpu.memory_space<vmem>>, %arg8: memref<80x128xf32, #tpu.memory_space<vmem>>, %arg9: memref<10240x128xf32, #tpu.memory_space<vmem_shared>>, %arg10: memref<!tpu.dma_semaphore, #tpu.memory_space<semaphore_mem>>, %arg11: memref<!tpu.dma_semaphore, #tpu.memory_space<semaphore_mem>>) attributes {dimension_semantics = [#tpu.dimension_semantics<core_parallel>, #tpu.dimension_semantics<subcore_parallel>], iteration_bounds = array<i64: 2, 16>, scalar_prefetch = 0 : i64, scratch_operands = 6 : i64, tpu.core_type = #tpu.core_type<sc_vector_subcore>, window_params = [{transform_indices = #map}, {transform_indices = #map1}, {transform_indices = #map1}, {transform_indices = #map2}]} {
    "tpu.region"() ({
      %run_scoped3A = tpu.sem_alloc : memref<!tpu.dma_semaphore, #tpu.memory_space<semaphore_mem>>
      %dma_start3A_66 = arith.constant 0 : i32
      %dma_start3A_67 = arith.constant 0 : i32
      %dma_start3A_68 = tpu.memref_slice %arg2[%arg0, %arg1, %dma_start3A_66, %dma_start3A_67] : memref<2x16x125x80xi32, #tpu.memory_space<hbm>> -> memref<1x1x125x80xi32, #tpu.memory_space<hbm>>
      %dma_start3A_69 = tpu.memref_squeeze %dma_start3A_68 : memref<1x1x125x80xi32, #tpu.memory_space<hbm>> -> memref<125x80xi32, #tpu.memory_space<hbm>>
      %dma_start3A_70 = arith.constant 0 : i32
      %dma_start3A_71 = arith.constant 0 : i32
      %dma_start3A_72 = tpu.memref_slice %arg2[%arg0, %arg1, %dma_start3A_70, %dma_start3A_71] : memref<2x16x125x80xi32, #tpu.memory_space<hbm>> -> memref<1x1x125x80xi32, #tpu.memory_space<hbm>>
      %dma_start3A_73 = tpu.memref_squeeze %dma_start3A_72 : memref<1x1x125x80xi32, #tpu.memory_space<hbm>> -> memref<125x80xi32, #tpu.memory_space<hbm>>
      tpu.enqueue_dma source(%dma_start3A_73 : memref<125x80xi32, #tpu.memory_space<hbm>>) target(%arg6 : memref<125x80xi32, #tpu.memory_space<vmem>>) target_semaphore(%run_scoped3A : memref<!tpu.dma_semaphore, #tpu.memory_space<semaphore_mem>>)
      %dma_wait3A_74 = arith.constant 0 : i32
      %dma_wait3A_75 = arith.constant 0 : i32
      %dma_wait3A_76 = tpu.memref_slice %arg2[%arg0, %arg1, %dma_wait3A_74, %dma_wait3A_75] : memref<2x16x125x80xi32, #tpu.memory_space<hbm>> -> memref<1x1x125x80xi32, #tpu.memory_space<hbm>>
      %dma_wait3A_77 = tpu.memref_squeeze %dma_wait3A_76 : memref<1x1x125x80xi32, #tpu.memory_space<hbm>> -> memref<125x80xi32, #tpu.memory_space<hbm>>
      %dma_wait3A_78 = arith.constant 0 : i32
      %dma_wait3A_79 = arith.constant 0 : i32
      %dma_wait3A_80 = tpu.memref_slice %arg2[%arg0, %arg1, %dma_wait3A_78, %dma_wait3A_79] : memref<2x16x125x80xi32, #tpu.memory_space<hbm>> -> memref<1x1x125x80xi32, #tpu.memory_space<hbm>>
      %dma_wait3A_81 = tpu.memref_squeeze %dma_wait3A_80 : memref<1x1x125x80xi32, #tpu.memory_space<hbm>> -> memref<125x80xi32, #tpu.memory_space<hbm>>
      tpu.wait_dma2 semaphore(%run_scoped3A : memref<!tpu.dma_semaphore, #tpu.memory_space<semaphore_mem>>) src(%dma_wait3A_81 : memref<125x80xi32, #tpu.memory_space<hbm>>) dst(%arg6 : memref<125x80xi32, #tpu.memory_space<vmem>>)
      tpu.yield
    }) : () -> ()
    "tpu.region"() ({
      %run_scoped3A = tpu.sem_alloc : memref<!tpu.dma_semaphore, #tpu.memory_space<semaphore_mem>>
      tpu.enqueue_dma source(%arg3 : memref<80x128xf32, #tpu.memory_space<hbm>>) target(%arg7 : memref<80x128xf32, #tpu.memory_space<vmem>>) target_semaphore(%run_scoped3A : memref<!tpu.dma_semaphore, #tpu.memory_space<semaphore_mem>>)
      tpu.wait_dma2 semaphore(%run_scoped3A : memref<!tpu.dma_semaphore, #tpu.memory_space<semaphore_mem>>) src(%arg3 : memref<80x128xf32, #tpu.memory_space<hbm>>) dst(%arg7 : memref<80x128xf32, #tpu.memory_space<vmem>>)
      tpu.yield
    }) : () -> ()
    "tpu.region"() ({
      %run_scoped3A = tpu.sem_alloc : memref<!tpu.dma_semaphore, #tpu.memory_space<semaphore_mem>>
      tpu.enqueue_dma source(%arg4 : memref<80x128xf32, #tpu.memory_space<hbm>>) target(%arg8 : memref<80x128xf32, #tpu.memory_space<vmem>>) target_semaphore(%run_scoped3A : memref<!tpu.dma_semaphore, #tpu.memory_space<semaphore_mem>>)
      tpu.wait_dma2 semaphore(%run_scoped3A : memref<!tpu.dma_semaphore, #tpu.memory_space<semaphore_mem>>) src(%arg4 : memref<80x128xf32, #tpu.memory_space<hbm>>) dst(%arg8 : memref<80x128xf32, #tpu.memory_space<vmem>>)
      tpu.yield
    }) : () -> ()
    %mul3A = arith.constant 640 : i32
    %mul3A_0 = arith.muli %arg1, %mul3A : i32
    %add3A = arith.constant 0 : i32
    %add3A_1 = arith.addi %mul3A_0, %add3A : i32
    "tpu.region"() ({
      %run_scoped3A = tpu.sem_alloc : memref<!tpu.dma_semaphore, #tpu.memory_space<semaphore_mem>>
      %dma_start3A_66 = arith.constant 0 : i32
      %dma_start3A_67 = tpu.memref_slice %arg9[%add3A_1, %dma_start3A_66] : memref<10240x128xf32, #tpu.memory_space<vmem_shared>> -> memref<80x128xf32, #tpu.memory_space<vmem_shared>>
      %dma_start3A_68 = arith.constant 0 : i32
      %dma_start3A_69 = tpu.memref_slice %arg9[%add3A_1, %dma_start3A_68] : memref<10240x128xf32, #tpu.memory_space<vmem_shared>> -> memref<80x128xf32, #tpu.memory_space<vmem_shared>>
      tpu.enqueue_dma source(%arg8 : memref<80x128xf32, #tpu.memory_space<vmem>>) target(%dma_start3A_69 : memref<80x128xf32, #tpu.memory_space<vmem_shared>>) target_semaphore(%run_scoped3A : memref<!tpu.dma_semaphore, #tpu.memory_space<semaphore_mem>>)
      %dma_wait3A_70 = arith.constant 0 : i32
      %dma_wait3A_71 = tpu.memref_slice %arg9[%add3A_1, %dma_wait3A_70] : memref<10240x128xf32, #tpu.memory_space<vmem_shared>> -> memref<80x128xf32, #tpu.memory_space<vmem_shared>>
      %dma_wait3A_72 = arith.constant 0 : i32
      %dma_wait3A_73 = tpu.memref_slice %arg9[%add3A_1, %dma_wait3A_72] : memref<10240x128xf32, #tpu.memory_space<vmem_shared>> -> memref<80x128xf32, #tpu.memory_space<vmem_shared>>
      tpu.wait_dma2 semaphore(%run_scoped3A : memref<!tpu.dma_semaphore, #tpu.memory_space<semaphore_mem>>) src(%arg8 : memref<80x128xf32, #tpu.memory_space<vmem>>) dst(%dma_wait3A_73 : memref<80x128xf32, #tpu.memory_space<vmem_shared>>)
      tpu.yield
    }) : () -> ()
    %add3A_2 = arith.constant 80 : i32
    %add3A_3 = arith.addi %mul3A_0, %add3A_2 : i32
    "tpu.region"() ({
      %run_scoped3A = tpu.sem_alloc : memref<!tpu.dma_semaphore, #tpu.memory_space<semaphore_mem>>
      %dma_start3A_66 = arith.constant 0 : i32
      %dma_start3A_67 = tpu.memref_slice %arg9[%add3A_3, %dma_start3A_66] : memref<10240x128xf32, #tpu.memory_space<vmem_shared>> -> memref<80x128xf32, #tpu.memory_space<vmem_shared>>
      %dma_start3A_68 = arith.constant 0 : i32
      %dma_start3A_69 = tpu.memref_slice %arg9[%add3A_3, %dma_start3A_68] : memref<10240x128xf32, #tpu.memory_space<vmem_shared>> -> memref<80x128xf32, #tpu.memory_space<vmem_shared>>
      tpu.enqueue_dma source(%arg8 : memref<80x128xf32, #tpu.memory_space<vmem>>) target(%dma_start3A_69 : memref<80x128xf32, #tpu.memory_space<vmem_shared>>) target_semaphore(%run_scoped3A : memref<!tpu.dma_semaphore, #tpu.memory_space<semaphore_mem>>)
      %dma_wait3A_70 = arith.constant 0 : i32
      %dma_wait3A_71 = tpu.memref_slice %arg9[%add3A_3, %dma_wait3A_70] : memref<10240x128xf32, #tpu.memory_space<vmem_shared>> -> memref<80x128xf32, #tpu.memory_space<vmem_shared>>
      %dma_wait3A_72 = arith.constant 0 : i32
      %dma_wait3A_73 = tpu.memref_slice %arg9[%add3A_3, %dma_wait3A_72] : memref<10240x128xf32, #tpu.memory_space<vmem_shared>> -> memref<80x128xf32, #tpu.memory_space<vmem_shared>>
      tpu.wait_dma2 semaphore(%run_scoped3A : memref<!tpu.dma_semaphore, #tpu.memory_space<semaphore_mem>>) src(%arg8 : memref<80x128xf32, #tpu.memory_space<vmem>>) dst(%dma_wait3A_73 : memref<80x128xf32, #tpu.memory_space<vmem_shared>>)
      tpu.yield
    }) : () -> ()
    %add3A_4 = arith.constant 160 : i32
    %add3A_5 = arith.addi %mul3A_0, %add3A_4 : i32
    "tpu.region"() ({
      %run_scoped3A = tpu.sem_alloc : memref<!tpu.dma_semaphore, #tpu.memory_space<semaphore_mem>>
      %dma_start3A_66 = arith.constant 0 : i32
      %dma_start3A_67 = tpu.memref_slice %arg9[%add3A_5, %dma_start3A_66] : memref<10240x128xf32, #tpu.memory_space<vmem_shared>> -> memref<80x128xf32, #tpu.memory_space<vmem_shared>>
      %dma_start3A_68 = arith.constant 0 : i32
      %dma_start3A_69 = tpu.memref_slice %arg9[%add3A_5, %dma_start3A_68] : memref<10240x128xf32, #tpu.memory_space<vmem_shared>> -> memref<80x128xf32, #tpu.memory_space<vmem_shared>>
      tpu.enqueue_dma source(%arg8 : memref<80x128xf32, #tpu.memory_space<vmem>>) target(%dma_start3A_69 : memref<80x128xf32, #tpu.memory_space<vmem_shared>>) target_semaphore(%run_scoped3A : memref<!tpu.dma_semaphore, #tpu.memory_space<semaphore_mem>>)
      %dma_wait3A_70 = arith.constant 0 : i32
      %dma_wait3A_71 = tpu.memref_slice %arg9[%add3A_5, %dma_wait3A_70] : memref<10240x128xf32, #tpu.memory_space<vmem_shared>> -> memref<80x128xf32, #tpu.memory_space<vmem_shared>>
      %dma_wait3A_72 = arith.constant 0 : i32
      %dma_wait3A_73 = tpu.memref_slice %arg9[%add3A_5, %dma_wait3A_72] : memref<10240x128xf32, #tpu.memory_space<vmem_shared>> -> memref<80x128xf32, #tpu.memory_space<vmem_shared>>
      tpu.wait_dma2 semaphore(%run_scoped3A : memref<!tpu.dma_semaphore, #tpu.memory_space<semaphore_mem>>) src(%arg8 : memref<80x128xf32, #tpu.memory_space<vmem>>) dst(%dma_wait3A_73 : memref<80x128xf32, #tpu.memory_space<vmem_shared>>)
      tpu.yield
    }) : () -> ()
    %add3A_6 = arith.constant 240 : i32
    %add3A_7 = arith.addi %mul3A_0, %add3A_6 : i32
    "tpu.region"() ({
      %run_scoped3A = tpu.sem_alloc : memref<!tpu.dma_semaphore, #tpu.memory_space<semaphore_mem>>
      %dma_start3A_66 = arith.constant 0 : i32
      %dma_start3A_67 = tpu.memref_slice %arg9[%add3A_7, %dma_start3A_66] : memref<10240x128xf32, #tpu.memory_space<vmem_shared>> -> memref<80x128xf32, #tpu.memory_space<vmem_shared>>
      %dma_start3A_68 = arith.constant 0 : i32
      %dma_start3A_69 = tpu.memref_slice %arg9[%add3A_7, %dma_start3A_68] : memref<10240x128xf32, #tpu.memory_space<vmem_shared>> -> memref<80x128xf32, #tpu.memory_space<vmem_shared>>
      tpu.enqueue_dma source(%arg8 : memref<80x128xf32, #tpu.memory_space<vmem>>) target(%dma_start3A_69 : memref<80x128xf32, #tpu.memory_space<vmem_shared>>) target_semaphore(%run_scoped3A : memref<!tpu.dma_semaphore, #tpu.memory_space<semaphore_mem>>)
      %dma_wait3A_70 = arith.constant 0 : i32
      %dma_wait3A_71 = tpu.memref_slice %arg9[%add3A_7, %dma_wait3A_70] : memref<10240x128xf32, #tpu.memory_space<vmem_shared>> -> memref<80x128xf32, #tpu.memory_space<vmem_shared>>
      %dma_wait3A_72 = arith.constant 0 : i32
      %dma_wait3A_73 = tpu.memref_slice %arg9[%add3A_7, %dma_wait3A_72] : memref<10240x128xf32, #tpu.memory_space<vmem_shared>> -> memref<80x128xf32, #tpu.memory_space<vmem_shared>>
      tpu.wait_dma2 semaphore(%run_scoped3A : memref<!tpu.dma_semaphore, #tpu.memory_space<semaphore_mem>>) src(%arg8 : memref<80x128xf32, #tpu.memory_space<vmem>>) dst(%dma_wait3A_73 : memref<80x128xf32, #tpu.memory_space<vmem_shared>>)
      tpu.yield
    }) : () -> ()
    %add3A_8 = arith.constant 320 : i32
    %add3A_9 = arith.addi %mul3A_0, %add3A_8 : i32
    "tpu.region"() ({
      %run_scoped3A = tpu.sem_alloc : memref<!tpu.dma_semaphore, #tpu.memory_space<semaphore_mem>>
      %dma_start3A_66 = arith.constant 0 : i32
      %dma_start3A_67 = tpu.memref_slice %arg9[%add3A_9, %dma_start3A_66] : memref<10240x128xf32, #tpu.memory_space<vmem_shared>> -> memref<80x128xf32, #tpu.memory_space<vmem_shared>>
      %dma_start3A_68 = arith.constant 0 : i32
      %dma_start3A_69 = tpu.memref_slice %arg9[%add3A_9, %dma_start3A_68] : memref<10240x128xf32, #tpu.memory_space<vmem_shared>> -> memref<80x128xf32, #tpu.memory_space<vmem_shared>>
      tpu.enqueue_dma source(%arg8 : memref<80x128xf32, #tpu.memory_space<vmem>>) target(%dma_start3A_69 : memref<80x128xf32, #tpu.memory_space<vmem_shared>>) target_semaphore(%run_scoped3A : memref<!tpu.dma_semaphore, #tpu.memory_space<semaphore_mem>>)
      %dma_wait3A_70 = arith.constant 0 : i32
      %dma_wait3A_71 = tpu.memref_slice %arg9[%add3A_9, %dma_wait3A_70] : memref<10240x128xf32, #tpu.memory_space<vmem_shared>> -> memref<80x128xf32, #tpu.memory_space<vmem_shared>>
      %dma_wait3A_72 = arith.constant 0 : i32
      %dma_wait3A_73 = tpu.memref_slice %arg9[%add3A_9, %dma_wait3A_72] : memref<10240x128xf32, #tpu.memory_space<vmem_shared>> -> memref<80x128xf32, #tpu.memory_space<vmem_shared>>
      tpu.wait_dma2 semaphore(%run_scoped3A : memref<!tpu.dma_semaphore, #tpu.memory_space<semaphore_mem>>) src(%arg8 : memref<80x128xf32, #tpu.memory_space<vmem>>) dst(%dma_wait3A_73 : memref<80x128xf32, #tpu.memory_space<vmem_shared>>)
      tpu.yield
    }) : () -> ()
    %add3A_10 = arith.constant 400 : i32
    %add3A_11 = arith.addi %mul3A_0, %add3A_10 : i32
    "tpu.region"() ({
      %run_scoped3A = tpu.sem_alloc : memref<!tpu.dma_semaphore, #tpu.memory_space<semaphore_mem>>
      %dma_start3A_66 = arith.constant 0 : i32
      %dma_start3A_67 = tpu.memref_slice %arg9[%add3A_11, %dma_start3A_66] : memref<10240x128xf32, #tpu.memory_space<vmem_shared>> -> memref<80x128xf32, #tpu.memory_space<vmem_shared>>
      %dma_start3A_68 = arith.constant 0 : i32
      %dma_start3A_69 = tpu.memref_slice %arg9[%add3A_11, %dma_start3A_68] : memref<10240x128xf32, #tpu.memory_space<vmem_shared>> -> memref<80x128xf32, #tpu.memory_space<vmem_shared>>
      tpu.enqueue_dma source(%arg8 : memref<80x128xf32, #tpu.memory_space<vmem>>) target(%dma_start3A_69 : memref<80x128xf32, #tpu.memory_space<vmem_shared>>) target_semaphore(%run_scoped3A : memref<!tpu.dma_semaphore, #tpu.memory_space<semaphore_mem>>)
      %dma_wait3A_70 = arith.constant 0 : i32
      %dma_wait3A_71 = tpu.memref_slice %arg9[%add3A_11, %dma_wait3A_70] : memref<10240x128xf32, #tpu.memory_space<vmem_shared>> -> memref<80x128xf32, #tpu.memory_space<vmem_shared>>
      %dma_wait3A_72 = arith.constant 0 : i32
      %dma_wait3A_73 = tpu.memref_slice %arg9[%add3A_11, %dma_wait3A_72] : memref<10240x128xf32, #tpu.memory_space<vmem_shared>> -> memref<80x128xf32, #tpu.memory_space<vmem_shared>>
      tpu.wait_dma2 semaphore(%run_scoped3A : memref<!tpu.dma_semaphore, #tpu.memory_space<semaphore_mem>>) src(%arg8 : memref<80x128xf32, #tpu.memory_space<vmem>>) dst(%dma_wait3A_73 : memref<80x128xf32, #tpu.memory_space<vmem_shared>>)
      tpu.yield
    }) : () -> ()
    %add3A_12 = arith.constant 480 : i32
    %add3A_13 = arith.addi %mul3A_0, %add3A_12 : i32
    "tpu.region"() ({
      %run_scoped3A = tpu.sem_alloc : memref<!tpu.dma_semaphore, #tpu.memory_space<semaphore_mem>>
      %dma_start3A_66 = arith.constant 0 : i32
      %dma_start3A_67 = tpu.memref_slice %arg9[%add3A_13, %dma_start3A_66] : memref<10240x128xf32, #tpu.memory_space<vmem_shared>> -> memref<80x128xf32, #tpu.memory_space<vmem_shared>>
      %dma_start3A_68 = arith.constant 0 : i32
      %dma_start3A_69 = tpu.memref_slice %arg9[%add3A_13, %dma_start3A_68] : memref<10240x128xf32, #tpu.memory_space<vmem_shared>> -> memref<80x128xf32, #tpu.memory_space<vmem_shared>>
      tpu.enqueue_dma source(%arg8 : memref<80x128xf32, #tpu.memory_space<vmem>>) target(%dma_start3A_69 : memref<80x128xf32, #tpu.memory_space<vmem_shared>>) target_semaphore(%run_scoped3A : memref<!tpu.dma_semaphore, #tpu.memory_space<semaphore_mem>>)
      %dma_wait3A_70 = arith.constant 0 : i32
      %dma_wait3A_71 = tpu.memref_slice %arg9[%add3A_13, %dma_wait3A_70] : memref<10240x128xf32, #tpu.memory_space<vmem_shared>> -> memref<80x128xf32, #tpu.memory_space<vmem_shared>>
      %dma_wait3A_72 = arith.constant 0 : i32
      %dma_wait3A_73 = tpu.memref_slice %arg9[%add3A_13, %dma_wait3A_72] : memref<10240x128xf32, #tpu.memory_space<vmem_shared>> -> memref<80x128xf32, #tpu.memory_space<vmem_shared>>
      tpu.wait_dma2 semaphore(%run_scoped3A : memref<!tpu.dma_semaphore, #tpu.memory_space<semaphore_mem>>) src(%arg8 : memref<80x128xf32, #tpu.memory_space<vmem>>) dst(%dma_wait3A_73 : memref<80x128xf32, #tpu.memory_space<vmem_shared>>)
      tpu.yield
    }) : () -> ()
    %add3A_14 = arith.constant 560 : i32
    %add3A_15 = arith.addi %mul3A_0, %add3A_14 : i32
    "tpu.region"() ({
      %run_scoped3A = tpu.sem_alloc : memref<!tpu.dma_semaphore, #tpu.memory_space<semaphore_mem>>
      %dma_start3A_66 = arith.constant 0 : i32
      %dma_start3A_67 = tpu.memref_slice %arg9[%add3A_15, %dma_start3A_66] : memref<10240x128xf32, #tpu.memory_space<vmem_shared>> -> memref<80x128xf32, #tpu.memory_space<vmem_shared>>
      %dma_start3A_68 = arith.constant 0 : i32
      %dma_start3A_69 = tpu.memref_slice %arg9[%add3A_15, %dma_start3A_68] : memref<10240x128xf32, #tpu.memory_space<vmem_shared>> -> memref<80x128xf32, #tpu.memory_space<vmem_shared>>
      tpu.enqueue_dma source(%arg8 : memref<80x128xf32, #tpu.memory_space<vmem>>) target(%dma_start3A_69 : memref<80x128xf32, #tpu.memory_space<vmem_shared>>) target_semaphore(%run_scoped3A : memref<!tpu.dma_semaphore, #tpu.memory_space<semaphore_mem>>)
      %dma_wait3A_70 = arith.constant 0 : i32
      %dma_wait3A_71 = tpu.memref_slice %arg9[%add3A_15, %dma_wait3A_70] : memref<10240x128xf32, #tpu.memory_space<vmem_shared>> -> memref<80x128xf32, #tpu.memory_space<vmem_shared>>
      %dma_wait3A_72 = arith.constant 0 : i32
      %dma_wait3A_73 = tpu.memref_slice %arg9[%add3A_15, %dma_wait3A_72] : memref<10240x128xf32, #tpu.memory_space<vmem_shared>> -> memref<80x128xf32, #tpu.memory_space<vmem_shared>>
      tpu.wait_dma2 semaphore(%run_scoped3A : memref<!tpu.dma_semaphore, #tpu.memory_space<semaphore_mem>>) src(%arg8 : memref<80x128xf32, #tpu.memory_space<vmem>>) dst(%dma_wait3A_73 : memref<80x128xf32, #tpu.memory_space<vmem_shared>>)
      tpu.yield
    }) : () -> ()
    %barrier3A = arith.constant 0 : index
    tpu.barrier barrier_id(%barrier3A)
    %scan3A = arith.constant 0 : i32
    %scan3A_16 = arith.constant 0 : i32
    %scan3A_17 = arith.constant 62 : i32
    %scan3A_18 = arith.addi %scan3A_16, %scan3A_17 : i32
    %scan3A_19 = arith.constant 1 : i32
    scf.for %scan3A_66 = %scan3A_16 to %scan3A_18 step %scan3A_19  : i32 {
      %mul3A_67 = arith.constant 2 : i32
      %mul3A_68 = arith.muli %mul3A_67, %scan3A_66 : i32
      %dma_start3A_69 = arith.constant 0 : i32
      %dma_start3A_70 = tpu.memref_slice %arg6[%mul3A_68, %dma_start3A_69] : memref<125x80xi32, #tpu.memory_space<vmem>> -> memref<1x80xi32, #tpu.memory_space<vmem>>
      %dma_start3A_71 = tpu.memref_squeeze %dma_start3A_70 : memref<1x80xi32, #tpu.memory_space<vmem>> -> memref<80xi32, #tpu.memory_space<vmem>>
      %dma_start3A_72 = arith.constant 0 : i32
      %dma_start3A_73 = arith.constant 0 : i32
      %dma_start3A_74 = tpu.memref_slice %arg9[%dma_start3A_72, %dma_start3A_73] : memref<10240x128xf32, #tpu.memory_space<vmem_shared>> -> memref<10240x128xf32, #tpu.memory_space<vmem_shared>>
      tpu.enqueue_indirect_dma source(%arg7 : memref<80x128xf32, #tpu.memory_space<vmem>>) target(%dma_start3A_74 : memref<10240x128xf32, #tpu.memory_space<vmem_shared>>) offsets(%dma_start3A_71 : memref<80xi32, #tpu.memory_space<vmem>>) semaphore(%arg10 : memref<!tpu.dma_semaphore, #tpu.memory_space<semaphore_mem>>) {add = true}
      %add3A_75 = arith.constant 1 : i32
      %add3A_76 = arith.addi %mul3A_68, %add3A_75 : i32
      %dma_start3A_77 = arith.constant 0 : i32
      %dma_start3A_78 = tpu.memref_slice %arg6[%add3A_76, %dma_start3A_77] : memref<125x80xi32, #tpu.memory_space<vmem>> -> memref<1x80xi32, #tpu.memory_space<vmem>>
      %dma_start3A_79 = tpu.memref_squeeze %dma_start3A_78 : memref<1x80xi32, #tpu.memory_space<vmem>> -> memref<80xi32, #tpu.memory_space<vmem>>
      %dma_start3A_80 = arith.constant 0 : i32
      %dma_start3A_81 = arith.constant 0 : i32
      %dma_start3A_82 = tpu.memref_slice %arg9[%dma_start3A_80, %dma_start3A_81] : memref<10240x128xf32, #tpu.memory_space<vmem_shared>> -> memref<10240x128xf32, #tpu.memory_space<vmem_shared>>
      tpu.enqueue_indirect_dma source(%arg7 : memref<80x128xf32, #tpu.memory_space<vmem>>) target(%dma_start3A_82 : memref<10240x128xf32, #tpu.memory_space<vmem_shared>>) offsets(%dma_start3A_79 : memref<80xi32, #tpu.memory_space<vmem>>) semaphore(%arg11 : memref<!tpu.dma_semaphore, #tpu.memory_space<semaphore_mem>>) {add = true}
      %dma_wait3A_83 = arith.constant 0 : i32
      %dma_wait3A_84 = tpu.memref_slice %arg6[%mul3A_68, %dma_wait3A_83] : memref<125x80xi32, #tpu.memory_space<vmem>> -> memref<1x80xi32, #tpu.memory_space<vmem>>
      %dma_wait3A_85 = tpu.memref_squeeze %dma_wait3A_84 : memref<1x80xi32, #tpu.memory_space<vmem>> -> memref<80xi32, #tpu.memory_space<vmem>>
      %dma_wait3A_86 = arith.constant 0 : i32
      %dma_wait3A_87 = arith.constant 0 : i32
      %dma_wait3A_88 = tpu.memref_slice %arg9[%dma_wait3A_86, %dma_wait3A_87] : memref<10240x128xf32, #tpu.memory_space<vmem_shared>> -> memref<10240x128xf32, #tpu.memory_space<vmem_shared>>
      tpu.wait_indirect_dma semaphore(%arg10 : memref<!tpu.dma_semaphore, #tpu.memory_space<semaphore_mem>>) src(%arg7 : memref<80x128xf32, #tpu.memory_space<vmem>>) dst(%dma_wait3A_88 : memref<10240x128xf32, #tpu.memory_space<vmem_shared>>)
      %dma_wait3A_89 = arith.constant 0 : i32
      %dma_wait3A_90 = tpu.memref_slice %arg6[%add3A_76, %dma_wait3A_89] : memref<125x80xi32, #tpu.memory_space<vmem>> -> memref<1x80xi32, #tpu.memory_space<vmem>>
      %dma_wait3A_91 = tpu.memref_squeeze %dma_wait3A_90 : memref<1x80xi32, #tpu.memory_space<vmem>> -> memref<80xi32, #tpu.memory_space<vmem>>
      %dma_wait3A_92 = arith.constant 0 : i32
      %dma_wait3A_93 = arith.constant 0 : i32
      %dma_wait3A_94 = tpu.memref_slice %arg9[%dma_wait3A_92, %dma_wait3A_93] : memref<10240x128xf32, #tpu.memory_space<vmem_shared>> -> memref<10240x128xf32, #tpu.memory_space<vmem_shared>>
      tpu.wait_indirect_dma semaphore(%arg11 : memref<!tpu.dma_semaphore, #tpu.memory_space<semaphore_mem>>) src(%arg7 : memref<80x128xf32, #tpu.memory_space<vmem>>) dst(%dma_wait3A_94 : memref<10240x128xf32, #tpu.memory_space<vmem_shared>>)
    }
    %scan3A_20 = arith.constant 62 : i32
    %dma_start3A = arith.constant 124 : i32
    %dma_start3A_21 = arith.constant 0 : i32
    %dma_start3A_22 = tpu.memref_slice %arg6[%dma_start3A, %dma_start3A_21] : memref<125x80xi32, #tpu.memory_space<vmem>> -> memref<1x80xi32, #tpu.memory_space<vmem>>
    %dma_start3A_23 = tpu.memref_squeeze %dma_start3A_22 : memref<1x80xi32, #tpu.memory_space<vmem>> -> memref<80xi32, #tpu.memory_space<vmem>>
    %dma_start3A_24 = arith.constant 0 : i32
    %dma_start3A_25 = arith.constant 0 : i32
    %dma_start3A_26 = tpu.memref_slice %arg9[%dma_start3A_24, %dma_start3A_25] : memref<10240x128xf32, #tpu.memory_space<vmem_shared>> -> memref<10240x128xf32, #tpu.memory_space<vmem_shared>>
    tpu.enqueue_indirect_dma source(%arg7 : memref<80x128xf32, #tpu.memory_space<vmem>>) target(%dma_start3A_26 : memref<10240x128xf32, #tpu.memory_space<vmem_shared>>) offsets(%dma_start3A_23 : memref<80xi32, #tpu.memory_space<vmem>>) semaphore(%arg10 : memref<!tpu.dma_semaphore, #tpu.memory_space<semaphore_mem>>) {add = true}
    %dma_wait3A = arith.constant 124 : i32
    %dma_wait3A_27 = arith.constant 0 : i32
    %dma_wait3A_28 = tpu.memref_slice %arg6[%dma_wait3A, %dma_wait3A_27] : memref<125x80xi32, #tpu.memory_space<vmem>> -> memref<1x80xi32, #tpu.memory_space<vmem>>
    %dma_wait3A_29 = tpu.memref_squeeze %dma_wait3A_28 : memref<1x80xi32, #tpu.memory_space<vmem>> -> memref<80xi32, #tpu.memory_space<vmem>>
    %dma_wait3A_30 = arith.constant 0 : i32
    %dma_wait3A_31 = arith.constant 0 : i32
    %dma_wait3A_32 = tpu.memref_slice %arg9[%dma_wait3A_30, %dma_wait3A_31] : memref<10240x128xf32, #tpu.memory_space<vmem_shared>> -> memref<10240x128xf32, #tpu.memory_space<vmem_shared>>
    tpu.wait_indirect_dma semaphore(%arg10 : memref<!tpu.dma_semaphore, #tpu.memory_space<semaphore_mem>>) src(%arg7 : memref<80x128xf32, #tpu.memory_space<vmem>>) dst(%dma_wait3A_32 : memref<10240x128xf32, #tpu.memory_space<vmem_shared>>)
    %barrier3A_33 = arith.constant 0 : index
    tpu.barrier barrier_id(%barrier3A_33)
    %add3A_34 = arith.constant 0 : i32
    %add3A_35 = arith.addi %mul3A_0, %add3A_34 : i32
    "tpu.region"() ({
      %run_scoped3A = tpu.sem_alloc : memref<!tpu.dma_semaphore, #tpu.memory_space<semaphore_mem>>
      %dma_start3A_66 = arith.constant 0 : i32
      %dma_start3A_67 = tpu.memref_slice %arg9[%add3A_35, %dma_start3A_66] : memref<10240x128xf32, #tpu.memory_space<vmem_shared>> -> memref<80x128xf32, #tpu.memory_space<vmem_shared>>
      %dma_start3A_68 = arith.constant 0 : i32
      %dma_start3A_69 = tpu.memref_slice %arg9[%add3A_35, %dma_start3A_68] : memref<10240x128xf32, #tpu.memory_space<vmem_shared>> -> memref<80x128xf32, #tpu.memory_space<vmem_shared>>
      tpu.enqueue_dma source(%dma_start3A_69 : memref<80x128xf32, #tpu.memory_space<vmem_shared>>) target(%arg8 : memref<80x128xf32, #tpu.memory_space<vmem>>) target_semaphore(%run_scoped3A : memref<!tpu.dma_semaphore, #tpu.memory_space<semaphore_mem>>)
      %dma_wait3A_70 = arith.constant 0 : i32
      %dma_wait3A_71 = tpu.memref_slice %arg9[%add3A_35, %dma_wait3A_70] : memref<10240x128xf32, #tpu.memory_space<vmem_shared>> -> memref<80x128xf32, #tpu.memory_space<vmem_shared>>
      %dma_wait3A_72 = arith.constant 0 : i32
      %dma_wait3A_73 = tpu.memref_slice %arg9[%add3A_35, %dma_wait3A_72] : memref<10240x128xf32, #tpu.memory_space<vmem_shared>> -> memref<80x128xf32, #tpu.memory_space<vmem_shared>>
      tpu.wait_dma2 semaphore(%run_scoped3A : memref<!tpu.dma_semaphore, #tpu.memory_space<semaphore_mem>>) src(%dma_wait3A_73 : memref<80x128xf32, #tpu.memory_space<vmem_shared>>) dst(%arg8 : memref<80x128xf32, #tpu.memory_space<vmem>>)
      tpu.yield
    }) : () -> ()
    %add3A_36 = arith.constant 0 : i32
    %add3A_37 = arith.addi %mul3A_0, %add3A_36 : i32
    "tpu.region"() ({
      %run_scoped3A = tpu.sem_alloc : memref<!tpu.dma_semaphore, #tpu.memory_space<semaphore_mem>>
      %dma_start3A_66 = arith.constant 0 : i32
      %dma_start3A_67 = tpu.memref_slice %arg5[%arg0, %add3A_37, %dma_start3A_66] : memref<2x10240x128xf32, #tpu.memory_space<hbm>> -> memref<1x80x128xf32, #tpu.memory_space<hbm>>
      %dma_start3A_68 = tpu.memref_squeeze %dma_start3A_67 : memref<1x80x128xf32, #tpu.memory_space<hbm>> -> memref<80x128xf32, #tpu.memory_space<hbm>>
      %dma_start3A_69 = arith.constant 0 : i32
      %dma_start3A_70 = tpu.memref_slice %arg5[%arg0, %add3A_37, %dma_start3A_69] : memref<2x10240x128xf32, #tpu.memory_space<hbm>> -> memref<1x80x128xf32, #tpu.memory_space<hbm>>
      %dma_start3A_71 = tpu.memref_squeeze %dma_start3A_70 : memref<1x80x128xf32, #tpu.memory_space<hbm>> -> memref<80x128xf32, #tpu.memory_space<hbm>>
      tpu.enqueue_dma source(%arg8 : memref<80x128xf32, #tpu.memory_space<vmem>>) target(%dma_start3A_71 : memref<80x128xf32, #tpu.memory_space<hbm>>) target_semaphore(%run_scoped3A : memref<!tpu.dma_semaphore, #tpu.memory_space<semaphore_mem>>)
      %dma_wait3A_72 = arith.constant 0 : i32
      %dma_wait3A_73 = tpu.memref_slice %arg5[%arg0, %add3A_37, %dma_wait3A_72] : memref<2x10240x128xf32, #tpu.memory_space<hbm>> -> memref<1x80x128xf32, #tpu.memory_space<hbm>>
      %dma_wait3A_74 = tpu.memref_squeeze %dma_wait3A_73 : memref<1x80x128xf32, #tpu.memory_space<hbm>> -> memref<80x128xf32, #tpu.memory_space<hbm>>
      %dma_wait3A_75 = arith.constant 0 : i32
      %dma_wait3A_76 = tpu.memref_slice %arg5[%arg0, %add3A_37, %dma_wait3A_75] : memref<2x10240x128xf32, #tpu.memory_space<hbm>> -> memref<1x80x128xf32, #tpu.memory_space<hbm>>
      %dma_wait3A_77 = tpu.memref_squeeze %dma_wait3A_76 : memref<1x80x128xf32, #tpu.memory_space<hbm>> -> memref<80x128xf32, #tpu.memory_space<hbm>>
      tpu.wait_dma2 semaphore(%run_scoped3A : memref<!tpu.dma_semaphore, #tpu.memory_space<semaphore_mem>>) src(%arg8 : memref<80x128xf32, #tpu.memory_space<vmem>>) dst(%dma_wait3A_77 : memref<80x128xf32, #tpu.memory_space<hbm>>)
      tpu.yield
    }) : () -> ()
    %add3A_38 = arith.constant 80 : i32
    %add3A_39 = arith.addi %mul3A_0, %add3A_38 : i32
    "tpu.region"() ({
      %run_scoped3A = tpu.sem_alloc : memref<!tpu.dma_semaphore, #tpu.memory_space<semaphore_mem>>
      %dma_start3A_66 = arith.constant 0 : i32
      %dma_start3A_67 = tpu.memref_slice %arg9[%add3A_39, %dma_start3A_66] : memref<10240x128xf32, #tpu.memory_space<vmem_shared>> -> memref<80x128xf32, #tpu.memory_space<vmem_shared>>
      %dma_start3A_68 = arith.constant 0 : i32
      %dma_start3A_69 = tpu.memref_slice %arg9[%add3A_39, %dma_start3A_68] : memref<10240x128xf32, #tpu.memory_space<vmem_shared>> -> memref<80x128xf32, #tpu.memory_space<vmem_shared>>
      tpu.enqueue_dma source(%dma_start3A_69 : memref<80x128xf32, #tpu.memory_space<vmem_shared>>) target(%arg8 : memref<80x128xf32, #tpu.memory_space<vmem>>) target_semaphore(%run_scoped3A : memref<!tpu.dma_semaphore, #tpu.memory_space<semaphore_mem>>)
      %dma_wait3A_70 = arith.constant 0 : i32
      %dma_wait3A_71 = tpu.memref_slice %arg9[%add3A_39, %dma_wait3A_70] : memref<10240x128xf32, #tpu.memory_space<vmem_shared>> -> memref<80x128xf32, #tpu.memory_space<vmem_shared>>
      %dma_wait3A_72 = arith.constant 0 : i32
      %dma_wait3A_73 = tpu.memref_slice %arg9[%add3A_39, %dma_wait3A_72] : memref<10240x128xf32, #tpu.memory_space<vmem_shared>> -> memref<80x128xf32, #tpu.memory_space<vmem_shared>>
      tpu.wait_dma2 semaphore(%run_scoped3A : memref<!tpu.dma_semaphore, #tpu.memory_space<semaphore_mem>>) src(%dma_wait3A_73 : memref<80x128xf32, #tpu.memory_space<vmem_shared>>) dst(%arg8 : memref<80x128xf32, #tpu.memory_space<vmem>>)
      tpu.yield
    }) : () -> ()
    %add3A_40 = arith.constant 80 : i32
    %add3A_41 = arith.addi %mul3A_0, %add3A_40 : i32
    "tpu.region"() ({
      %run_scoped3A = tpu.sem_alloc : memref<!tpu.dma_semaphore, #tpu.memory_space<semaphore_mem>>
      %dma_start3A_66 = arith.constant 0 : i32
      %dma_start3A_67 = tpu.memref_slice %arg5[%arg0, %add3A_41, %dma_start3A_66] : memref<2x10240x128xf32, #tpu.memory_space<hbm>> -> memref<1x80x128xf32, #tpu.memory_space<hbm>>
      %dma_start3A_68 = tpu.memref_squeeze %dma_start3A_67 : memref<1x80x128xf32, #tpu.memory_space<hbm>> -> memref<80x128xf32, #tpu.memory_space<hbm>>
      %dma_start3A_69 = arith.constant 0 : i32
      %dma_start3A_70 = tpu.memref_slice %arg5[%arg0, %add3A_41, %dma_start3A_69] : memref<2x10240x128xf32, #tpu.memory_space<hbm>> -> memref<1x80x128xf32, #tpu.memory_space<hbm>>
      %dma_start3A_71 = tpu.memref_squeeze %dma_start3A_70 : memref<1x80x128xf32, #tpu.memory_space<hbm>> -> memref<80x128xf32, #tpu.memory_space<hbm>>
      tpu.enqueue_dma source(%arg8 : memref<80x128xf32, #tpu.memory_space<vmem>>) target(%dma_start3A_71 : memref<80x128xf32, #tpu.memory_space<hbm>>) target_semaphore(%run_scoped3A : memref<!tpu.dma_semaphore, #tpu.memory_space<semaphore_mem>>)
      %dma_wait3A_72 = arith.constant 0 : i32
      %dma_wait3A_73 = tpu.memref_slice %arg5[%arg0, %add3A_41, %dma_wait3A_72] : memref<2x10240x128xf32, #tpu.memory_space<hbm>> -> memref<1x80x128xf32, #tpu.memory_space<hbm>>
      %dma_wait3A_74 = tpu.memref_squeeze %dma_wait3A_73 : memref<1x80x128xf32, #tpu.memory_space<hbm>> -> memref<80x128xf32, #tpu.memory_space<hbm>>
      %dma_wait3A_75 = arith.constant 0 : i32
      %dma_wait3A_76 = tpu.memref_slice %arg5[%arg0, %add3A_41, %dma_wait3A_75] : memref<2x10240x128xf32, #tpu.memory_space<hbm>> -> memref<1x80x128xf32, #tpu.memory_space<hbm>>
      %dma_wait3A_77 = tpu.memref_squeeze %dma_wait3A_76 : memref<1x80x128xf32, #tpu.memory_space<hbm>> -> memref<80x128xf32, #tpu.memory_space<hbm>>
      tpu.wait_dma2 semaphore(%run_scoped3A : memref<!tpu.dma_semaphore, #tpu.memory_space<semaphore_mem>>) src(%arg8 : memref<80x128xf32, #tpu.memory_space<vmem>>) dst(%dma_wait3A_77 : memref<80x128xf32, #tpu.memory_space<hbm>>)
      tpu.yield
    }) : () -> ()
    %add3A_42 = arith.constant 160 : i32
    %add3A_43 = arith.addi %mul3A_0, %add3A_42 : i32
    "tpu.region"() ({
      %run_scoped3A = tpu.sem_alloc : memref<!tpu.dma_semaphore, #tpu.memory_space<semaphore_mem>>
      %dma_start3A_66 = arith.constant 0 : i32
      %dma_start3A_67 = tpu.memref_slice %arg9[%add3A_43, %dma_start3A_66] : memref<10240x128xf32, #tpu.memory_space<vmem_shared>> -> memref<80x128xf32, #tpu.memory_space<vmem_shared>>
      %dma_start3A_68 = arith.constant 0 : i32
      %dma_start3A_69 = tpu.memref_slice %arg9[%add3A_43, %dma_start3A_68] : memref<10240x128xf32, #tpu.memory_space<vmem_shared>> -> memref<80x128xf32, #tpu.memory_space<vmem_shared>>
      tpu.enqueue_dma source(%dma_start3A_69 : memref<80x128xf32, #tpu.memory_space<vmem_shared>>) target(%arg8 : memref<80x128xf32, #tpu.memory_space<vmem>>) target_semaphore(%run_scoped3A : memref<!tpu.dma_semaphore, #tpu.memory_space<semaphore_mem>>)
      %dma_wait3A_70 = arith.constant 0 : i32
      %dma_wait3A_71 = tpu.memref_slice %arg9[%add3A_43, %dma_wait3A_70] : memref<10240x128xf32, #tpu.memory_space<vmem_shared>> -> memref<80x128xf32, #tpu.memory_space<vmem_shared>>
      %dma_wait3A_72 = arith.constant 0 : i32
      %dma_wait3A_73 = tpu.memref_slice %arg9[%add3A_43, %dma_wait3A_72] : memref<10240x128xf32, #tpu.memory_space<vmem_shared>> -> memref<80x128xf32, #tpu.memory_space<vmem_shared>>
      tpu.wait_dma2 semaphore(%run_scoped3A : memref<!tpu.dma_semaphore, #tpu.memory_space<semaphore_mem>>) src(%dma_wait3A_73 : memref<80x128xf32, #tpu.memory_space<vmem_shared>>) dst(%arg8 : memref<80x128xf32, #tpu.memory_space<vmem>>)
      tpu.yield
    }) : () -> ()
    %add3A_44 = arith.constant 160 : i32
    %add3A_45 = arith.addi %mul3A_0, %add3A_44 : i32
    "tpu.region"() ({
      %run_scoped3A = tpu.sem_alloc : memref<!tpu.dma_semaphore, #tpu.memory_space<semaphore_mem>>
      %dma_start3A_66 = arith.constant 0 : i32
      %dma_start3A_67 = tpu.memref_slice %arg5[%arg0, %add3A_45, %dma_start3A_66] : memref<2x10240x128xf32, #tpu.memory_space<hbm>> -> memref<1x80x128xf32, #tpu.memory_space<hbm>>
      %dma_start3A_68 = tpu.memref_squeeze %dma_start3A_67 : memref<1x80x128xf32, #tpu.memory_space<hbm>> -> memref<80x128xf32, #tpu.memory_space<hbm>>
      %dma_start3A_69 = arith.constant 0 : i32
      %dma_start3A_70 = tpu.memref_slice %arg5[%arg0, %add3A_45, %dma_start3A_69] : memref<2x10240x128xf32, #tpu.memory_space<hbm>> -> memref<1x80x128xf32, #tpu.memory_space<hbm>>
      %dma_start3A_71 = tpu.memref_squeeze %dma_start3A_70 : memref<1x80x128xf32, #tpu.memory_space<hbm>> -> memref<80x128xf32, #tpu.memory_space<hbm>>
      tpu.enqueue_dma source(%arg8 : memref<80x128xf32, #tpu.memory_space<vmem>>) target(%dma_start3A_71 : memref<80x128xf32, #tpu.memory_space<hbm>>) target_semaphore(%run_scoped3A : memref<!tpu.dma_semaphore, #tpu.memory_space<semaphore_mem>>)
      %dma_wait3A_72 = arith.constant 0 : i32
      %dma_wait3A_73 = tpu.memref_slice %arg5[%arg0, %add3A_45, %dma_wait3A_72] : memref<2x10240x128xf32, #tpu.memory_space<hbm>> -> memref<1x80x128xf32, #tpu.memory_space<hbm>>
      %dma_wait3A_74 = tpu.memref_squeeze %dma_wait3A_73 : memref<1x80x128xf32, #tpu.memory_space<hbm>> -> memref<80x128xf32, #tpu.memory_space<hbm>>
      %dma_wait3A_75 = arith.constant 0 : i32
      %dma_wait3A_76 = tpu.memref_slice %arg5[%arg0, %add3A_45, %dma_wait3A_75] : memref<2x10240x128xf32, #tpu.memory_space<hbm>> -> memref<1x80x128xf32, #tpu.memory_space<hbm>>
      %dma_wait3A_77 = tpu.memref_squeeze %dma_wait3A_76 : memref<1x80x128xf32, #tpu.memory_space<hbm>> -> memref<80x128xf32, #tpu.memory_space<hbm>>
      tpu.wait_dma2 semaphore(%run_scoped3A : memref<!tpu.dma_semaphore, #tpu.memory_space<semaphore_mem>>) src(%arg8 : memref<80x128xf32, #tpu.memory_space<vmem>>) dst(%dma_wait3A_77 : memref<80x128xf32, #tpu.memory_space<hbm>>)
      tpu.yield
    }) : () -> ()
    %add3A_46 = arith.constant 240 : i32
    %add3A_47 = arith.addi %mul3A_0, %add3A_46 : i32
    "tpu.region"() ({
      %run_scoped3A = tpu.sem_alloc : memref<!tpu.dma_semaphore, #tpu.memory_space<semaphore_mem>>
      %dma_start3A_66 = arith.constant 0 : i32
      %dma_start3A_67 = tpu.memref_slice %arg9[%add3A_47, %dma_start3A_66] : memref<10240x128xf32, #tpu.memory_space<vmem_shared>> -> memref<80x128xf32, #tpu.memory_space<vmem_shared>>
      %dma_start3A_68 = arith.constant 0 : i32
      %dma_start3A_69 = tpu.memref_slice %arg9[%add3A_47, %dma_start3A_68] : memref<10240x128xf32, #tpu.memory_space<vmem_shared>> -> memref<80x128xf32, #tpu.memory_space<vmem_shared>>
      tpu.enqueue_dma source(%dma_start3A_69 : memref<80x128xf32, #tpu.memory_space<vmem_shared>>) target(%arg8 : memref<80x128xf32, #tpu.memory_space<vmem>>) target_semaphore(%run_scoped3A : memref<!tpu.dma_semaphore, #tpu.memory_space<semaphore_mem>>)
      %dma_wait3A_70 = arith.constant 0 : i32
      %dma_wait3A_71 = tpu.memref_slice %arg9[%add3A_47, %dma_wait3A_70] : memref<10240x128xf32, #tpu.memory_space<vmem_shared>> -> memref<80x128xf32, #tpu.memory_space<vmem_shared>>
      %dma_wait3A_72 = arith.constant 0 : i32
      %dma_wait3A_73 = tpu.memref_slice %arg9[%add3A_47, %dma_wait3A_72] : memref<10240x128xf32, #tpu.memory_space<vmem_shared>> -> memref<80x128xf32, #tpu.memory_space<vmem_shared>>
      tpu.wait_dma2 semaphore(%run_scoped3A : memref<!tpu.dma_semaphore, #tpu.memory_space<semaphore_mem>>) src(%dma_wait3A_73 : memref<80x128xf32, #tpu.memory_space<vmem_shared>>) dst(%arg8 : memref<80x128xf32, #tpu.memory_space<vmem>>)
      tpu.yield
    }) : () -> ()
    %add3A_48 = arith.constant 240 : i32
    %add3A_49 = arith.addi %mul3A_0, %add3A_48 : i32
    "tpu.region"() ({
      %run_scoped3A = tpu.sem_alloc : memref<!tpu.dma_semaphore, #tpu.memory_space<semaphore_mem>>
      %dma_start3A_66 = arith.constant 0 : i32
      %dma_start3A_67 = tpu.memref_slice %arg5[%arg0, %add3A_49, %dma_start3A_66] : memref<2x10240x128xf32, #tpu.memory_space<hbm>> -> memref<1x80x128xf32, #tpu.memory_space<hbm>>
      %dma_start3A_68 = tpu.memref_squeeze %dma_start3A_67 : memref<1x80x128xf32, #tpu.memory_space<hbm>> -> memref<80x128xf32, #tpu.memory_space<hbm>>
      %dma_start3A_69 = arith.constant 0 : i32
      %dma_start3A_70 = tpu.memref_slice %arg5[%arg0, %add3A_49, %dma_start3A_69] : memref<2x10240x128xf32, #tpu.memory_space<hbm>> -> memref<1x80x128xf32, #tpu.memory_space<hbm>>
      %dma_start3A_71 = tpu.memref_squeeze %dma_start3A_70 : memref<1x80x128xf32, #tpu.memory_space<hbm>> -> memref<80x128xf32, #tpu.memory_space<hbm>>
      tpu.enqueue_dma source(%arg8 : memref<80x128xf32, #tpu.memory_space<vmem>>) target(%dma_start3A_71 : memref<80x128xf32, #tpu.memory_space<hbm>>) target_semaphore(%run_scoped3A : memref<!tpu.dma_semaphore, #tpu.memory_space<semaphore_mem>>)
      %dma_wait3A_72 = arith.constant 0 : i32
      %dma_wait3A_73 = tpu.memref_slice %arg5[%arg0, %add3A_49, %dma_wait3A_72] : memref<2x10240x128xf32, #tpu.memory_space<hbm>> -> memref<1x80x128xf32, #tpu.memory_space<hbm>>
      %dma_wait3A_74 = tpu.memref_squeeze %dma_wait3A_73 : memref<1x80x128xf32, #tpu.memory_space<hbm>> -> memref<80x128xf32, #tpu.memory_space<hbm>>
      %dma_wait3A_75 = arith.constant 0 : i32
      %dma_wait3A_76 = tpu.memref_slice %arg5[%arg0, %add3A_49, %dma_wait3A_75] : memref<2x10240x128xf32, #tpu.memory_space<hbm>> -> memref<1x80x128xf32, #tpu.memory_space<hbm>>
      %dma_wait3A_77 = tpu.memref_squeeze %dma_wait3A_76 : memref<1x80x128xf32, #tpu.memory_space<hbm>> -> memref<80x128xf32, #tpu.memory_space<hbm>>
      tpu.wait_dma2 semaphore(%run_scoped3A : memref<!tpu.dma_semaphore, #tpu.memory_space<semaphore_mem>>) src(%arg8 : memref<80x128xf32, #tpu.memory_space<vmem>>) dst(%dma_wait3A_77 : memref<80x128xf32, #tpu.memory_space<hbm>>)
      tpu.yield
    }) : () -> ()
    %add3A_50 = arith.constant 320 : i32
    %add3A_51 = arith.addi %mul3A_0, %add3A_50 : i32
    "tpu.region"() ({
      %run_scoped3A = tpu.sem_alloc : memref<!tpu.dma_semaphore, #tpu.memory_space<semaphore_mem>>
      %dma_start3A_66 = arith.constant 0 : i32
      %dma_start3A_67 = tpu.memref_slice %arg9[%add3A_51, %dma_start3A_66] : memref<10240x128xf32, #tpu.memory_space<vmem_shared>> -> memref<80x128xf32, #tpu.memory_space<vmem_shared>>
      %dma_start3A_68 = arith.constant 0 : i32
      %dma_start3A_69 = tpu.memref_slice %arg9[%add3A_51, %dma_start3A_68] : memref<10240x128xf32, #tpu.memory_space<vmem_shared>> -> memref<80x128xf32, #tpu.memory_space<vmem_shared>>
      tpu.enqueue_dma source(%dma_start3A_69 : memref<80x128xf32, #tpu.memory_space<vmem_shared>>) target(%arg8 : memref<80x128xf32, #tpu.memory_space<vmem>>) target_semaphore(%run_scoped3A : memref<!tpu.dma_semaphore, #tpu.memory_space<semaphore_mem>>)
      %dma_wait3A_70 = arith.constant 0 : i32
      %dma_wait3A_71 = tpu.memref_slice %arg9[%add3A_51, %dma_wait3A_70] : memref<10240x128xf32, #tpu.memory_space<vmem_shared>> -> memref<80x128xf32, #tpu.memory_space<vmem_shared>>
      %dma_wait3A_72 = arith.constant 0 : i32
      %dma_wait3A_73 = tpu.memref_slice %arg9[%add3A_51, %dma_wait3A_72] : memref<10240x128xf32, #tpu.memory_space<vmem_shared>> -> memref<80x128xf32, #tpu.memory_space<vmem_shared>>
      tpu.wait_dma2 semaphore(%run_scoped3A : memref<!tpu.dma_semaphore, #tpu.memory_space<semaphore_mem>>) src(%dma_wait3A_73 : memref<80x128xf32, #tpu.memory_space<vmem_shared>>) dst(%arg8 : memref<80x128xf32, #tpu.memory_space<vmem>>)
      tpu.yield
    }) : () -> ()
    %add3A_52 = arith.constant 320 : i32
    %add3A_53 = arith.addi %mul3A_0, %add3A_52 : i32
    "tpu.region"() ({
      %run_scoped3A = tpu.sem_alloc : memref<!tpu.dma_semaphore, #tpu.memory_space<semaphore_mem>>
      %dma_start3A_66 = arith.constant 0 : i32
      %dma_start3A_67 = tpu.memref_slice %arg5[%arg0, %add3A_53, %dma_start3A_66] : memref<2x10240x128xf32, #tpu.memory_space<hbm>> -> memref<1x80x128xf32, #tpu.memory_space<hbm>>
      %dma_start3A_68 = tpu.memref_squeeze %dma_start3A_67 : memref<1x80x128xf32, #tpu.memory_space<hbm>> -> memref<80x128xf32, #tpu.memory_space<hbm>>
      %dma_start3A_69 = arith.constant 0 : i32
      %dma_start3A_70 = tpu.memref_slice %arg5[%arg0, %add3A_53, %dma_start3A_69] : memref<2x10240x128xf32, #tpu.memory_space<hbm>> -> memref<1x80x128xf32, #tpu.memory_space<hbm>>
      %dma_start3A_71 = tpu.memref_squeeze %dma_start3A_70 : memref<1x80x128xf32, #tpu.memory_space<hbm>> -> memref<80x128xf32, #tpu.memory_space<hbm>>
      tpu.enqueue_dma source(%arg8 : memref<80x128xf32, #tpu.memory_space<vmem>>) target(%dma_start3A_71 : memref<80x128xf32, #tpu.memory_space<hbm>>) target_semaphore(%run_scoped3A : memref<!tpu.dma_semaphore, #tpu.memory_space<semaphore_mem>>)
      %dma_wait3A_72 = arith.constant 0 : i32
      %dma_wait3A_73 = tpu.memref_slice %arg5[%arg0, %add3A_53, %dma_wait3A_72] : memref<2x10240x128xf32, #tpu.memory_space<hbm>> -> memref<1x80x128xf32, #tpu.memory_space<hbm>>
      %dma_wait3A_74 = tpu.memref_squeeze %dma_wait3A_73 : memref<1x80x128xf32, #tpu.memory_space<hbm>> -> memref<80x128xf32, #tpu.memory_space<hbm>>
      %dma_wait3A_75 = arith.constant 0 : i32
      %dma_wait3A_76 = tpu.memref_slice %arg5[%arg0, %add3A_53, %dma_wait3A_75] : memref<2x10240x128xf32, #tpu.memory_space<hbm>> -> memref<1x80x128xf32, #tpu.memory_space<hbm>>
      %dma_wait3A_77 = tpu.memref_squeeze %dma_wait3A_76 : memref<1x80x128xf32, #tpu.memory_space<hbm>> -> memref<80x128xf32, #tpu.memory_space<hbm>>
      tpu.wait_dma2 semaphore(%run_scoped3A : memref<!tpu.dma_semaphore, #tpu.memory_space<semaphore_mem>>) src(%arg8 : memref<80x128xf32, #tpu.memory_space<vmem>>) dst(%dma_wait3A_77 : memref<80x128xf32, #tpu.memory_space<hbm>>)
      tpu.yield
    }) : () -> ()
    %add3A_54 = arith.constant 400 : i32
    %add3A_55 = arith.addi %mul3A_0, %add3A_54 : i32
    "tpu.region"() ({
      %run_scoped3A = tpu.sem_alloc : memref<!tpu.dma_semaphore, #tpu.memory_space<semaphore_mem>>
      %dma_start3A_66 = arith.constant 0 : i32
      %dma_start3A_67 = tpu.memref_slice %arg9[%add3A_55, %dma_start3A_66] : memref<10240x128xf32, #tpu.memory_space<vmem_shared>> -> memref<80x128xf32, #tpu.memory_space<vmem_shared>>
      %dma_start3A_68 = arith.constant 0 : i32
      %dma_start3A_69 = tpu.memref_slice %arg9[%add3A_55, %dma_start3A_68] : memref<10240x128xf32, #tpu.memory_space<vmem_shared>> -> memref<80x128xf32, #tpu.memory_space<vmem_shared>>
      tpu.enqueue_dma source(%dma_start3A_69 : memref<80x128xf32, #tpu.memory_space<vmem_shared>>) target(%arg8 : memref<80x128xf32, #tpu.memory_space<vmem>>) target_semaphore(%run_scoped3A : memref<!tpu.dma_semaphore, #tpu.memory_space<semaphore_mem>>)
      %dma_wait3A_70 = arith.constant 0 : i32
      %dma_wait3A_71 = tpu.memref_slice %arg9[%add3A_55, %dma_wait3A_70] : memref<10240x128xf32, #tpu.memory_space<vmem_shared>> -> memref<80x128xf32, #tpu.memory_space<vmem_shared>>
      %dma_wait3A_72 = arith.constant 0 : i32
      %dma_wait3A_73 = tpu.memref_slice %arg9[%add3A_55, %dma_wait3A_72] : memref<10240x128xf32, #tpu.memory_space<vmem_shared>> -> memref<80x128xf32, #tpu.memory_space<vmem_shared>>
      tpu.wait_dma2 semaphore(%run_scoped3A : memref<!tpu.dma_semaphore, #tpu.memory_space<semaphore_mem>>) src(%dma_wait3A_73 : memref<80x128xf32, #tpu.memory_space<vmem_shared>>) dst(%arg8 : memref<80x128xf32, #tpu.memory_space<vmem>>)
      tpu.yield
    }) : () -> ()
    %add3A_56 = arith.constant 400 : i32
    %add3A_57 = arith.addi %mul3A_0, %add3A_56 : i32
    "tpu.region"() ({
      %run_scoped3A = tpu.sem_alloc : memref<!tpu.dma_semaphore, #tpu.memory_space<semaphore_mem>>
      %dma_start3A_66 = arith.constant 0 : i32
      %dma_start3A_67 = tpu.memref_slice %arg5[%arg0, %add3A_57, %dma_start3A_66] : memref<2x10240x128xf32, #tpu.memory_space<hbm>> -> memref<1x80x128xf32, #tpu.memory_space<hbm>>
      %dma_start3A_68 = tpu.memref_squeeze %dma_start3A_67 : memref<1x80x128xf32, #tpu.memory_space<hbm>> -> memref<80x128xf32, #tpu.memory_space<hbm>>
      %dma_start3A_69 = arith.constant 0 : i32
      %dma_start3A_70 = tpu.memref_slice %arg5[%arg0, %add3A_57, %dma_start3A_69] : memref<2x10240x128xf32, #tpu.memory_space<hbm>> -> memref<1x80x128xf32, #tpu.memory_space<hbm>>
      %dma_start3A_71 = tpu.memref_squeeze %dma_start3A_70 : memref<1x80x128xf32, #tpu.memory_space<hbm>> -> memref<80x128xf32, #tpu.memory_space<hbm>>
      tpu.enqueue_dma source(%arg8 : memref<80x128xf32, #tpu.memory_space<vmem>>) target(%dma_start3A_71 : memref<80x128xf32, #tpu.memory_space<hbm>>) target_semaphore(%run_scoped3A : memref<!tpu.dma_semaphore, #tpu.memory_space<semaphore_mem>>)
      %dma_wait3A_72 = arith.constant 0 : i32
      %dma_wait3A_73 = tpu.memref_slice %arg5[%arg0, %add3A_57, %dma_wait3A_72] : memref<2x10240x128xf32, #tpu.memory_space<hbm>> -> memref<1x80x128xf32, #tpu.memory_space<hbm>>
      %dma_wait3A_74 = tpu.memref_squeeze %dma_wait3A_73 : memref<1x80x128xf32, #tpu.memory_space<hbm>> -> memref<80x128xf32, #tpu.memory_space<hbm>>
      %dma_wait3A_75 = arith.constant 0 : i32
      %dma_wait3A_76 = tpu.memref_slice %arg5[%arg0, %add3A_57, %dma_wait3A_75] : memref<2x10240x128xf32, #tpu.memory_space<hbm>> -> memref<1x80x128xf32, #tpu.memory_space<hbm>>
      %dma_wait3A_77 = tpu.memref_squeeze %dma_wait3A_76 : memref<1x80x128xf32, #tpu.memory_space<hbm>> -> memref<80x128xf32, #tpu.memory_space<hbm>>
      tpu.wait_dma2 semaphore(%run_scoped3A : memref<!tpu.dma_semaphore, #tpu.memory_space<semaphore_mem>>) src(%arg8 : memref<80x128xf32, #tpu.memory_space<vmem>>) dst(%dma_wait3A_77 : memref<80x128xf32, #tpu.memory_space<hbm>>)
      tpu.yield
    }) : () -> ()
    %add3A_58 = arith.constant 480 : i32
    %add3A_59 = arith.addi %mul3A_0, %add3A_58 : i32
    "tpu.region"() ({
      %run_scoped3A = tpu.sem_alloc : memref<!tpu.dma_semaphore, #tpu.memory_space<semaphore_mem>>
      %dma_start3A_66 = arith.constant 0 : i32
      %dma_start3A_67 = tpu.memref_slice %arg9[%add3A_59, %dma_start3A_66] : memref<10240x128xf32, #tpu.memory_space<vmem_shared>> -> memref<80x128xf32, #tpu.memory_space<vmem_shared>>
      %dma_start3A_68 = arith.constant 0 : i32
      %dma_start3A_69 = tpu.memref_slice %arg9[%add3A_59, %dma_start3A_68] : memref<10240x128xf32, #tpu.memory_space<vmem_shared>> -> memref<80x128xf32, #tpu.memory_space<vmem_shared>>
      tpu.enqueue_dma source(%dma_start3A_69 : memref<80x128xf32, #tpu.memory_space<vmem_shared>>) target(%arg8 : memref<80x128xf32, #tpu.memory_space<vmem>>) target_semaphore(%run_scoped3A : memref<!tpu.dma_semaphore, #tpu.memory_space<semaphore_mem>>)
      %dma_wait3A_70 = arith.constant 0 : i32
      %dma_wait3A_71 = tpu.memref_slice %arg9[%add3A_59, %dma_wait3A_70] : memref<10240x128xf32, #tpu.memory_space<vmem_shared>> -> memref<80x128xf32, #tpu.memory_space<vmem_shared>>
      %dma_wait3A_72 = arith.constant 0 : i32
      %dma_wait3A_73 = tpu.memref_slice %arg9[%add3A_59, %dma_wait3A_72] : memref<10240x128xf32, #tpu.memory_space<vmem_shared>> -> memref<80x128xf32, #tpu.memory_space<vmem_shared>>
      tpu.wait_dma2 semaphore(%run_scoped3A : memref<!tpu.dma_semaphore, #tpu.memory_space<semaphore_mem>>) src(%dma_wait3A_73 : memref<80x128xf32, #tpu.memory_space<vmem_shared>>) dst(%arg8 : memref<80x128xf32, #tpu.memory_space<vmem>>)
      tpu.yield
    }) : () -> ()
    %add3A_60 = arith.constant 480 : i32
    %add3A_61 = arith.addi %mul3A_0, %add3A_60 : i32
    "tpu.region"() ({
      %run_scoped3A = tpu.sem_alloc : memref<!tpu.dma_semaphore, #tpu.memory_space<semaphore_mem>>
      %dma_start3A_66 = arith.constant 0 : i32
      %dma_start3A_67 = tpu.memref_slice %arg5[%arg0, %add3A_61, %dma_start3A_66] : memref<2x10240x128xf32, #tpu.memory_space<hbm>> -> memref<1x80x128xf32, #tpu.memory_space<hbm>>
      %dma_start3A_68 = tpu.memref_squeeze %dma_start3A_67 : memref<1x80x128xf32, #tpu.memory_space<hbm>> -> memref<80x128xf32, #tpu.memory_space<hbm>>
      %dma_start3A_69 = arith.constant 0 : i32
      %dma_start3A_70 = tpu.memref_slice %arg5[%arg0, %add3A_61, %dma_start3A_69] : memref<2x10240x128xf32, #tpu.memory_space<hbm>> -> memref<1x80x128xf32, #tpu.memory_space<hbm>>
      %dma_start3A_71 = tpu.memref_squeeze %dma_start3A_70 : memref<1x80x128xf32, #tpu.memory_space<hbm>> -> memref<80x128xf32, #tpu.memory_space<hbm>>
      tpu.enqueue_dma source(%arg8 : memref<80x128xf32, #tpu.memory_space<vmem>>) target(%dma_start3A_71 : memref<80x128xf32, #tpu.memory_space<hbm>>) target_semaphore(%run_scoped3A : memref<!tpu.dma_semaphore, #tpu.memory_space<semaphore_mem>>)
      %dma_wait3A_72 = arith.constant 0 : i32
      %dma_wait3A_73 = tpu.memref_slice %arg5[%arg0, %add3A_61, %dma_wait3A_72] : memref<2x10240x128xf32, #tpu.memory_space<hbm>> -> memref<1x80x128xf32, #tpu.memory_space<hbm>>
      %dma_wait3A_74 = tpu.memref_squeeze %dma_wait3A_73 : memref<1x80x128xf32, #tpu.memory_space<hbm>> -> memref<80x128xf32, #tpu.memory_space<hbm>>
      %dma_wait3A_75 = arith.constant 0 : i32
      %dma_wait3A_76 = tpu.memref_slice %arg5[%arg0, %add3A_61, %dma_wait3A_75] : memref<2x10240x128xf32, #tpu.memory_space<hbm>> -> memref<1x80x128xf32, #tpu.memory_space<hbm>>
      %dma_wait3A_77 = tpu.memref_squeeze %dma_wait3A_76 : memref<1x80x128xf32, #tpu.memory_space<hbm>> -> memref<80x128xf32, #tpu.memory_space<hbm>>
      tpu.wait_dma2 semaphore(%run_scoped3A : memref<!tpu.dma_semaphore, #tpu.memory_space<semaphore_mem>>) src(%arg8 : memref<80x128xf32, #tpu.memory_space<vmem>>) dst(%dma_wait3A_77 : memref<80x128xf32, #tpu.memory_space<hbm>>)
      tpu.yield
    }) : () -> ()
    %add3A_62 = arith.constant 560 : i32
    %add3A_63 = arith.addi %mul3A_0, %add3A_62 : i32
    "tpu.region"() ({
      %run_scoped3A = tpu.sem_alloc : memref<!tpu.dma_semaphore, #tpu.memory_space<semaphore_mem>>
      %dma_start3A_66 = arith.constant 0 : i32
      %dma_start3A_67 = tpu.memref_slice %arg9[%add3A_63, %dma_start3A_66] : memref<10240x128xf32, #tpu.memory_space<vmem_shared>> -> memref<80x128xf32, #tpu.memory_space<vmem_shared>>
      %dma_start3A_68 = arith.constant 0 : i32
      %dma_start3A_69 = tpu.memref_slice %arg9[%add3A_63, %dma_start3A_68] : memref<10240x128xf32, #tpu.memory_space<vmem_shared>> -> memref<80x128xf32, #tpu.memory_space<vmem_shared>>
      tpu.enqueue_dma source(%dma_start3A_69 : memref<80x128xf32, #tpu.memory_space<vmem_shared>>) target(%arg8 : memref<80x128xf32, #tpu.memory_space<vmem>>) target_semaphore(%run_scoped3A : memref<!tpu.dma_semaphore, #tpu.memory_space<semaphore_mem>>)
      %dma_wait3A_70 = arith.constant 0 : i32
      %dma_wait3A_71 = tpu.memref_slice %arg9[%add3A_63, %dma_wait3A_70] : memref<10240x128xf32, #tpu.memory_space<vmem_shared>> -> memref<80x128xf32, #tpu.memory_space<vmem_shared>>
      %dma_wait3A_72 = arith.constant 0 : i32
      %dma_wait3A_73 = tpu.memref_slice %arg9[%add3A_63, %dma_wait3A_72] : memref<10240x128xf32, #tpu.memory_space<vmem_shared>> -> memref<80x128xf32, #tpu.memory_space<vmem_shared>>
      tpu.wait_dma2 semaphore(%run_scoped3A : memref<!tpu.dma_semaphore, #tpu.memory_space<semaphore_mem>>) src(%dma_wait3A_73 : memref<80x128xf32, #tpu.memory_space<vmem_shared>>) dst(%arg8 : memref<80x128xf32, #tpu.memory_space<vmem>>)
      tpu.yield
    }) : () -> ()
    %add3A_64 = arith.constant 560 : i32
    %add3A_65 = arith.addi %mul3A_0, %add3A_64 : i32
    "tpu.region"() ({
      %run_scoped3A = tpu.sem_alloc : memref<!tpu.dma_semaphore, #tpu.memory_space<semaphore_mem>>
      %dma_start3A_66 = arith.constant 0 : i32
      %dma_start3A_67 = tpu.memref_slice %arg5[%arg0, %add3A_65, %dma_start3A_66] : memref<2x10240x128xf32, #tpu.memory_space<hbm>> -> memref<1x80x128xf32, #tpu.memory_space<hbm>>
      %dma_start3A_68 = tpu.memref_squeeze %dma_start3A_67 : memref<1x80x128xf32, #tpu.memory_space<hbm>> -> memref<80x128xf32, #tpu.memory_space<hbm>>
      %dma_start3A_69 = arith.constant 0 : i32
      %dma_start3A_70 = tpu.memref_slice %arg5[%arg0, %add3A_65, %dma_start3A_69] : memref<2x10240x128xf32, #tpu.memory_space<hbm>> -> memref<1x80x128xf32, #tpu.memory_space<hbm>>
      %dma_start3A_71 = tpu.memref_squeeze %dma_start3A_70 : memref<1x80x128xf32, #tpu.memory_space<hbm>> -> memref<80x128xf32, #tpu.memory_space<hbm>>
      tpu.enqueue_dma source(%arg8 : memref<80x128xf32, #tpu.memory_space<vmem>>) target(%dma_start3A_71 : memref<80x128xf32, #tpu.memory_space<hbm>>) target_semaphore(%run_scoped3A : memref<!tpu.dma_semaphore, #tpu.memory_space<semaphore_mem>>)
      %dma_wait3A_72 = arith.constant 0 : i32
      %dma_wait3A_73 = tpu.memref_slice %arg5[%arg0, %add3A_65, %dma_wait3A_72] : memref<2x10240x128xf32, #tpu.memory_space<hbm>> -> memref<1x80x128xf32, #tpu.memory_space<hbm>>
      %dma_wait3A_74 = tpu.memref_squeeze %dma_wait3A_73 : memref<1x80x128xf32, #tpu.memory_space<hbm>> -> memref<80x128xf32, #tpu.memory_space<hbm>>
      %dma_wait3A_75 = arith.constant 0 : i32
      %dma_wait3A_76 = tpu.memref_slice %arg5[%arg0, %add3A_65, %dma_wait3A_75] : memref<2x10240x128xf32, #tpu.memory_space<hbm>> -> memref<1x80x128xf32, #tpu.memory_space<hbm>>
      %dma_wait3A_77 = tpu.memref_squeeze %dma_wait3A_76 : memref<1x80x128xf32, #tpu.memory_space<hbm>> -> memref<80x128xf32, #tpu.memory_space<hbm>>
      tpu.wait_dma2 semaphore(%run_scoped3A : memref<!tpu.dma_semaphore, #tpu.memory_space<semaphore_mem>>) src(%arg8 : memref<80x128xf32, #tpu.memory_space<vmem>>) dst(%dma_wait3A_77 : memref<80x128xf32, #tpu.memory_space<hbm>>)
      tpu.yield
    }) : () -> ()
    return
  }
}

#map = affine_map<(d0, d1) -> (0, 0)>
#map1 = affine_map<(d0, d1) -> (0, 0, 0)>
module attributes {stable_mosaic.version = 14 : i64} {
  func.func @_agg_body(%arg0: i32, %arg1: i32, %arg2: memref<20000x128xf32, #tpu.memory_space<hbm>>, %arg3: memref<2x16x10000xi32, #tpu.memory_space<hbm>>, %arg4: memref<16x125x80xi32, #tpu.memory_space<hbm>>, %arg5: memref<128x128xf32, #tpu.memory_space<hbm>>, %arg6: memref<2x10240x128xf32, #tpu.memory_space<hbm>>, %arg7: memref<10000xi32, #tpu.memory_space<vmem>>, %arg8: memref<125x80xi32, #tpu.memory_space<vmem>>, %arg9: memref<160x128xf32, #tpu.memory_space<vmem>>, %arg10: memref<10240x128xf32, #tpu.memory_space<vmem_shared>>, %arg11: memref<!tpu.dma_semaphore, #tpu.memory_space<semaphore_mem>>, %arg12: memref<!tpu.dma_semaphore, #tpu.memory_space<semaphore_mem>>) attributes {dimension_semantics = [#tpu.dimension_semantics<core_parallel>, #tpu.dimension_semantics<subcore_parallel>], iteration_bounds = array<i64: 2, 16>, scalar_prefetch = 0 : i64, scratch_operands = 6 : i64, tpu.core_type = #tpu.core_type<sc_vector_subcore>, window_params = [{transform_indices = #map}, {transform_indices = #map1}, {transform_indices = #map1}, {transform_indices = #map}, {transform_indices = #map1}]} {
    "tpu.region"() ({
      %run_scoped3A_50 = tpu.sem_alloc : memref<!tpu.dma_semaphore, #tpu.memory_space<semaphore_mem>>
      %dma_start3A_51 = arith.constant 0 : i32
      %dma_start3A_52 = tpu.memref_slice %arg3[%arg0, %arg1, %dma_start3A_51] : memref<2x16x10000xi32, #tpu.memory_space<hbm>> -> memref<1x1x10000xi32, #tpu.memory_space<hbm>>
      %dma_start3A_53 = tpu.memref_squeeze %dma_start3A_52 : memref<1x1x10000xi32, #tpu.memory_space<hbm>> -> memref<10000xi32, #tpu.memory_space<hbm>>
      %dma_start3A_54 = arith.constant 0 : i32
      %dma_start3A_55 = tpu.memref_slice %arg3[%arg0, %arg1, %dma_start3A_54] : memref<2x16x10000xi32, #tpu.memory_space<hbm>> -> memref<1x1x10000xi32, #tpu.memory_space<hbm>>
      %dma_start3A_56 = tpu.memref_squeeze %dma_start3A_55 : memref<1x1x10000xi32, #tpu.memory_space<hbm>> -> memref<10000xi32, #tpu.memory_space<hbm>>
      tpu.enqueue_dma source(%dma_start3A_56 : memref<10000xi32, #tpu.memory_space<hbm>>) target(%arg7 : memref<10000xi32, #tpu.memory_space<vmem>>) target_semaphore(%run_scoped3A_50 : memref<!tpu.dma_semaphore, #tpu.memory_space<semaphore_mem>>)
      %dma_wait3A_57 = arith.constant 0 : i32
      %dma_wait3A_58 = tpu.memref_slice %arg3[%arg0, %arg1, %dma_wait3A_57] : memref<2x16x10000xi32, #tpu.memory_space<hbm>> -> memref<1x1x10000xi32, #tpu.memory_space<hbm>>
      %dma_wait3A_59 = tpu.memref_squeeze %dma_wait3A_58 : memref<1x1x10000xi32, #tpu.memory_space<hbm>> -> memref<10000xi32, #tpu.memory_space<hbm>>
      %dma_wait3A_60 = arith.constant 0 : i32
      %dma_wait3A_61 = tpu.memref_slice %arg3[%arg0, %arg1, %dma_wait3A_60] : memref<2x16x10000xi32, #tpu.memory_space<hbm>> -> memref<1x1x10000xi32, #tpu.memory_space<hbm>>
      %dma_wait3A_62 = tpu.memref_squeeze %dma_wait3A_61 : memref<1x1x10000xi32, #tpu.memory_space<hbm>> -> memref<10000xi32, #tpu.memory_space<hbm>>
      tpu.wait_dma2 semaphore(%run_scoped3A_50 : memref<!tpu.dma_semaphore, #tpu.memory_space<semaphore_mem>>) src(%dma_wait3A_62 : memref<10000xi32, #tpu.memory_space<hbm>>) dst(%arg7 : memref<10000xi32, #tpu.memory_space<vmem>>)
      tpu.yield
    }) : () -> ()
    "tpu.region"() ({
      %run_scoped3A_50 = tpu.sem_alloc : memref<!tpu.dma_semaphore, #tpu.memory_space<semaphore_mem>>
      %dma_start3A_51 = arith.constant 0 : i32
      %dma_start3A_52 = arith.constant 0 : i32
      %dma_start3A_53 = tpu.memref_slice %arg4[%arg1, %dma_start3A_51, %dma_start3A_52] : memref<16x125x80xi32, #tpu.memory_space<hbm>> -> memref<1x125x80xi32, #tpu.memory_space<hbm>>
      %dma_start3A_54 = tpu.memref_squeeze %dma_start3A_53 : memref<1x125x80xi32, #tpu.memory_space<hbm>> -> memref<125x80xi32, #tpu.memory_space<hbm>>
      %dma_start3A_55 = arith.constant 0 : i32
      %dma_start3A_56 = arith.constant 0 : i32
      %dma_start3A_57 = tpu.memref_slice %arg4[%arg1, %dma_start3A_55, %dma_start3A_56] : memref<16x125x80xi32, #tpu.memory_space<hbm>> -> memref<1x125x80xi32, #tpu.memory_space<hbm>>
      %dma_start3A_58 = tpu.memref_squeeze %dma_start3A_57 : memref<1x125x80xi32, #tpu.memory_space<hbm>> -> memref<125x80xi32, #tpu.memory_space<hbm>>
      tpu.enqueue_dma source(%dma_start3A_58 : memref<125x80xi32, #tpu.memory_space<hbm>>) target(%arg8 : memref<125x80xi32, #tpu.memory_space<vmem>>) target_semaphore(%run_scoped3A_50 : memref<!tpu.dma_semaphore, #tpu.memory_space<semaphore_mem>>)
      %dma_wait3A_59 = arith.constant 0 : i32
      %dma_wait3A_60 = arith.constant 0 : i32
      %dma_wait3A_61 = tpu.memref_slice %arg4[%arg1, %dma_wait3A_59, %dma_wait3A_60] : memref<16x125x80xi32, #tpu.memory_space<hbm>> -> memref<1x125x80xi32, #tpu.memory_space<hbm>>
      %dma_wait3A_62 = tpu.memref_squeeze %dma_wait3A_61 : memref<1x125x80xi32, #tpu.memory_space<hbm>> -> memref<125x80xi32, #tpu.memory_space<hbm>>
      %dma_wait3A_63 = arith.constant 0 : i32
      %dma_wait3A_64 = arith.constant 0 : i32
      %dma_wait3A_65 = tpu.memref_slice %arg4[%arg1, %dma_wait3A_63, %dma_wait3A_64] : memref<16x125x80xi32, #tpu.memory_space<hbm>> -> memref<1x125x80xi32, #tpu.memory_space<hbm>>
      %dma_wait3A_66 = tpu.memref_squeeze %dma_wait3A_65 : memref<1x125x80xi32, #tpu.memory_space<hbm>> -> memref<125x80xi32, #tpu.memory_space<hbm>>
      tpu.wait_dma2 semaphore(%run_scoped3A_50 : memref<!tpu.dma_semaphore, #tpu.memory_space<semaphore_mem>>) src(%dma_wait3A_66 : memref<125x80xi32, #tpu.memory_space<hbm>>) dst(%arg8 : memref<125x80xi32, #tpu.memory_space<vmem>>)
      tpu.yield
    }) : () -> ()
    "tpu.region"() ({
      %run_scoped3A_50 = tpu.sem_alloc : memref<!tpu.dma_semaphore, #tpu.memory_space<semaphore_mem>>
      %dma_start3A_51 = arith.constant 0 : i32
      %dma_start3A_52 = arith.constant 0 : i32
      %dma_start3A_53 = tpu.memref_slice %arg9[%dma_start3A_51, %dma_start3A_52] : memref<160x128xf32, #tpu.memory_space<vmem>> -> memref<128x128xf32, #tpu.memory_space<vmem>>
      %dma_start3A_54 = arith.constant 0 : i32
      %dma_start3A_55 = arith.constant 0 : i32
      %dma_start3A_56 = tpu.memref_slice %arg9[%dma_start3A_54, %dma_start3A_55] : memref<160x128xf32, #tpu.memory_space<vmem>> -> memref<128x128xf32, #tpu.memory_space<vmem>>
      tpu.enqueue_dma source(%arg5 : memref<128x128xf32, #tpu.memory_space<hbm>>) target(%dma_start3A_56 : memref<128x128xf32, #tpu.memory_space<vmem>>) target_semaphore(%run_scoped3A_50 : memref<!tpu.dma_semaphore, #tpu.memory_space<semaphore_mem>>)
      %dma_wait3A_57 = arith.constant 0 : i32
      %dma_wait3A_58 = arith.constant 0 : i32
      %dma_wait3A_59 = tpu.memref_slice %arg9[%dma_wait3A_57, %dma_wait3A_58] : memref<160x128xf32, #tpu.memory_space<vmem>> -> memref<128x128xf32, #tpu.memory_space<vmem>>
      %dma_wait3A_60 = arith.constant 0 : i32
      %dma_wait3A_61 = arith.constant 0 : i32
      %dma_wait3A_62 = tpu.memref_slice %arg9[%dma_wait3A_60, %dma_wait3A_61] : memref<160x128xf32, #tpu.memory_space<vmem>> -> memref<128x128xf32, #tpu.memory_space<vmem>>
      tpu.wait_dma2 semaphore(%run_scoped3A_50 : memref<!tpu.dma_semaphore, #tpu.memory_space<semaphore_mem>>) src(%arg5 : memref<128x128xf32, #tpu.memory_space<hbm>>) dst(%dma_wait3A_62 : memref<128x128xf32, #tpu.memory_space<vmem>>)
      tpu.yield
    }) : () -> ()
    %mul3A = arith.constant 640 : i32
    %mul3A_0 = arith.muli %arg1, %mul3A : i32
    %add3A = arith.constant 0 : i32
    %add3A_1 = arith.addi %mul3A_0, %add3A : i32
    "tpu.region"() ({
      %run_scoped3A_50 = tpu.sem_alloc : memref<!tpu.dma_semaphore, #tpu.memory_space<semaphore_mem>>
      %dma_start3A_51 = arith.constant 0 : i32
      %dma_start3A_52 = arith.constant 0 : i32
      %dma_start3A_53 = tpu.memref_slice %arg9[%dma_start3A_51, %dma_start3A_52] : memref<160x128xf32, #tpu.memory_space<vmem>> -> memref<128x128xf32, #tpu.memory_space<vmem>>
      %dma_start3A_54 = arith.constant 0 : i32
      %dma_start3A_55 = tpu.memref_slice %arg10[%add3A_1, %dma_start3A_54] : memref<10240x128xf32, #tpu.memory_space<vmem_shared>> -> memref<128x128xf32, #tpu.memory_space<vmem_shared>>
      %dma_start3A_56 = arith.constant 0 : i32
      %dma_start3A_57 = tpu.memref_slice %arg10[%add3A_1, %dma_start3A_56] : memref<10240x128xf32, #tpu.memory_space<vmem_shared>> -> memref<128x128xf32, #tpu.memory_space<vmem_shared>>
      %dma_start3A_58 = arith.constant 0 : i32
      %dma_start3A_59 = arith.constant 0 : i32
      %dma_start3A_60 = tpu.memref_slice %arg9[%dma_start3A_58, %dma_start3A_59] : memref<160x128xf32, #tpu.memory_space<vmem>> -> memref<128x128xf32, #tpu.memory_space<vmem>>
      tpu.enqueue_dma source(%dma_start3A_60 : memref<128x128xf32, #tpu.memory_space<vmem>>) target(%dma_start3A_57 : memref<128x128xf32, #tpu.memory_space<vmem_shared>>) target_semaphore(%run_scoped3A_50 : memref<!tpu.dma_semaphore, #tpu.memory_space<semaphore_mem>>)
      %dma_wait3A_61 = arith.constant 0 : i32
      %dma_wait3A_62 = arith.constant 0 : i32
      %dma_wait3A_63 = tpu.memref_slice %arg9[%dma_wait3A_61, %dma_wait3A_62] : memref<160x128xf32, #tpu.memory_space<vmem>> -> memref<128x128xf32, #tpu.memory_space<vmem>>
      %dma_wait3A_64 = arith.constant 0 : i32
      %dma_wait3A_65 = tpu.memref_slice %arg10[%add3A_1, %dma_wait3A_64] : memref<10240x128xf32, #tpu.memory_space<vmem_shared>> -> memref<128x128xf32, #tpu.memory_space<vmem_shared>>
      %dma_wait3A_66 = arith.constant 0 : i32
      %dma_wait3A_67 = tpu.memref_slice %arg10[%add3A_1, %dma_wait3A_66] : memref<10240x128xf32, #tpu.memory_space<vmem_shared>> -> memref<128x128xf32, #tpu.memory_space<vmem_shared>>
      %dma_wait3A_68 = arith.constant 0 : i32
      %dma_wait3A_69 = arith.constant 0 : i32
      %dma_wait3A_70 = tpu.memref_slice %arg9[%dma_wait3A_68, %dma_wait3A_69] : memref<160x128xf32, #tpu.memory_space<vmem>> -> memref<128x128xf32, #tpu.memory_space<vmem>>
      tpu.wait_dma2 semaphore(%run_scoped3A_50 : memref<!tpu.dma_semaphore, #tpu.memory_space<semaphore_mem>>) src(%dma_wait3A_70 : memref<128x128xf32, #tpu.memory_space<vmem>>) dst(%dma_wait3A_67 : memref<128x128xf32, #tpu.memory_space<vmem_shared>>)
      tpu.yield
    }) : () -> ()
    %add3A_2 = arith.constant 128 : i32
    %add3A_3 = arith.addi %mul3A_0, %add3A_2 : i32
    "tpu.region"() ({
      %run_scoped3A_50 = tpu.sem_alloc : memref<!tpu.dma_semaphore, #tpu.memory_space<semaphore_mem>>
      %dma_start3A_51 = arith.constant 0 : i32
      %dma_start3A_52 = arith.constant 0 : i32
      %dma_start3A_53 = tpu.memref_slice %arg9[%dma_start3A_51, %dma_start3A_52] : memref<160x128xf32, #tpu.memory_space<vmem>> -> memref<128x128xf32, #tpu.memory_space<vmem>>
      %dma_start3A_54 = arith.constant 0 : i32
      %dma_start3A_55 = tpu.memref_slice %arg10[%add3A_3, %dma_start3A_54] : memref<10240x128xf32, #tpu.memory_space<vmem_shared>> -> memref<128x128xf32, #tpu.memory_space<vmem_shared>>
      %dma_start3A_56 = arith.constant 0 : i32
      %dma_start3A_57 = tpu.memref_slice %arg10[%add3A_3, %dma_start3A_56] : memref<10240x128xf32, #tpu.memory_space<vmem_shared>> -> memref<128x128xf32, #tpu.memory_space<vmem_shared>>
      %dma_start3A_58 = arith.constant 0 : i32
      %dma_start3A_59 = arith.constant 0 : i32
      %dma_start3A_60 = tpu.memref_slice %arg9[%dma_start3A_58, %dma_start3A_59] : memref<160x128xf32, #tpu.memory_space<vmem>> -> memref<128x128xf32, #tpu.memory_space<vmem>>
      tpu.enqueue_dma source(%dma_start3A_60 : memref<128x128xf32, #tpu.memory_space<vmem>>) target(%dma_start3A_57 : memref<128x128xf32, #tpu.memory_space<vmem_shared>>) target_semaphore(%run_scoped3A_50 : memref<!tpu.dma_semaphore, #tpu.memory_space<semaphore_mem>>)
      %dma_wait3A_61 = arith.constant 0 : i32
      %dma_wait3A_62 = arith.constant 0 : i32
      %dma_wait3A_63 = tpu.memref_slice %arg9[%dma_wait3A_61, %dma_wait3A_62] : memref<160x128xf32, #tpu.memory_space<vmem>> -> memref<128x128xf32, #tpu.memory_space<vmem>>
      %dma_wait3A_64 = arith.constant 0 : i32
      %dma_wait3A_65 = tpu.memref_slice %arg10[%add3A_3, %dma_wait3A_64] : memref<10240x128xf32, #tpu.memory_space<vmem_shared>> -> memref<128x128xf32, #tpu.memory_space<vmem_shared>>
      %dma_wait3A_66 = arith.constant 0 : i32
      %dma_wait3A_67 = tpu.memref_slice %arg10[%add3A_3, %dma_wait3A_66] : memref<10240x128xf32, #tpu.memory_space<vmem_shared>> -> memref<128x128xf32, #tpu.memory_space<vmem_shared>>
      %dma_wait3A_68 = arith.constant 0 : i32
      %dma_wait3A_69 = arith.constant 0 : i32
      %dma_wait3A_70 = tpu.memref_slice %arg9[%dma_wait3A_68, %dma_wait3A_69] : memref<160x128xf32, #tpu.memory_space<vmem>> -> memref<128x128xf32, #tpu.memory_space<vmem>>
      tpu.wait_dma2 semaphore(%run_scoped3A_50 : memref<!tpu.dma_semaphore, #tpu.memory_space<semaphore_mem>>) src(%dma_wait3A_70 : memref<128x128xf32, #tpu.memory_space<vmem>>) dst(%dma_wait3A_67 : memref<128x128xf32, #tpu.memory_space<vmem_shared>>)
      tpu.yield
    }) : () -> ()
    %add3A_4 = arith.constant 256 : i32
    %add3A_5 = arith.addi %mul3A_0, %add3A_4 : i32
    "tpu.region"() ({
      %run_scoped3A_50 = tpu.sem_alloc : memref<!tpu.dma_semaphore, #tpu.memory_space<semaphore_mem>>
      %dma_start3A_51 = arith.constant 0 : i32
      %dma_start3A_52 = arith.constant 0 : i32
      %dma_start3A_53 = tpu.memref_slice %arg9[%dma_start3A_51, %dma_start3A_52] : memref<160x128xf32, #tpu.memory_space<vmem>> -> memref<128x128xf32, #tpu.memory_space<vmem>>
      %dma_start3A_54 = arith.constant 0 : i32
      %dma_start3A_55 = tpu.memref_slice %arg10[%add3A_5, %dma_start3A_54] : memref<10240x128xf32, #tpu.memory_space<vmem_shared>> -> memref<128x128xf32, #tpu.memory_space<vmem_shared>>
      %dma_start3A_56 = arith.constant 0 : i32
      %dma_start3A_57 = tpu.memref_slice %arg10[%add3A_5, %dma_start3A_56] : memref<10240x128xf32, #tpu.memory_space<vmem_shared>> -> memref<128x128xf32, #tpu.memory_space<vmem_shared>>
      %dma_start3A_58 = arith.constant 0 : i32
      %dma_start3A_59 = arith.constant 0 : i32
      %dma_start3A_60 = tpu.memref_slice %arg9[%dma_start3A_58, %dma_start3A_59] : memref<160x128xf32, #tpu.memory_space<vmem>> -> memref<128x128xf32, #tpu.memory_space<vmem>>
      tpu.enqueue_dma source(%dma_start3A_60 : memref<128x128xf32, #tpu.memory_space<vmem>>) target(%dma_start3A_57 : memref<128x128xf32, #tpu.memory_space<vmem_shared>>) target_semaphore(%run_scoped3A_50 : memref<!tpu.dma_semaphore, #tpu.memory_space<semaphore_mem>>)
      %dma_wait3A_61 = arith.constant 0 : i32
      %dma_wait3A_62 = arith.constant 0 : i32
      %dma_wait3A_63 = tpu.memref_slice %arg9[%dma_wait3A_61, %dma_wait3A_62] : memref<160x128xf32, #tpu.memory_space<vmem>> -> memref<128x128xf32, #tpu.memory_space<vmem>>
      %dma_wait3A_64 = arith.constant 0 : i32
      %dma_wait3A_65 = tpu.memref_slice %arg10[%add3A_5, %dma_wait3A_64] : memref<10240x128xf32, #tpu.memory_space<vmem_shared>> -> memref<128x128xf32, #tpu.memory_space<vmem_shared>>
      %dma_wait3A_66 = arith.constant 0 : i32
      %dma_wait3A_67 = tpu.memref_slice %arg10[%add3A_5, %dma_wait3A_66] : memref<10240x128xf32, #tpu.memory_space<vmem_shared>> -> memref<128x128xf32, #tpu.memory_space<vmem_shared>>
      %dma_wait3A_68 = arith.constant 0 : i32
      %dma_wait3A_69 = arith.constant 0 : i32
      %dma_wait3A_70 = tpu.memref_slice %arg9[%dma_wait3A_68, %dma_wait3A_69] : memref<160x128xf32, #tpu.memory_space<vmem>> -> memref<128x128xf32, #tpu.memory_space<vmem>>
      tpu.wait_dma2 semaphore(%run_scoped3A_50 : memref<!tpu.dma_semaphore, #tpu.memory_space<semaphore_mem>>) src(%dma_wait3A_70 : memref<128x128xf32, #tpu.memory_space<vmem>>) dst(%dma_wait3A_67 : memref<128x128xf32, #tpu.memory_space<vmem_shared>>)
      tpu.yield
    }) : () -> ()
    %add3A_6 = arith.constant 384 : i32
    %add3A_7 = arith.addi %mul3A_0, %add3A_6 : i32
    "tpu.region"() ({
      %run_scoped3A_50 = tpu.sem_alloc : memref<!tpu.dma_semaphore, #tpu.memory_space<semaphore_mem>>
      %dma_start3A_51 = arith.constant 0 : i32
      %dma_start3A_52 = arith.constant 0 : i32
      %dma_start3A_53 = tpu.memref_slice %arg9[%dma_start3A_51, %dma_start3A_52] : memref<160x128xf32, #tpu.memory_space<vmem>> -> memref<128x128xf32, #tpu.memory_space<vmem>>
      %dma_start3A_54 = arith.constant 0 : i32
      %dma_start3A_55 = tpu.memref_slice %arg10[%add3A_7, %dma_start3A_54] : memref<10240x128xf32, #tpu.memory_space<vmem_shared>> -> memref<128x128xf32, #tpu.memory_space<vmem_shared>>
      %dma_start3A_56 = arith.constant 0 : i32
      %dma_start3A_57 = tpu.memref_slice %arg10[%add3A_7, %dma_start3A_56] : memref<10240x128xf32, #tpu.memory_space<vmem_shared>> -> memref<128x128xf32, #tpu.memory_space<vmem_shared>>
      %dma_start3A_58 = arith.constant 0 : i32
      %dma_start3A_59 = arith.constant 0 : i32
      %dma_start3A_60 = tpu.memref_slice %arg9[%dma_start3A_58, %dma_start3A_59] : memref<160x128xf32, #tpu.memory_space<vmem>> -> memref<128x128xf32, #tpu.memory_space<vmem>>
      tpu.enqueue_dma source(%dma_start3A_60 : memref<128x128xf32, #tpu.memory_space<vmem>>) target(%dma_start3A_57 : memref<128x128xf32, #tpu.memory_space<vmem_shared>>) target_semaphore(%run_scoped3A_50 : memref<!tpu.dma_semaphore, #tpu.memory_space<semaphore_mem>>)
      %dma_wait3A_61 = arith.constant 0 : i32
      %dma_wait3A_62 = arith.constant 0 : i32
      %dma_wait3A_63 = tpu.memref_slice %arg9[%dma_wait3A_61, %dma_wait3A_62] : memref<160x128xf32, #tpu.memory_space<vmem>> -> memref<128x128xf32, #tpu.memory_space<vmem>>
      %dma_wait3A_64 = arith.constant 0 : i32
      %dma_wait3A_65 = tpu.memref_slice %arg10[%add3A_7, %dma_wait3A_64] : memref<10240x128xf32, #tpu.memory_space<vmem_shared>> -> memref<128x128xf32, #tpu.memory_space<vmem_shared>>
      %dma_wait3A_66 = arith.constant 0 : i32
      %dma_wait3A_67 = tpu.memref_slice %arg10[%add3A_7, %dma_wait3A_66] : memref<10240x128xf32, #tpu.memory_space<vmem_shared>> -> memref<128x128xf32, #tpu.memory_space<vmem_shared>>
      %dma_wait3A_68 = arith.constant 0 : i32
      %dma_wait3A_69 = arith.constant 0 : i32
      %dma_wait3A_70 = tpu.memref_slice %arg9[%dma_wait3A_68, %dma_wait3A_69] : memref<160x128xf32, #tpu.memory_space<vmem>> -> memref<128x128xf32, #tpu.memory_space<vmem>>
      tpu.wait_dma2 semaphore(%run_scoped3A_50 : memref<!tpu.dma_semaphore, #tpu.memory_space<semaphore_mem>>) src(%dma_wait3A_70 : memref<128x128xf32, #tpu.memory_space<vmem>>) dst(%dma_wait3A_67 : memref<128x128xf32, #tpu.memory_space<vmem_shared>>)
      tpu.yield
    }) : () -> ()
    %add3A_8 = arith.constant 512 : i32
    %add3A_9 = arith.addi %mul3A_0, %add3A_8 : i32
    "tpu.region"() ({
      %run_scoped3A_50 = tpu.sem_alloc : memref<!tpu.dma_semaphore, #tpu.memory_space<semaphore_mem>>
      %dma_start3A_51 = arith.constant 0 : i32
      %dma_start3A_52 = arith.constant 0 : i32
      %dma_start3A_53 = tpu.memref_slice %arg9[%dma_start3A_51, %dma_start3A_52] : memref<160x128xf32, #tpu.memory_space<vmem>> -> memref<128x128xf32, #tpu.memory_space<vmem>>
      %dma_start3A_54 = arith.constant 0 : i32
      %dma_start3A_55 = tpu.memref_slice %arg10[%add3A_9, %dma_start3A_54] : memref<10240x128xf32, #tpu.memory_space<vmem_shared>> -> memref<128x128xf32, #tpu.memory_space<vmem_shared>>
      %dma_start3A_56 = arith.constant 0 : i32
      %dma_start3A_57 = tpu.memref_slice %arg10[%add3A_9, %dma_start3A_56] : memref<10240x128xf32, #tpu.memory_space<vmem_shared>> -> memref<128x128xf32, #tpu.memory_space<vmem_shared>>
      %dma_start3A_58 = arith.constant 0 : i32
      %dma_start3A_59 = arith.constant 0 : i32
      %dma_start3A_60 = tpu.memref_slice %arg9[%dma_start3A_58, %dma_start3A_59] : memref<160x128xf32, #tpu.memory_space<vmem>> -> memref<128x128xf32, #tpu.memory_space<vmem>>
      tpu.enqueue_dma source(%dma_start3A_60 : memref<128x128xf32, #tpu.memory_space<vmem>>) target(%dma_start3A_57 : memref<128x128xf32, #tpu.memory_space<vmem_shared>>) target_semaphore(%run_scoped3A_50 : memref<!tpu.dma_semaphore, #tpu.memory_space<semaphore_mem>>)
      %dma_wait3A_61 = arith.constant 0 : i32
      %dma_wait3A_62 = arith.constant 0 : i32
      %dma_wait3A_63 = tpu.memref_slice %arg9[%dma_wait3A_61, %dma_wait3A_62] : memref<160x128xf32, #tpu.memory_space<vmem>> -> memref<128x128xf32, #tpu.memory_space<vmem>>
      %dma_wait3A_64 = arith.constant 0 : i32
      %dma_wait3A_65 = tpu.memref_slice %arg10[%add3A_9, %dma_wait3A_64] : memref<10240x128xf32, #tpu.memory_space<vmem_shared>> -> memref<128x128xf32, #tpu.memory_space<vmem_shared>>
      %dma_wait3A_66 = arith.constant 0 : i32
      %dma_wait3A_67 = tpu.memref_slice %arg10[%add3A_9, %dma_wait3A_66] : memref<10240x128xf32, #tpu.memory_space<vmem_shared>> -> memref<128x128xf32, #tpu.memory_space<vmem_shared>>
      %dma_wait3A_68 = arith.constant 0 : i32
      %dma_wait3A_69 = arith.constant 0 : i32
      %dma_wait3A_70 = tpu.memref_slice %arg9[%dma_wait3A_68, %dma_wait3A_69] : memref<160x128xf32, #tpu.memory_space<vmem>> -> memref<128x128xf32, #tpu.memory_space<vmem>>
      tpu.wait_dma2 semaphore(%run_scoped3A_50 : memref<!tpu.dma_semaphore, #tpu.memory_space<semaphore_mem>>) src(%dma_wait3A_70 : memref<128x128xf32, #tpu.memory_space<vmem>>) dst(%dma_wait3A_67 : memref<128x128xf32, #tpu.memory_space<vmem_shared>>)
      tpu.yield
    }) : () -> ()
    %barrier3A = arith.constant 0 : index
    tpu.barrier barrier_id(%barrier3A)
    %dma_start3A = arith.constant 0 : i32
    %dma_start3A_10 = arith.constant 0 : i32
    %dma_start3A_11 = tpu.memref_slice %arg9[%dma_start3A, %dma_start3A_10] : memref<160x128xf32, #tpu.memory_space<vmem>> -> memref<80x128xf32, #tpu.memory_space<vmem>>
    %dma_start3A_12 = arith.constant 0 : i32
    %dma_start3A_13 = tpu.memref_slice %arg7[%dma_start3A_12] : memref<10000xi32, #tpu.memory_space<vmem>> -> memref<80xi32, #tpu.memory_space<vmem>>
    %dma_start3A_14 = arith.constant 0 : i32
    %dma_start3A_15 = arith.constant 0 : i32
    %dma_start3A_16 = tpu.memref_slice %arg2[%dma_start3A_14, %dma_start3A_15] : memref<20000x128xf32, #tpu.memory_space<hbm>> -> memref<20000x128xf32, #tpu.memory_space<hbm>>
    tpu.enqueue_indirect_dma source(%dma_start3A_16 : memref<20000x128xf32, #tpu.memory_space<hbm>>) target(%dma_start3A_11 : memref<80x128xf32, #tpu.memory_space<vmem>>) offsets(%dma_start3A_13 : memref<80xi32, #tpu.memory_space<vmem>>) semaphore(%arg11 : memref<!tpu.dma_semaphore, #tpu.memory_space<semaphore_mem>>)
    %scan3A = arith.constant 0 : i32
    %scan3A_17 = arith.constant 0 : i32
    %scan3A_18 = arith.constant 62 : i32
    %scan3A_19 = arith.addi %scan3A_17, %scan3A_18 : i32
    %scan3A_20 = arith.constant 1 : i32
    scf.for %scan3A_50 = %scan3A_17 to %scan3A_19 step %scan3A_20  : i32 {
      %mul3A_51 = arith.constant 2 : i32
      %mul3A_52 = arith.muli %mul3A_51, %scan3A_50 : i32
      %mul3A_53 = arith.constant 80 : i32
      %mul3A_54 = arith.muli %mul3A_52, %mul3A_53 : i32
      %dma_wait3A_55 = arith.constant 0 : i32
      %dma_wait3A_56 = arith.constant 0 : i32
      %dma_wait3A_57 = tpu.memref_slice %arg9[%dma_wait3A_55, %dma_wait3A_56] : memref<160x128xf32, #tpu.memory_space<vmem>> -> memref<80x128xf32, #tpu.memory_space<vmem>>
      %dma_wait3A_58 = tpu.memref_slice %arg7[%mul3A_54] : memref<10000xi32, #tpu.memory_space<vmem>> -> memref<80xi32, #tpu.memory_space<vmem>>
      %dma_wait3A_59 = arith.constant 0 : i32
      %dma_wait3A_60 = arith.constant 0 : i32
      %dma_wait3A_61 = tpu.memref_slice %arg2[%dma_wait3A_59, %dma_wait3A_60] : memref<20000x128xf32, #tpu.memory_space<hbm>> -> memref<20000x128xf32, #tpu.memory_space<hbm>>
      tpu.wait_indirect_dma semaphore(%arg11 : memref<!tpu.dma_semaphore, #tpu.memory_space<semaphore_mem>>) src(%dma_wait3A_61 : memref<20000x128xf32, #tpu.memory_space<hbm>>) dst(%dma_wait3A_57 : memref<80x128xf32, #tpu.memory_space<vmem>>)
      %add3A_62 = arith.constant 1 : i32
      %add3A_63 = arith.addi %mul3A_52, %add3A_62 : i32
      %mul3A_64 = arith.constant 80 : i32
      %mul3A_65 = arith.muli %add3A_63, %mul3A_64 : i32
      %dma_start3A_66 = arith.constant 80 : i32
      %dma_start3A_67 = arith.constant 0 : i32
      %dma_start3A_68 = tpu.memref_slice %arg9[%dma_start3A_66, %dma_start3A_67] : memref<160x128xf32, #tpu.memory_space<vmem>> -> memref<80x128xf32, #tpu.memory_space<vmem>>
      %dma_start3A_69 = tpu.memref_slice %arg7[%mul3A_65] : memref<10000xi32, #tpu.memory_space<vmem>> -> memref<80xi32, #tpu.memory_space<vmem>>
      %dma_start3A_70 = arith.constant 0 : i32
      %dma_start3A_71 = arith.constant 0 : i32
      %dma_start3A_72 = tpu.memref_slice %arg2[%dma_start3A_70, %dma_start3A_71] : memref<20000x128xf32, #tpu.memory_space<hbm>> -> memref<20000x128xf32, #tpu.memory_space<hbm>>
      tpu.enqueue_indirect_dma source(%dma_start3A_72 : memref<20000x128xf32, #tpu.memory_space<hbm>>) target(%dma_start3A_68 : memref<80x128xf32, #tpu.memory_space<vmem>>) offsets(%dma_start3A_69 : memref<80xi32, #tpu.memory_space<vmem>>) semaphore(%arg12 : memref<!tpu.dma_semaphore, #tpu.memory_space<semaphore_mem>>)
      "tpu.region"() ({
        %run_scoped3A_97 = tpu.sem_alloc : memref<!tpu.dma_semaphore, #tpu.memory_space<semaphore_mem>>
        %dma_start3A_98 = arith.constant 0 : i32
        %dma_start3A_99 = arith.constant 0 : i32
        %dma_start3A_100 = tpu.memref_slice %arg9[%dma_start3A_98, %dma_start3A_99] : memref<160x128xf32, #tpu.memory_space<vmem>> -> memref<80x128xf32, #tpu.memory_space<vmem>>
        %dma_start3A_101 = arith.constant 0 : i32
        %dma_start3A_102 = tpu.memref_slice %arg8[%mul3A_52, %dma_start3A_101] : memref<125x80xi32, #tpu.memory_space<vmem>> -> memref<1x80xi32, #tpu.memory_space<vmem>>
        %dma_start3A_103 = tpu.memref_squeeze %dma_start3A_102 : memref<1x80xi32, #tpu.memory_space<vmem>> -> memref<80xi32, #tpu.memory_space<vmem>>
        %dma_start3A_104 = arith.constant 0 : i32
        %dma_start3A_105 = arith.constant 0 : i32
        %dma_start3A_106 = tpu.memref_slice %arg10[%dma_start3A_104, %dma_start3A_105] : memref<10240x128xf32, #tpu.memory_space<vmem_shared>> -> memref<10240x128xf32, #tpu.memory_space<vmem_shared>>
        tpu.enqueue_indirect_dma source(%dma_start3A_100 : memref<80x128xf32, #tpu.memory_space<vmem>>) target(%dma_start3A_106 : memref<10240x128xf32, #tpu.memory_space<vmem_shared>>) offsets(%dma_start3A_103 : memref<80xi32, #tpu.memory_space<vmem>>) semaphore(%run_scoped3A_97 : memref<!tpu.dma_semaphore, #tpu.memory_space<semaphore_mem>>) {add = true}
        %dma_wait3A_107 = arith.constant 0 : i32
        %dma_wait3A_108 = arith.constant 0 : i32
        %dma_wait3A_109 = tpu.memref_slice %arg9[%dma_wait3A_107, %dma_wait3A_108] : memref<160x128xf32, #tpu.memory_space<vmem>> -> memref<80x128xf32, #tpu.memory_space<vmem>>
        %dma_wait3A_110 = arith.constant 0 : i32
        %dma_wait3A_111 = tpu.memref_slice %arg8[%mul3A_52, %dma_wait3A_110] : memref<125x80xi32, #tpu.memory_space<vmem>> -> memref<1x80xi32, #tpu.memory_space<vmem>>
        %dma_wait3A_112 = tpu.memref_squeeze %dma_wait3A_111 : memref<1x80xi32, #tpu.memory_space<vmem>> -> memref<80xi32, #tpu.memory_space<vmem>>
        %dma_wait3A_113 = arith.constant 0 : i32
        %dma_wait3A_114 = arith.constant 0 : i32
        %dma_wait3A_115 = tpu.memref_slice %arg10[%dma_wait3A_113, %dma_wait3A_114] : memref<10240x128xf32, #tpu.memory_space<vmem_shared>> -> memref<10240x128xf32, #tpu.memory_space<vmem_shared>>
        tpu.wait_indirect_dma semaphore(%run_scoped3A_97 : memref<!tpu.dma_semaphore, #tpu.memory_space<semaphore_mem>>) src(%dma_wait3A_109 : memref<80x128xf32, #tpu.memory_space<vmem>>) dst(%dma_wait3A_115 : memref<10240x128xf32, #tpu.memory_space<vmem_shared>>)
        tpu.yield
      }) : () -> ()
      %add3A_73 = arith.constant 1 : i32
      %add3A_74 = arith.addi %mul3A_52, %add3A_73 : i32
      %mul3A_75 = arith.constant 80 : i32
      %mul3A_76 = arith.muli %add3A_74, %mul3A_75 : i32
      %dma_wait3A_77 = arith.constant 80 : i32
      %dma_wait3A_78 = arith.constant 0 : i32
      %dma_wait3A_79 = tpu.memref_slice %arg9[%dma_wait3A_77, %dma_wait3A_78] : memref<160x128xf32, #tpu.memory_space<vmem>> -> memref<80x128xf32, #tpu.memory_space<vmem>>
      %dma_wait3A_80 = tpu.memref_slice %arg7[%mul3A_76] : memref<10000xi32, #tpu.memory_space<vmem>> -> memref<80xi32, #tpu.memory_space<vmem>>
      %dma_wait3A_81 = arith.constant 0 : i32
      %dma_wait3A_82 = arith.constant 0 : i32
      %dma_wait3A_83 = tpu.memref_slice %arg2[%dma_wait3A_81, %dma_wait3A_82] : memref<20000x128xf32, #tpu.memory_space<hbm>> -> memref<20000x128xf32, #tpu.memory_space<hbm>>
      tpu.wait_indirect_dma semaphore(%arg12 : memref<!tpu.dma_semaphore, #tpu.memory_space<semaphore_mem>>) src(%dma_wait3A_83 : memref<20000x128xf32, #tpu.memory_space<hbm>>) dst(%dma_wait3A_79 : memref<80x128xf32, #tpu.memory_space<vmem>>)
      %add3A_84 = arith.constant 2 : i32
      %add3A_85 = arith.addi %mul3A_52, %add3A_84 : i32
      %mul3A_86 = arith.constant 80 : i32
      %mul3A_87 = arith.muli %add3A_85, %mul3A_86 : i32
      %dma_start3A_88 = arith.constant 0 : i32
      %dma_start3A_89 = arith.constant 0 : i32
      %dma_start3A_90 = tpu.memref_slice %arg9[%dma_start3A_88, %dma_start3A_89] : memref<160x128xf32, #tpu.memory_space<vmem>> -> memref<80x128xf32, #tpu.memory_space<vmem>>
      %dma_start3A_91 = tpu.memref_slice %arg7[%mul3A_87] : memref<10000xi32, #tpu.memory_space<vmem>> -> memref<80xi32, #tpu.memory_space<vmem>>
      %dma_start3A_92 = arith.constant 0 : i32
      %dma_start3A_93 = arith.constant 0 : i32
      %dma_start3A_94 = tpu.memref_slice %arg2[%dma_start3A_92, %dma_start3A_93] : memref<20000x128xf32, #tpu.memory_space<hbm>> -> memref<20000x128xf32, #tpu.memory_space<hbm>>
      tpu.enqueue_indirect_dma source(%dma_start3A_94 : memref<20000x128xf32, #tpu.memory_space<hbm>>) target(%dma_start3A_90 : memref<80x128xf32, #tpu.memory_space<vmem>>) offsets(%dma_start3A_91 : memref<80xi32, #tpu.memory_space<vmem>>) semaphore(%arg11 : memref<!tpu.dma_semaphore, #tpu.memory_space<semaphore_mem>>)
      %add3A_95 = arith.constant 1 : i32
      %add3A_96 = arith.addi %mul3A_52, %add3A_95 : i32
      "tpu.region"() ({
        %run_scoped3A_97 = tpu.sem_alloc : memref<!tpu.dma_semaphore, #tpu.memory_space<semaphore_mem>>
        %dma_start3A_98 = arith.constant 80 : i32
        %dma_start3A_99 = arith.constant 0 : i32
        %dma_start3A_100 = tpu.memref_slice %arg9[%dma_start3A_98, %dma_start3A_99] : memref<160x128xf32, #tpu.memory_space<vmem>> -> memref<80x128xf32, #tpu.memory_space<vmem>>
        %dma_start3A_101 = arith.constant 0 : i32
        %dma_start3A_102 = tpu.memref_slice %arg8[%add3A_96, %dma_start3A_101] : memref<125x80xi32, #tpu.memory_space<vmem>> -> memref<1x80xi32, #tpu.memory_space<vmem>>
        %dma_start3A_103 = tpu.memref_squeeze %dma_start3A_102 : memref<1x80xi32, #tpu.memory_space<vmem>> -> memref<80xi32, #tpu.memory_space<vmem>>
        %dma_start3A_104 = arith.constant 0 : i32
        %dma_start3A_105 = arith.constant 0 : i32
        %dma_start3A_106 = tpu.memref_slice %arg10[%dma_start3A_104, %dma_start3A_105] : memref<10240x128xf32, #tpu.memory_space<vmem_shared>> -> memref<10240x128xf32, #tpu.memory_space<vmem_shared>>
        tpu.enqueue_indirect_dma source(%dma_start3A_100 : memref<80x128xf32, #tpu.memory_space<vmem>>) target(%dma_start3A_106 : memref<10240x128xf32, #tpu.memory_space<vmem_shared>>) offsets(%dma_start3A_103 : memref<80xi32, #tpu.memory_space<vmem>>) semaphore(%run_scoped3A_97 : memref<!tpu.dma_semaphore, #tpu.memory_space<semaphore_mem>>) {add = true}
        %dma_wait3A_107 = arith.constant 80 : i32
        %dma_wait3A_108 = arith.constant 0 : i32
        %dma_wait3A_109 = tpu.memref_slice %arg9[%dma_wait3A_107, %dma_wait3A_108] : memref<160x128xf32, #tpu.memory_space<vmem>> -> memref<80x128xf32, #tpu.memory_space<vmem>>
        %dma_wait3A_110 = arith.constant 0 : i32
        %dma_wait3A_111 = tpu.memref_slice %arg8[%add3A_96, %dma_wait3A_110] : memref<125x80xi32, #tpu.memory_space<vmem>> -> memref<1x80xi32, #tpu.memory_space<vmem>>
        %dma_wait3A_112 = tpu.memref_squeeze %dma_wait3A_111 : memref<1x80xi32, #tpu.memory_space<vmem>> -> memref<80xi32, #tpu.memory_space<vmem>>
        %dma_wait3A_113 = arith.constant 0 : i32
        %dma_wait3A_114 = arith.constant 0 : i32
        %dma_wait3A_115 = tpu.memref_slice %arg10[%dma_wait3A_113, %dma_wait3A_114] : memref<10240x128xf32, #tpu.memory_space<vmem_shared>> -> memref<10240x128xf32, #tpu.memory_space<vmem_shared>>
        tpu.wait_indirect_dma semaphore(%run_scoped3A_97 : memref<!tpu.dma_semaphore, #tpu.memory_space<semaphore_mem>>) src(%dma_wait3A_109 : memref<80x128xf32, #tpu.memory_space<vmem>>) dst(%dma_wait3A_115 : memref<10240x128xf32, #tpu.memory_space<vmem_shared>>)
        tpu.yield
      }) : () -> ()
    }
    %scan3A_21 = arith.constant 62 : i32
    %dma_wait3A = arith.constant 0 : i32
    %dma_wait3A_22 = arith.constant 0 : i32
    %dma_wait3A_23 = tpu.memref_slice %arg9[%dma_wait3A, %dma_wait3A_22] : memref<160x128xf32, #tpu.memory_space<vmem>> -> memref<80x128xf32, #tpu.memory_space<vmem>>
    %dma_wait3A_24 = arith.constant 9920 : i32
    %dma_wait3A_25 = tpu.memref_slice %arg7[%dma_wait3A_24] : memref<10000xi32, #tpu.memory_space<vmem>> -> memref<80xi32, #tpu.memory_space<vmem>>
    %dma_wait3A_26 = arith.constant 0 : i32
    %dma_wait3A_27 = arith.constant 0 : i32
    %dma_wait3A_28 = tpu.memref_slice %arg2[%dma_wait3A_26, %dma_wait3A_27] : memref<20000x128xf32, #tpu.memory_space<hbm>> -> memref<20000x128xf32, #tpu.memory_space<hbm>>
    tpu.wait_indirect_dma semaphore(%arg11 : memref<!tpu.dma_semaphore, #tpu.memory_space<semaphore_mem>>) src(%dma_wait3A_28 : memref<20000x128xf32, #tpu.memory_space<hbm>>) dst(%dma_wait3A_23 : memref<80x128xf32, #tpu.memory_space<vmem>>)
    %run_scoped3A = arith.constant 124 : i32
    "tpu.region"() ({
      %run_scoped3A_50 = tpu.sem_alloc : memref<!tpu.dma_semaphore, #tpu.memory_space<semaphore_mem>>
      %dma_start3A_51 = arith.constant 0 : i32
      %dma_start3A_52 = arith.constant 0 : i32
      %dma_start3A_53 = tpu.memref_slice %arg9[%dma_start3A_51, %dma_start3A_52] : memref<160x128xf32, #tpu.memory_space<vmem>> -> memref<80x128xf32, #tpu.memory_space<vmem>>
      %dma_start3A_54 = arith.constant 0 : i32
      %dma_start3A_55 = tpu.memref_slice %arg8[%run_scoped3A, %dma_start3A_54] : memref<125x80xi32, #tpu.memory_space<vmem>> -> memref<1x80xi32, #tpu.memory_space<vmem>>
      %dma_start3A_56 = tpu.memref_squeeze %dma_start3A_55 : memref<1x80xi32, #tpu.memory_space<vmem>> -> memref<80xi32, #tpu.memory_space<vmem>>
      %dma_start3A_57 = arith.constant 0 : i32
      %dma_start3A_58 = arith.constant 0 : i32
      %dma_start3A_59 = tpu.memref_slice %arg10[%dma_start3A_57, %dma_start3A_58] : memref<10240x128xf32, #tpu.memory_space<vmem_shared>> -> memref<10240x128xf32, #tpu.memory_space<vmem_shared>>
      tpu.enqueue_indirect_dma source(%dma_start3A_53 : memref<80x128xf32, #tpu.memory_space<vmem>>) target(%dma_start3A_59 : memref<10240x128xf32, #tpu.memory_space<vmem_shared>>) offsets(%dma_start3A_56 : memref<80xi32, #tpu.memory_space<vmem>>) semaphore(%run_scoped3A_50 : memref<!tpu.dma_semaphore, #tpu.memory_space<semaphore_mem>>) {add = true}
      %dma_wait3A_60 = arith.constant 0 : i32
      %dma_wait3A_61 = arith.constant 0 : i32
      %dma_wait3A_62 = tpu.memref_slice %arg9[%dma_wait3A_60, %dma_wait3A_61] : memref<160x128xf32, #tpu.memory_space<vmem>> -> memref<80x128xf32, #tpu.memory_space<vmem>>
      %dma_wait3A_63 = arith.constant 0 : i32
      %dma_wait3A_64 = tpu.memref_slice %arg8[%run_scoped3A, %dma_wait3A_63] : memref<125x80xi32, #tpu.memory_space<vmem>> -> memref<1x80xi32, #tpu.memory_space<vmem>>
      %dma_wait3A_65 = tpu.memref_squeeze %dma_wait3A_64 : memref<1x80xi32, #tpu.memory_space<vmem>> -> memref<80xi32, #tpu.memory_space<vmem>>
      %dma_wait3A_66 = arith.constant 0 : i32
      %dma_wait3A_67 = arith.constant 0 : i32
      %dma_wait3A_68 = tpu.memref_slice %arg10[%dma_wait3A_66, %dma_wait3A_67] : memref<10240x128xf32, #tpu.memory_space<vmem_shared>> -> memref<10240x128xf32, #tpu.memory_space<vmem_shared>>
      tpu.wait_indirect_dma semaphore(%run_scoped3A_50 : memref<!tpu.dma_semaphore, #tpu.memory_space<semaphore_mem>>) src(%dma_wait3A_62 : memref<80x128xf32, #tpu.memory_space<vmem>>) dst(%dma_wait3A_68 : memref<10240x128xf32, #tpu.memory_space<vmem_shared>>)
      tpu.yield
    }) : () -> ()
    %barrier3A_29 = arith.constant 0 : index
    tpu.barrier barrier_id(%barrier3A_29)
    %add3A_30 = arith.constant 0 : i32
    %add3A_31 = arith.addi %mul3A_0, %add3A_30 : i32
    "tpu.region"() ({
      %run_scoped3A_50 = tpu.sem_alloc : memref<!tpu.dma_semaphore, #tpu.memory_space<semaphore_mem>>
      %dma_start3A_51 = arith.constant 0 : i32
      %dma_start3A_52 = arith.constant 0 : i32
      %dma_start3A_53 = tpu.memref_slice %arg9[%dma_start3A_51, %dma_start3A_52] : memref<160x128xf32, #tpu.memory_space<vmem>> -> memref<128x128xf32, #tpu.memory_space<vmem>>
      %dma_start3A_54 = arith.constant 0 : i32
      %dma_start3A_55 = tpu.memref_slice %arg10[%add3A_31, %dma_start3A_54] : memref<10240x128xf32, #tpu.memory_space<vmem_shared>> -> memref<128x128xf32, #tpu.memory_space<vmem_shared>>
      %dma_start3A_56 = arith.constant 0 : i32
      %dma_start3A_57 = arith.constant 0 : i32
      %dma_start3A_58 = tpu.memref_slice %arg9[%dma_start3A_56, %dma_start3A_57] : memref<160x128xf32, #tpu.memory_space<vmem>> -> memref<128x128xf32, #tpu.memory_space<vmem>>
      %dma_start3A_59 = arith.constant 0 : i32
      %dma_start3A_60 = tpu.memref_slice %arg10[%add3A_31, %dma_start3A_59] : memref<10240x128xf32, #tpu.memory_space<vmem_shared>> -> memref<128x128xf32, #tpu.memory_space<vmem_shared>>
      tpu.enqueue_dma source(%dma_start3A_60 : memref<128x128xf32, #tpu.memory_space<vmem_shared>>) target(%dma_start3A_58 : memref<128x128xf32, #tpu.memory_space<vmem>>) target_semaphore(%run_scoped3A_50 : memref<!tpu.dma_semaphore, #tpu.memory_space<semaphore_mem>>)
      %dma_wait3A_61 = arith.constant 0 : i32
      %dma_wait3A_62 = arith.constant 0 : i32
      %dma_wait3A_63 = tpu.memref_slice %arg9[%dma_wait3A_61, %dma_wait3A_62] : memref<160x128xf32, #tpu.memory_space<vmem>> -> memref<128x128xf32, #tpu.memory_space<vmem>>
      %dma_wait3A_64 = arith.constant 0 : i32
      %dma_wait3A_65 = tpu.memref_slice %arg10[%add3A_31, %dma_wait3A_64] : memref<10240x128xf32, #tpu.memory_space<vmem_shared>> -> memref<128x128xf32, #tpu.memory_space<vmem_shared>>
      %dma_wait3A_66 = arith.constant 0 : i32
      %dma_wait3A_67 = arith.constant 0 : i32
      %dma_wait3A_68 = tpu.memref_slice %arg9[%dma_wait3A_66, %dma_wait3A_67] : memref<160x128xf32, #tpu.memory_space<vmem>> -> memref<128x128xf32, #tpu.memory_space<vmem>>
      %dma_wait3A_69 = arith.constant 0 : i32
      %dma_wait3A_70 = tpu.memref_slice %arg10[%add3A_31, %dma_wait3A_69] : memref<10240x128xf32, #tpu.memory_space<vmem_shared>> -> memref<128x128xf32, #tpu.memory_space<vmem_shared>>
      tpu.wait_dma2 semaphore(%run_scoped3A_50 : memref<!tpu.dma_semaphore, #tpu.memory_space<semaphore_mem>>) src(%dma_wait3A_70 : memref<128x128xf32, #tpu.memory_space<vmem_shared>>) dst(%dma_wait3A_68 : memref<128x128xf32, #tpu.memory_space<vmem>>)
      tpu.yield
    }) : () -> ()
    %add3A_32 = arith.constant 0 : i32
    %add3A_33 = arith.addi %mul3A_0, %add3A_32 : i32
    "tpu.region"() ({
      %run_scoped3A_50 = tpu.sem_alloc : memref<!tpu.dma_semaphore, #tpu.memory_space<semaphore_mem>>
      %dma_start3A_51 = arith.constant 0 : i32
      %dma_start3A_52 = arith.constant 0 : i32
      %dma_start3A_53 = tpu.memref_slice %arg9[%dma_start3A_51, %dma_start3A_52] : memref<160x128xf32, #tpu.memory_space<vmem>> -> memref<128x128xf32, #tpu.memory_space<vmem>>
      %dma_start3A_54 = arith.constant 0 : i32
      %dma_start3A_55 = tpu.memref_slice %arg6[%arg0, %add3A_33, %dma_start3A_54] : memref<2x10240x128xf32, #tpu.memory_space<hbm>> -> memref<1x128x128xf32, #tpu.memory_space<hbm>>
      %dma_start3A_56 = tpu.memref_squeeze %dma_start3A_55 : memref<1x128x128xf32, #tpu.memory_space<hbm>> -> memref<128x128xf32, #tpu.memory_space<hbm>>
      %dma_start3A_57 = arith.constant 0 : i32
      %dma_start3A_58 = tpu.memref_slice %arg6[%arg0, %add3A_33, %dma_start3A_57] : memref<2x10240x128xf32, #tpu.memory_space<hbm>> -> memref<1x128x128xf32, #tpu.memory_space<hbm>>
      %dma_start3A_59 = tpu.memref_squeeze %dma_start3A_58 : memref<1x128x128xf32, #tpu.memory_space<hbm>> -> memref<128x128xf32, #tpu.memory_space<hbm>>
      %dma_start3A_60 = arith.constant 0 : i32
      %dma_start3A_61 = arith.constant 0 : i32
      %dma_start3A_62 = tpu.memref_slice %arg9[%dma_start3A_60, %dma_start3A_61] : memref<160x128xf32, #tpu.memory_space<vmem>> -> memref<128x128xf32, #tpu.memory_space<vmem>>
      tpu.enqueue_dma source(%dma_start3A_62 : memref<128x128xf32, #tpu.memory_space<vmem>>) target(%dma_start3A_59 : memref<128x128xf32, #tpu.memory_space<hbm>>) target_semaphore(%run_scoped3A_50 : memref<!tpu.dma_semaphore, #tpu.memory_space<semaphore_mem>>)
      %dma_wait3A_63 = arith.constant 0 : i32
      %dma_wait3A_64 = arith.constant 0 : i32
      %dma_wait3A_65 = tpu.memref_slice %arg9[%dma_wait3A_63, %dma_wait3A_64] : memref<160x128xf32, #tpu.memory_space<vmem>> -> memref<128x128xf32, #tpu.memory_space<vmem>>
      %dma_wait3A_66 = arith.constant 0 : i32
      %dma_wait3A_67 = tpu.memref_slice %arg6[%arg0, %add3A_33, %dma_wait3A_66] : memref<2x10240x128xf32, #tpu.memory_space<hbm>> -> memref<1x128x128xf32, #tpu.memory_space<hbm>>
      %dma_wait3A_68 = tpu.memref_squeeze %dma_wait3A_67 : memref<1x128x128xf32, #tpu.memory_space<hbm>> -> memref<128x128xf32, #tpu.memory_space<hbm>>
      %dma_wait3A_69 = arith.constant 0 : i32
      %dma_wait3A_70 = tpu.memref_slice %arg6[%arg0, %add3A_33, %dma_wait3A_69] : memref<2x10240x128xf32, #tpu.memory_space<hbm>> -> memref<1x128x128xf32, #tpu.memory_space<hbm>>
      %dma_wait3A_71 = tpu.memref_squeeze %dma_wait3A_70 : memref<1x128x128xf32, #tpu.memory_space<hbm>> -> memref<128x128xf32, #tpu.memory_space<hbm>>
      %dma_wait3A_72 = arith.constant 0 : i32
      %dma_wait3A_73 = arith.constant 0 : i32
      %dma_wait3A_74 = tpu.memref_slice %arg9[%dma_wait3A_72, %dma_wait3A_73] : memref<160x128xf32, #tpu.memory_space<vmem>> -> memref<128x128xf32, #tpu.memory_space<vmem>>
      tpu.wait_dma2 semaphore(%run_scoped3A_50 : memref<!tpu.dma_semaphore, #tpu.memory_space<semaphore_mem>>) src(%dma_wait3A_74 : memref<128x128xf32, #tpu.memory_space<vmem>>) dst(%dma_wait3A_71 : memref<128x128xf32, #tpu.memory_space<hbm>>)
      tpu.yield
    }) : () -> ()
    %add3A_34 = arith.constant 128 : i32
    %add3A_35 = arith.addi %mul3A_0, %add3A_34 : i32
    "tpu.region"() ({
      %run_scoped3A_50 = tpu.sem_alloc : memref<!tpu.dma_semaphore, #tpu.memory_space<semaphore_mem>>
      %dma_start3A_51 = arith.constant 0 : i32
      %dma_start3A_52 = arith.constant 0 : i32
      %dma_start3A_53 = tpu.memref_slice %arg9[%dma_start3A_51, %dma_start3A_52] : memref<160x128xf32, #tpu.memory_space<vmem>> -> memref<128x128xf32, #tpu.memory_space<vmem>>
      %dma_start3A_54 = arith.constant 0 : i32
      %dma_start3A_55 = tpu.memref_slice %arg10[%add3A_35, %dma_start3A_54] : memref<10240x128xf32, #tpu.memory_space<vmem_shared>> -> memref<128x128xf32, #tpu.memory_space<vmem_shared>>
      %dma_start3A_56 = arith.constant 0 : i32
      %dma_start3A_57 = arith.constant 0 : i32
      %dma_start3A_58 = tpu.memref_slice %arg9[%dma_start3A_56, %dma_start3A_57] : memref<160x128xf32, #tpu.memory_space<vmem>> -> memref<128x128xf32, #tpu.memory_space<vmem>>
      %dma_start3A_59 = arith.constant 0 : i32
      %dma_start3A_60 = tpu.memref_slice %arg10[%add3A_35, %dma_start3A_59] : memref<10240x128xf32, #tpu.memory_space<vmem_shared>> -> memref<128x128xf32, #tpu.memory_space<vmem_shared>>
      tpu.enqueue_dma source(%dma_start3A_60 : memref<128x128xf32, #tpu.memory_space<vmem_shared>>) target(%dma_start3A_58 : memref<128x128xf32, #tpu.memory_space<vmem>>) target_semaphore(%run_scoped3A_50 : memref<!tpu.dma_semaphore, #tpu.memory_space<semaphore_mem>>)
      %dma_wait3A_61 = arith.constant 0 : i32
      %dma_wait3A_62 = arith.constant 0 : i32
      %dma_wait3A_63 = tpu.memref_slice %arg9[%dma_wait3A_61, %dma_wait3A_62] : memref<160x128xf32, #tpu.memory_space<vmem>> -> memref<128x128xf32, #tpu.memory_space<vmem>>
      %dma_wait3A_64 = arith.constant 0 : i32
      %dma_wait3A_65 = tpu.memref_slice %arg10[%add3A_35, %dma_wait3A_64] : memref<10240x128xf32, #tpu.memory_space<vmem_shared>> -> memref<128x128xf32, #tpu.memory_space<vmem_shared>>
      %dma_wait3A_66 = arith.constant 0 : i32
      %dma_wait3A_67 = arith.constant 0 : i32
      %dma_wait3A_68 = tpu.memref_slice %arg9[%dma_wait3A_66, %dma_wait3A_67] : memref<160x128xf32, #tpu.memory_space<vmem>> -> memref<128x128xf32, #tpu.memory_space<vmem>>
      %dma_wait3A_69 = arith.constant 0 : i32
      %dma_wait3A_70 = tpu.memref_slice %arg10[%add3A_35, %dma_wait3A_69] : memref<10240x128xf32, #tpu.memory_space<vmem_shared>> -> memref<128x128xf32, #tpu.memory_space<vmem_shared>>
      tpu.wait_dma2 semaphore(%run_scoped3A_50 : memref<!tpu.dma_semaphore, #tpu.memory_space<semaphore_mem>>) src(%dma_wait3A_70 : memref<128x128xf32, #tpu.memory_space<vmem_shared>>) dst(%dma_wait3A_68 : memref<128x128xf32, #tpu.memory_space<vmem>>)
      tpu.yield
    }) : () -> ()
    %add3A_36 = arith.constant 128 : i32
    %add3A_37 = arith.addi %mul3A_0, %add3A_36 : i32
    "tpu.region"() ({
      %run_scoped3A_50 = tpu.sem_alloc : memref<!tpu.dma_semaphore, #tpu.memory_space<semaphore_mem>>
      %dma_start3A_51 = arith.constant 0 : i32
      %dma_start3A_52 = arith.constant 0 : i32
      %dma_start3A_53 = tpu.memref_slice %arg9[%dma_start3A_51, %dma_start3A_52] : memref<160x128xf32, #tpu.memory_space<vmem>> -> memref<128x128xf32, #tpu.memory_space<vmem>>
      %dma_start3A_54 = arith.constant 0 : i32
      %dma_start3A_55 = tpu.memref_slice %arg6[%arg0, %add3A_37, %dma_start3A_54] : memref<2x10240x128xf32, #tpu.memory_space<hbm>> -> memref<1x128x128xf32, #tpu.memory_space<hbm>>
      %dma_start3A_56 = tpu.memref_squeeze %dma_start3A_55 : memref<1x128x128xf32, #tpu.memory_space<hbm>> -> memref<128x128xf32, #tpu.memory_space<hbm>>
      %dma_start3A_57 = arith.constant 0 : i32
      %dma_start3A_58 = tpu.memref_slice %arg6[%arg0, %add3A_37, %dma_start3A_57] : memref<2x10240x128xf32, #tpu.memory_space<hbm>> -> memref<1x128x128xf32, #tpu.memory_space<hbm>>
      %dma_start3A_59 = tpu.memref_squeeze %dma_start3A_58 : memref<1x128x128xf32, #tpu.memory_space<hbm>> -> memref<128x128xf32, #tpu.memory_space<hbm>>
      %dma_start3A_60 = arith.constant 0 : i32
      %dma_start3A_61 = arith.constant 0 : i32
      %dma_start3A_62 = tpu.memref_slice %arg9[%dma_start3A_60, %dma_start3A_61] : memref<160x128xf32, #tpu.memory_space<vmem>> -> memref<128x128xf32, #tpu.memory_space<vmem>>
      tpu.enqueue_dma source(%dma_start3A_62 : memref<128x128xf32, #tpu.memory_space<vmem>>) target(%dma_start3A_59 : memref<128x128xf32, #tpu.memory_space<hbm>>) target_semaphore(%run_scoped3A_50 : memref<!tpu.dma_semaphore, #tpu.memory_space<semaphore_mem>>)
      %dma_wait3A_63 = arith.constant 0 : i32
      %dma_wait3A_64 = arith.constant 0 : i32
      %dma_wait3A_65 = tpu.memref_slice %arg9[%dma_wait3A_63, %dma_wait3A_64] : memref<160x128xf32, #tpu.memory_space<vmem>> -> memref<128x128xf32, #tpu.memory_space<vmem>>
      %dma_wait3A_66 = arith.constant 0 : i32
      %dma_wait3A_67 = tpu.memref_slice %arg6[%arg0, %add3A_37, %dma_wait3A_66] : memref<2x10240x128xf32, #tpu.memory_space<hbm>> -> memref<1x128x128xf32, #tpu.memory_space<hbm>>
      %dma_wait3A_68 = tpu.memref_squeeze %dma_wait3A_67 : memref<1x128x128xf32, #tpu.memory_space<hbm>> -> memref<128x128xf32, #tpu.memory_space<hbm>>
      %dma_wait3A_69 = arith.constant 0 : i32
      %dma_wait3A_70 = tpu.memref_slice %arg6[%arg0, %add3A_37, %dma_wait3A_69] : memref<2x10240x128xf32, #tpu.memory_space<hbm>> -> memref<1x128x128xf32, #tpu.memory_space<hbm>>
      %dma_wait3A_71 = tpu.memref_squeeze %dma_wait3A_70 : memref<1x128x128xf32, #tpu.memory_space<hbm>> -> memref<128x128xf32, #tpu.memory_space<hbm>>
      %dma_wait3A_72 = arith.constant 0 : i32
      %dma_wait3A_73 = arith.constant 0 : i32
      %dma_wait3A_74 = tpu.memref_slice %arg9[%dma_wait3A_72, %dma_wait3A_73] : memref<160x128xf32, #tpu.memory_space<vmem>> -> memref<128x128xf32, #tpu.memory_space<vmem>>
      tpu.wait_dma2 semaphore(%run_scoped3A_50 : memref<!tpu.dma_semaphore, #tpu.memory_space<semaphore_mem>>) src(%dma_wait3A_74 : memref<128x128xf32, #tpu.memory_space<vmem>>) dst(%dma_wait3A_71 : memref<128x128xf32, #tpu.memory_space<hbm>>)
      tpu.yield
    }) : () -> ()
    %add3A_38 = arith.constant 256 : i32
    %add3A_39 = arith.addi %mul3A_0, %add3A_38 : i32
    "tpu.region"() ({
      %run_scoped3A_50 = tpu.sem_alloc : memref<!tpu.dma_semaphore, #tpu.memory_space<semaphore_mem>>
      %dma_start3A_51 = arith.constant 0 : i32
      %dma_start3A_52 = arith.constant 0 : i32
      %dma_start3A_53 = tpu.memref_slice %arg9[%dma_start3A_51, %dma_start3A_52] : memref<160x128xf32, #tpu.memory_space<vmem>> -> memref<128x128xf32, #tpu.memory_space<vmem>>
      %dma_start3A_54 = arith.constant 0 : i32
      %dma_start3A_55 = tpu.memref_slice %arg10[%add3A_39, %dma_start3A_54] : memref<10240x128xf32, #tpu.memory_space<vmem_shared>> -> memref<128x128xf32, #tpu.memory_space<vmem_shared>>
      %dma_start3A_56 = arith.constant 0 : i32
      %dma_start3A_57 = arith.constant 0 : i32
      %dma_start3A_58 = tpu.memref_slice %arg9[%dma_start3A_56, %dma_start3A_57] : memref<160x128xf32, #tpu.memory_space<vmem>> -> memref<128x128xf32, #tpu.memory_space<vmem>>
      %dma_start3A_59 = arith.constant 0 : i32
      %dma_start3A_60 = tpu.memref_slice %arg10[%add3A_39, %dma_start3A_59] : memref<10240x128xf32, #tpu.memory_space<vmem_shared>> -> memref<128x128xf32, #tpu.memory_space<vmem_shared>>
      tpu.enqueue_dma source(%dma_start3A_60 : memref<128x128xf32, #tpu.memory_space<vmem_shared>>) target(%dma_start3A_58 : memref<128x128xf32, #tpu.memory_space<vmem>>) target_semaphore(%run_scoped3A_50 : memref<!tpu.dma_semaphore, #tpu.memory_space<semaphore_mem>>)
      %dma_wait3A_61 = arith.constant 0 : i32
      %dma_wait3A_62 = arith.constant 0 : i32
      %dma_wait3A_63 = tpu.memref_slice %arg9[%dma_wait3A_61, %dma_wait3A_62] : memref<160x128xf32, #tpu.memory_space<vmem>> -> memref<128x128xf32, #tpu.memory_space<vmem>>
      %dma_wait3A_64 = arith.constant 0 : i32
      %dma_wait3A_65 = tpu.memref_slice %arg10[%add3A_39, %dma_wait3A_64] : memref<10240x128xf32, #tpu.memory_space<vmem_shared>> -> memref<128x128xf32, #tpu.memory_space<vmem_shared>>
      %dma_wait3A_66 = arith.constant 0 : i32
      %dma_wait3A_67 = arith.constant 0 : i32
      %dma_wait3A_68 = tpu.memref_slice %arg9[%dma_wait3A_66, %dma_wait3A_67] : memref<160x128xf32, #tpu.memory_space<vmem>> -> memref<128x128xf32, #tpu.memory_space<vmem>>
      %dma_wait3A_69 = arith.constant 0 : i32
      %dma_wait3A_70 = tpu.memref_slice %arg10[%add3A_39, %dma_wait3A_69] : memref<10240x128xf32, #tpu.memory_space<vmem_shared>> -> memref<128x128xf32, #tpu.memory_space<vmem_shared>>
      tpu.wait_dma2 semaphore(%run_scoped3A_50 : memref<!tpu.dma_semaphore, #tpu.memory_space<semaphore_mem>>) src(%dma_wait3A_70 : memref<128x128xf32, #tpu.memory_space<vmem_shared>>) dst(%dma_wait3A_68 : memref<128x128xf32, #tpu.memory_space<vmem>>)
      tpu.yield
    }) : () -> ()
    %add3A_40 = arith.constant 256 : i32
    %add3A_41 = arith.addi %mul3A_0, %add3A_40 : i32
    "tpu.region"() ({
      %run_scoped3A_50 = tpu.sem_alloc : memref<!tpu.dma_semaphore, #tpu.memory_space<semaphore_mem>>
      %dma_start3A_51 = arith.constant 0 : i32
      %dma_start3A_52 = arith.constant 0 : i32
      %dma_start3A_53 = tpu.memref_slice %arg9[%dma_start3A_51, %dma_start3A_52] : memref<160x128xf32, #tpu.memory_space<vmem>> -> memref<128x128xf32, #tpu.memory_space<vmem>>
      %dma_start3A_54 = arith.constant 0 : i32
      %dma_start3A_55 = tpu.memref_slice %arg6[%arg0, %add3A_41, %dma_start3A_54] : memref<2x10240x128xf32, #tpu.memory_space<hbm>> -> memref<1x128x128xf32, #tpu.memory_space<hbm>>
      %dma_start3A_56 = tpu.memref_squeeze %dma_start3A_55 : memref<1x128x128xf32, #tpu.memory_space<hbm>> -> memref<128x128xf32, #tpu.memory_space<hbm>>
      %dma_start3A_57 = arith.constant 0 : i32
      %dma_start3A_58 = tpu.memref_slice %arg6[%arg0, %add3A_41, %dma_start3A_57] : memref<2x10240x128xf32, #tpu.memory_space<hbm>> -> memref<1x128x128xf32, #tpu.memory_space<hbm>>
      %dma_start3A_59 = tpu.memref_squeeze %dma_start3A_58 : memref<1x128x128xf32, #tpu.memory_space<hbm>> -> memref<128x128xf32, #tpu.memory_space<hbm>>
      %dma_start3A_60 = arith.constant 0 : i32
      %dma_start3A_61 = arith.constant 0 : i32
      %dma_start3A_62 = tpu.memref_slice %arg9[%dma_start3A_60, %dma_start3A_61] : memref<160x128xf32, #tpu.memory_space<vmem>> -> memref<128x128xf32, #tpu.memory_space<vmem>>
      tpu.enqueue_dma source(%dma_start3A_62 : memref<128x128xf32, #tpu.memory_space<vmem>>) target(%dma_start3A_59 : memref<128x128xf32, #tpu.memory_space<hbm>>) target_semaphore(%run_scoped3A_50 : memref<!tpu.dma_semaphore, #tpu.memory_space<semaphore_mem>>)
      %dma_wait3A_63 = arith.constant 0 : i32
      %dma_wait3A_64 = arith.constant 0 : i32
      %dma_wait3A_65 = tpu.memref_slice %arg9[%dma_wait3A_63, %dma_wait3A_64] : memref<160x128xf32, #tpu.memory_space<vmem>> -> memref<128x128xf32, #tpu.memory_space<vmem>>
      %dma_wait3A_66 = arith.constant 0 : i32
      %dma_wait3A_67 = tpu.memref_slice %arg6[%arg0, %add3A_41, %dma_wait3A_66] : memref<2x10240x128xf32, #tpu.memory_space<hbm>> -> memref<1x128x128xf32, #tpu.memory_space<hbm>>
      %dma_wait3A_68 = tpu.memref_squeeze %dma_wait3A_67 : memref<1x128x128xf32, #tpu.memory_space<hbm>> -> memref<128x128xf32, #tpu.memory_space<hbm>>
      %dma_wait3A_69 = arith.constant 0 : i32
      %dma_wait3A_70 = tpu.memref_slice %arg6[%arg0, %add3A_41, %dma_wait3A_69] : memref<2x10240x128xf32, #tpu.memory_space<hbm>> -> memref<1x128x128xf32, #tpu.memory_space<hbm>>
      %dma_wait3A_71 = tpu.memref_squeeze %dma_wait3A_70 : memref<1x128x128xf32, #tpu.memory_space<hbm>> -> memref<128x128xf32, #tpu.memory_space<hbm>>
      %dma_wait3A_72 = arith.constant 0 : i32
      %dma_wait3A_73 = arith.constant 0 : i32
      %dma_wait3A_74 = tpu.memref_slice %arg9[%dma_wait3A_72, %dma_wait3A_73] : memref<160x128xf32, #tpu.memory_space<vmem>> -> memref<128x128xf32, #tpu.memory_space<vmem>>
      tpu.wait_dma2 semaphore(%run_scoped3A_50 : memref<!tpu.dma_semaphore, #tpu.memory_space<semaphore_mem>>) src(%dma_wait3A_74 : memref<128x128xf32, #tpu.memory_space<vmem>>) dst(%dma_wait3A_71 : memref<128x128xf32, #tpu.memory_space<hbm>>)
      tpu.yield
    }) : () -> ()
    %add3A_42 = arith.constant 384 : i32
    %add3A_43 = arith.addi %mul3A_0, %add3A_42 : i32
    "tpu.region"() ({
      %run_scoped3A_50 = tpu.sem_alloc : memref<!tpu.dma_semaphore, #tpu.memory_space<semaphore_mem>>
      %dma_start3A_51 = arith.constant 0 : i32
      %dma_start3A_52 = arith.constant 0 : i32
      %dma_start3A_53 = tpu.memref_slice %arg9[%dma_start3A_51, %dma_start3A_52] : memref<160x128xf32, #tpu.memory_space<vmem>> -> memref<128x128xf32, #tpu.memory_space<vmem>>
      %dma_start3A_54 = arith.constant 0 : i32
      %dma_start3A_55 = tpu.memref_slice %arg10[%add3A_43, %dma_start3A_54] : memref<10240x128xf32, #tpu.memory_space<vmem_shared>> -> memref<128x128xf32, #tpu.memory_space<vmem_shared>>
      %dma_start3A_56 = arith.constant 0 : i32
      %dma_start3A_57 = arith.constant 0 : i32
      %dma_start3A_58 = tpu.memref_slice %arg9[%dma_start3A_56, %dma_start3A_57] : memref<160x128xf32, #tpu.memory_space<vmem>> -> memref<128x128xf32, #tpu.memory_space<vmem>>
      %dma_start3A_59 = arith.constant 0 : i32
      %dma_start3A_60 = tpu.memref_slice %arg10[%add3A_43, %dma_start3A_59] : memref<10240x128xf32, #tpu.memory_space<vmem_shared>> -> memref<128x128xf32, #tpu.memory_space<vmem_shared>>
      tpu.enqueue_dma source(%dma_start3A_60 : memref<128x128xf32, #tpu.memory_space<vmem_shared>>) target(%dma_start3A_58 : memref<128x128xf32, #tpu.memory_space<vmem>>) target_semaphore(%run_scoped3A_50 : memref<!tpu.dma_semaphore, #tpu.memory_space<semaphore_mem>>)
      %dma_wait3A_61 = arith.constant 0 : i32
      %dma_wait3A_62 = arith.constant 0 : i32
      %dma_wait3A_63 = tpu.memref_slice %arg9[%dma_wait3A_61, %dma_wait3A_62] : memref<160x128xf32, #tpu.memory_space<vmem>> -> memref<128x128xf32, #tpu.memory_space<vmem>>
      %dma_wait3A_64 = arith.constant 0 : i32
      %dma_wait3A_65 = tpu.memref_slice %arg10[%add3A_43, %dma_wait3A_64] : memref<10240x128xf32, #tpu.memory_space<vmem_shared>> -> memref<128x128xf32, #tpu.memory_space<vmem_shared>>
      %dma_wait3A_66 = arith.constant 0 : i32
      %dma_wait3A_67 = arith.constant 0 : i32
      %dma_wait3A_68 = tpu.memref_slice %arg9[%dma_wait3A_66, %dma_wait3A_67] : memref<160x128xf32, #tpu.memory_space<vmem>> -> memref<128x128xf32, #tpu.memory_space<vmem>>
      %dma_wait3A_69 = arith.constant 0 : i32
      %dma_wait3A_70 = tpu.memref_slice %arg10[%add3A_43, %dma_wait3A_69] : memref<10240x128xf32, #tpu.memory_space<vmem_shared>> -> memref<128x128xf32, #tpu.memory_space<vmem_shared>>
      tpu.wait_dma2 semaphore(%run_scoped3A_50 : memref<!tpu.dma_semaphore, #tpu.memory_space<semaphore_mem>>) src(%dma_wait3A_70 : memref<128x128xf32, #tpu.memory_space<vmem_shared>>) dst(%dma_wait3A_68 : memref<128x128xf32, #tpu.memory_space<vmem>>)
      tpu.yield
    }) : () -> ()
    %add3A_44 = arith.constant 384 : i32
    %add3A_45 = arith.addi %mul3A_0, %add3A_44 : i32
    "tpu.region"() ({
      %run_scoped3A_50 = tpu.sem_alloc : memref<!tpu.dma_semaphore, #tpu.memory_space<semaphore_mem>>
      %dma_start3A_51 = arith.constant 0 : i32
      %dma_start3A_52 = arith.constant 0 : i32
      %dma_start3A_53 = tpu.memref_slice %arg9[%dma_start3A_51, %dma_start3A_52] : memref<160x128xf32, #tpu.memory_space<vmem>> -> memref<128x128xf32, #tpu.memory_space<vmem>>
      %dma_start3A_54 = arith.constant 0 : i32
      %dma_start3A_55 = tpu.memref_slice %arg6[%arg0, %add3A_45, %dma_start3A_54] : memref<2x10240x128xf32, #tpu.memory_space<hbm>> -> memref<1x128x128xf32, #tpu.memory_space<hbm>>
      %dma_start3A_56 = tpu.memref_squeeze %dma_start3A_55 : memref<1x128x128xf32, #tpu.memory_space<hbm>> -> memref<128x128xf32, #tpu.memory_space<hbm>>
      %dma_start3A_57 = arith.constant 0 : i32
      %dma_start3A_58 = tpu.memref_slice %arg6[%arg0, %add3A_45, %dma_start3A_57] : memref<2x10240x128xf32, #tpu.memory_space<hbm>> -> memref<1x128x128xf32, #tpu.memory_space<hbm>>
      %dma_start3A_59 = tpu.memref_squeeze %dma_start3A_58 : memref<1x128x128xf32, #tpu.memory_space<hbm>> -> memref<128x128xf32, #tpu.memory_space<hbm>>
      %dma_start3A_60 = arith.constant 0 : i32
      %dma_start3A_61 = arith.constant 0 : i32
      %dma_start3A_62 = tpu.memref_slice %arg9[%dma_start3A_60, %dma_start3A_61] : memref<160x128xf32, #tpu.memory_space<vmem>> -> memref<128x128xf32, #tpu.memory_space<vmem>>
      tpu.enqueue_dma source(%dma_start3A_62 : memref<128x128xf32, #tpu.memory_space<vmem>>) target(%dma_start3A_59 : memref<128x128xf32, #tpu.memory_space<hbm>>) target_semaphore(%run_scoped3A_50 : memref<!tpu.dma_semaphore, #tpu.memory_space<semaphore_mem>>)
      %dma_wait3A_63 = arith.constant 0 : i32
      %dma_wait3A_64 = arith.constant 0 : i32
      %dma_wait3A_65 = tpu.memref_slice %arg9[%dma_wait3A_63, %dma_wait3A_64] : memref<160x128xf32, #tpu.memory_space<vmem>> -> memref<128x128xf32, #tpu.memory_space<vmem>>
      %dma_wait3A_66 = arith.constant 0 : i32
      %dma_wait3A_67 = tpu.memref_slice %arg6[%arg0, %add3A_45, %dma_wait3A_66] : memref<2x10240x128xf32, #tpu.memory_space<hbm>> -> memref<1x128x128xf32, #tpu.memory_space<hbm>>
      %dma_wait3A_68 = tpu.memref_squeeze %dma_wait3A_67 : memref<1x128x128xf32, #tpu.memory_space<hbm>> -> memref<128x128xf32, #tpu.memory_space<hbm>>
      %dma_wait3A_69 = arith.constant 0 : i32
      %dma_wait3A_70 = tpu.memref_slice %arg6[%arg0, %add3A_45, %dma_wait3A_69] : memref<2x10240x128xf32, #tpu.memory_space<hbm>> -> memref<1x128x128xf32, #tpu.memory_space<hbm>>
      %dma_wait3A_71 = tpu.memref_squeeze %dma_wait3A_70 : memref<1x128x128xf32, #tpu.memory_space<hbm>> -> memref<128x128xf32, #tpu.memory_space<hbm>>
      %dma_wait3A_72 = arith.constant 0 : i32
      %dma_wait3A_73 = arith.constant 0 : i32
      %dma_wait3A_74 = tpu.memref_slice %arg9[%dma_wait3A_72, %dma_wait3A_73] : memref<160x128xf32, #tpu.memory_space<vmem>> -> memref<128x128xf32, #tpu.memory_space<vmem>>
      tpu.wait_dma2 semaphore(%run_scoped3A_50 : memref<!tpu.dma_semaphore, #tpu.memory_space<semaphore_mem>>) src(%dma_wait3A_74 : memref<128x128xf32, #tpu.memory_space<vmem>>) dst(%dma_wait3A_71 : memref<128x128xf32, #tpu.memory_space<hbm>>)
      tpu.yield
    }) : () -> ()
    %add3A_46 = arith.constant 512 : i32
    %add3A_47 = arith.addi %mul3A_0, %add3A_46 : i32
    "tpu.region"() ({
      %run_scoped3A_50 = tpu.sem_alloc : memref<!tpu.dma_semaphore, #tpu.memory_space<semaphore_mem>>
      %dma_start3A_51 = arith.constant 0 : i32
      %dma_start3A_52 = arith.constant 0 : i32
      %dma_start3A_53 = tpu.memref_slice %arg9[%dma_start3A_51, %dma_start3A_52] : memref<160x128xf32, #tpu.memory_space<vmem>> -> memref<128x128xf32, #tpu.memory_space<vmem>>
      %dma_start3A_54 = arith.constant 0 : i32
      %dma_start3A_55 = tpu.memref_slice %arg10[%add3A_47, %dma_start3A_54] : memref<10240x128xf32, #tpu.memory_space<vmem_shared>> -> memref<128x128xf32, #tpu.memory_space<vmem_shared>>
      %dma_start3A_56 = arith.constant 0 : i32
      %dma_start3A_57 = arith.constant 0 : i32
      %dma_start3A_58 = tpu.memref_slice %arg9[%dma_start3A_56, %dma_start3A_57] : memref<160x128xf32, #tpu.memory_space<vmem>> -> memref<128x128xf32, #tpu.memory_space<vmem>>
      %dma_start3A_59 = arith.constant 0 : i32
      %dma_start3A_60 = tpu.memref_slice %arg10[%add3A_47, %dma_start3A_59] : memref<10240x128xf32, #tpu.memory_space<vmem_shared>> -> memref<128x128xf32, #tpu.memory_space<vmem_shared>>
      tpu.enqueue_dma source(%dma_start3A_60 : memref<128x128xf32, #tpu.memory_space<vmem_shared>>) target(%dma_start3A_58 : memref<128x128xf32, #tpu.memory_space<vmem>>) target_semaphore(%run_scoped3A_50 : memref<!tpu.dma_semaphore, #tpu.memory_space<semaphore_mem>>)
      %dma_wait3A_61 = arith.constant 0 : i32
      %dma_wait3A_62 = arith.constant 0 : i32
      %dma_wait3A_63 = tpu.memref_slice %arg9[%dma_wait3A_61, %dma_wait3A_62] : memref<160x128xf32, #tpu.memory_space<vmem>> -> memref<128x128xf32, #tpu.memory_space<vmem>>
      %dma_wait3A_64 = arith.constant 0 : i32
      %dma_wait3A_65 = tpu.memref_slice %arg10[%add3A_47, %dma_wait3A_64] : memref<10240x128xf32, #tpu.memory_space<vmem_shared>> -> memref<128x128xf32, #tpu.memory_space<vmem_shared>>
      %dma_wait3A_66 = arith.constant 0 : i32
      %dma_wait3A_67 = arith.constant 0 : i32
      %dma_wait3A_68 = tpu.memref_slice %arg9[%dma_wait3A_66, %dma_wait3A_67] : memref<160x128xf32, #tpu.memory_space<vmem>> -> memref<128x128xf32, #tpu.memory_space<vmem>>
      %dma_wait3A_69 = arith.constant 0 : i32
      %dma_wait3A_70 = tpu.memref_slice %arg10[%add3A_47, %dma_wait3A_69] : memref<10240x128xf32, #tpu.memory_space<vmem_shared>> -> memref<128x128xf32, #tpu.memory_space<vmem_shared>>
      tpu.wait_dma2 semaphore(%run_scoped3A_50 : memref<!tpu.dma_semaphore, #tpu.memory_space<semaphore_mem>>) src(%dma_wait3A_70 : memref<128x128xf32, #tpu.memory_space<vmem_shared>>) dst(%dma_wait3A_68 : memref<128x128xf32, #tpu.memory_space<vmem>>)
      tpu.yield
    }) : () -> ()
    %add3A_48 = arith.constant 512 : i32
    %add3A_49 = arith.addi %mul3A_0, %add3A_48 : i32
    "tpu.region"() ({
      %run_scoped3A_50 = tpu.sem_alloc : memref<!tpu.dma_semaphore, #tpu.memory_space<semaphore_mem>>
      %dma_start3A_51 = arith.constant 0 : i32
      %dma_start3A_52 = arith.constant 0 : i32
      %dma_start3A_53 = tpu.memref_slice %arg9[%dma_start3A_51, %dma_start3A_52] : memref<160x128xf32, #tpu.memory_space<vmem>> -> memref<128x128xf32, #tpu.memory_space<vmem>>
      %dma_start3A_54 = arith.constant 0 : i32
      %dma_start3A_55 = tpu.memref_slice %arg6[%arg0, %add3A_49, %dma_start3A_54] : memref<2x10240x128xf32, #tpu.memory_space<hbm>> -> memref<1x128x128xf32, #tpu.memory_space<hbm>>
      %dma_start3A_56 = tpu.memref_squeeze %dma_start3A_55 : memref<1x128x128xf32, #tpu.memory_space<hbm>> -> memref<128x128xf32, #tpu.memory_space<hbm>>
      %dma_start3A_57 = arith.constant 0 : i32
      %dma_start3A_58 = tpu.memref_slice %arg6[%arg0, %add3A_49, %dma_start3A_57] : memref<2x10240x128xf32, #tpu.memory_space<hbm>> -> memref<1x128x128xf32, #tpu.memory_space<hbm>>
      %dma_start3A_59 = tpu.memref_squeeze %dma_start3A_58 : memref<1x128x128xf32, #tpu.memory_space<hbm>> -> memref<128x128xf32, #tpu.memory_space<hbm>>
      %dma_start3A_60 = arith.constant 0 : i32
      %dma_start3A_61 = arith.constant 0 : i32
      %dma_start3A_62 = tpu.memref_slice %arg9[%dma_start3A_60, %dma_start3A_61] : memref<160x128xf32, #tpu.memory_space<vmem>> -> memref<128x128xf32, #tpu.memory_space<vmem>>
      tpu.enqueue_dma source(%dma_start3A_62 : memref<128x128xf32, #tpu.memory_space<vmem>>) target(%dma_start3A_59 : memref<128x128xf32, #tpu.memory_space<hbm>>) target_semaphore(%run_scoped3A_50 : memref<!tpu.dma_semaphore, #tpu.memory_space<semaphore_mem>>)
      %dma_wait3A_63 = arith.constant 0 : i32
      %dma_wait3A_64 = arith.constant 0 : i32
      %dma_wait3A_65 = tpu.memref_slice %arg9[%dma_wait3A_63, %dma_wait3A_64] : memref<160x128xf32, #tpu.memory_space<vmem>> -> memref<128x128xf32, #tpu.memory_space<vmem>>
      %dma_wait3A_66 = arith.constant 0 : i32
      %dma_wait3A_67 = tpu.memref_slice %arg6[%arg0, %add3A_49, %dma_wait3A_66] : memref<2x10240x128xf32, #tpu.memory_space<hbm>> -> memref<1x128x128xf32, #tpu.memory_space<hbm>>
      %dma_wait3A_68 = tpu.memref_squeeze %dma_wait3A_67 : memref<1x128x128xf32, #tpu.memory_space<hbm>> -> memref<128x128xf32, #tpu.memory_space<hbm>>
      %dma_wait3A_69 = arith.constant 0 : i32
      %dma_wait3A_70 = tpu.memref_slice %arg6[%arg0, %add3A_49, %dma_wait3A_69] : memref<2x10240x128xf32, #tpu.memory_space<hbm>> -> memref<1x128x128xf32, #tpu.memory_space<hbm>>
      %dma_wait3A_71 = tpu.memref_squeeze %dma_wait3A_70 : memref<1x128x128xf32, #tpu.memory_space<hbm>> -> memref<128x128xf32, #tpu.memory_space<hbm>>
      %dma_wait3A_72 = arith.constant 0 : i32
      %dma_wait3A_73 = arith.constant 0 : i32
      %dma_wait3A_74 = tpu.memref_slice %arg9[%dma_wait3A_72, %dma_wait3A_73] : memref<160x128xf32, #tpu.memory_space<vmem>> -> memref<128x128xf32, #tpu.memory_space<vmem>>
      tpu.wait_dma2 semaphore(%run_scoped3A_50 : memref<!tpu.dma_semaphore, #tpu.memory_space<semaphore_mem>>) src(%dma_wait3A_74 : memref<128x128xf32, #tpu.memory_space<vmem>>) dst(%dma_wait3A_71 : memref<128x128xf32, #tpu.memory_space<hbm>>)
      tpu.yield
    }) : () -> ()
    return
  }
}

#map = affine_map<(d0, d1) -> (0, 0)>
#map1 = affine_map<(d0, d1) -> (0, 0, 0)>
module attributes {stable_mosaic.version = 14 : i64} {
  func.func @_agg_body(%arg0: i32, %arg1: i32, %arg2: memref<20000x128xf32, #tpu.memory_space<hbm>>, %arg3: memref<2x16x10000xi32, #tpu.memory_space<hbm>>, %arg4: memref<16x125x80xi32, #tpu.memory_space<hbm>>, %arg5: memref<128x128xf32, #tpu.memory_space<hbm>>, %arg6: memref<2x10240x128xf32, #tpu.memory_space<hbm>>, %arg7: memref<10000xi32, #tpu.memory_space<vmem>>, %arg8: memref<125x80xi32, #tpu.memory_space<vmem>>, %arg9: memref<160x128xf32, #tpu.memory_space<vmem>>, %arg10: memref<10240x128xf32, #tpu.memory_space<vmem_shared>>, %arg11: memref<!tpu.dma_semaphore, #tpu.memory_space<semaphore_mem>>, %arg12: memref<!tpu.dma_semaphore, #tpu.memory_space<semaphore_mem>>) attributes {dimension_semantics = [#tpu.dimension_semantics<core_parallel>, #tpu.dimension_semantics<subcore_parallel>], iteration_bounds = array<i64: 2, 16>, scalar_prefetch = 0 : i64, scratch_operands = 6 : i64, tpu.core_type = #tpu.core_type<sc_vector_subcore>, window_params = [{transform_indices = #map}, {transform_indices = #map1}, {transform_indices = #map1}, {transform_indices = #map}, {transform_indices = #map1}]} {
    "tpu.region"() ({
      %run_scoped3A_50 = tpu.sem_alloc : memref<!tpu.dma_semaphore, #tpu.memory_space<semaphore_mem>>
      %dma_start3A_51 = arith.constant 0 : i32
      %dma_start3A_52 = tpu.memref_slice %arg3[%arg0, %arg1, %dma_start3A_51] : memref<2x16x10000xi32, #tpu.memory_space<hbm>> -> memref<1x1x10000xi32, #tpu.memory_space<hbm>>
      %dma_start3A_53 = tpu.memref_squeeze %dma_start3A_52 : memref<1x1x10000xi32, #tpu.memory_space<hbm>> -> memref<10000xi32, #tpu.memory_space<hbm>>
      %dma_start3A_54 = arith.constant 0 : i32
      %dma_start3A_55 = tpu.memref_slice %arg3[%arg0, %arg1, %dma_start3A_54] : memref<2x16x10000xi32, #tpu.memory_space<hbm>> -> memref<1x1x10000xi32, #tpu.memory_space<hbm>>
      %dma_start3A_56 = tpu.memref_squeeze %dma_start3A_55 : memref<1x1x10000xi32, #tpu.memory_space<hbm>> -> memref<10000xi32, #tpu.memory_space<hbm>>
      tpu.enqueue_dma source(%dma_start3A_56 : memref<10000xi32, #tpu.memory_space<hbm>>) target(%arg7 : memref<10000xi32, #tpu.memory_space<vmem>>) target_semaphore(%run_scoped3A_50 : memref<!tpu.dma_semaphore, #tpu.memory_space<semaphore_mem>>)
      %dma_wait3A_57 = arith.constant 0 : i32
      %dma_wait3A_58 = tpu.memref_slice %arg3[%arg0, %arg1, %dma_wait3A_57] : memref<2x16x10000xi32, #tpu.memory_space<hbm>> -> memref<1x1x10000xi32, #tpu.memory_space<hbm>>
      %dma_wait3A_59 = tpu.memref_squeeze %dma_wait3A_58 : memref<1x1x10000xi32, #tpu.memory_space<hbm>> -> memref<10000xi32, #tpu.memory_space<hbm>>
      %dma_wait3A_60 = arith.constant 0 : i32
      %dma_wait3A_61 = tpu.memref_slice %arg3[%arg0, %arg1, %dma_wait3A_60] : memref<2x16x10000xi32, #tpu.memory_space<hbm>> -> memref<1x1x10000xi32, #tpu.memory_space<hbm>>
      %dma_wait3A_62 = tpu.memref_squeeze %dma_wait3A_61 : memref<1x1x10000xi32, #tpu.memory_space<hbm>> -> memref<10000xi32, #tpu.memory_space<hbm>>
      tpu.wait_dma2 semaphore(%run_scoped3A_50 : memref<!tpu.dma_semaphore, #tpu.memory_space<semaphore_mem>>) src(%dma_wait3A_62 : memref<10000xi32, #tpu.memory_space<hbm>>) dst(%arg7 : memref<10000xi32, #tpu.memory_space<vmem>>)
      tpu.yield
    }) : () -> ()
    "tpu.region"() ({
      %run_scoped3A_50 = tpu.sem_alloc : memref<!tpu.dma_semaphore, #tpu.memory_space<semaphore_mem>>
      %dma_start3A_51 = arith.constant 0 : i32
      %dma_start3A_52 = arith.constant 0 : i32
      %dma_start3A_53 = tpu.memref_slice %arg4[%arg1, %dma_start3A_51, %dma_start3A_52] : memref<16x125x80xi32, #tpu.memory_space<hbm>> -> memref<1x125x80xi32, #tpu.memory_space<hbm>>
      %dma_start3A_54 = tpu.memref_squeeze %dma_start3A_53 : memref<1x125x80xi32, #tpu.memory_space<hbm>> -> memref<125x80xi32, #tpu.memory_space<hbm>>
      %dma_start3A_55 = arith.constant 0 : i32
      %dma_start3A_56 = arith.constant 0 : i32
      %dma_start3A_57 = tpu.memref_slice %arg4[%arg1, %dma_start3A_55, %dma_start3A_56] : memref<16x125x80xi32, #tpu.memory_space<hbm>> -> memref<1x125x80xi32, #tpu.memory_space<hbm>>
      %dma_start3A_58 = tpu.memref_squeeze %dma_start3A_57 : memref<1x125x80xi32, #tpu.memory_space<hbm>> -> memref<125x80xi32, #tpu.memory_space<hbm>>
      tpu.enqueue_dma source(%dma_start3A_58 : memref<125x80xi32, #tpu.memory_space<hbm>>) target(%arg8 : memref<125x80xi32, #tpu.memory_space<vmem>>) target_semaphore(%run_scoped3A_50 : memref<!tpu.dma_semaphore, #tpu.memory_space<semaphore_mem>>)
      %dma_wait3A_59 = arith.constant 0 : i32
      %dma_wait3A_60 = arith.constant 0 : i32
      %dma_wait3A_61 = tpu.memref_slice %arg4[%arg1, %dma_wait3A_59, %dma_wait3A_60] : memref<16x125x80xi32, #tpu.memory_space<hbm>> -> memref<1x125x80xi32, #tpu.memory_space<hbm>>
      %dma_wait3A_62 = tpu.memref_squeeze %dma_wait3A_61 : memref<1x125x80xi32, #tpu.memory_space<hbm>> -> memref<125x80xi32, #tpu.memory_space<hbm>>
      %dma_wait3A_63 = arith.constant 0 : i32
      %dma_wait3A_64 = arith.constant 0 : i32
      %dma_wait3A_65 = tpu.memref_slice %arg4[%arg1, %dma_wait3A_63, %dma_wait3A_64] : memref<16x125x80xi32, #tpu.memory_space<hbm>> -> memref<1x125x80xi32, #tpu.memory_space<hbm>>
      %dma_wait3A_66 = tpu.memref_squeeze %dma_wait3A_65 : memref<1x125x80xi32, #tpu.memory_space<hbm>> -> memref<125x80xi32, #tpu.memory_space<hbm>>
      tpu.wait_dma2 semaphore(%run_scoped3A_50 : memref<!tpu.dma_semaphore, #tpu.memory_space<semaphore_mem>>) src(%dma_wait3A_66 : memref<125x80xi32, #tpu.memory_space<hbm>>) dst(%arg8 : memref<125x80xi32, #tpu.memory_space<vmem>>)
      tpu.yield
    }) : () -> ()
    "tpu.region"() ({
      %run_scoped3A_50 = tpu.sem_alloc : memref<!tpu.dma_semaphore, #tpu.memory_space<semaphore_mem>>
      %dma_start3A_51 = arith.constant 0 : i32
      %dma_start3A_52 = arith.constant 0 : i32
      %dma_start3A_53 = tpu.memref_slice %arg9[%dma_start3A_51, %dma_start3A_52] : memref<160x128xf32, #tpu.memory_space<vmem>> -> memref<128x128xf32, #tpu.memory_space<vmem>>
      %dma_start3A_54 = arith.constant 0 : i32
      %dma_start3A_55 = arith.constant 0 : i32
      %dma_start3A_56 = tpu.memref_slice %arg9[%dma_start3A_54, %dma_start3A_55] : memref<160x128xf32, #tpu.memory_space<vmem>> -> memref<128x128xf32, #tpu.memory_space<vmem>>
      tpu.enqueue_dma source(%arg5 : memref<128x128xf32, #tpu.memory_space<hbm>>) target(%dma_start3A_56 : memref<128x128xf32, #tpu.memory_space<vmem>>) target_semaphore(%run_scoped3A_50 : memref<!tpu.dma_semaphore, #tpu.memory_space<semaphore_mem>>)
      %dma_wait3A_57 = arith.constant 0 : i32
      %dma_wait3A_58 = arith.constant 0 : i32
      %dma_wait3A_59 = tpu.memref_slice %arg9[%dma_wait3A_57, %dma_wait3A_58] : memref<160x128xf32, #tpu.memory_space<vmem>> -> memref<128x128xf32, #tpu.memory_space<vmem>>
      %dma_wait3A_60 = arith.constant 0 : i32
      %dma_wait3A_61 = arith.constant 0 : i32
      %dma_wait3A_62 = tpu.memref_slice %arg9[%dma_wait3A_60, %dma_wait3A_61] : memref<160x128xf32, #tpu.memory_space<vmem>> -> memref<128x128xf32, #tpu.memory_space<vmem>>
      tpu.wait_dma2 semaphore(%run_scoped3A_50 : memref<!tpu.dma_semaphore, #tpu.memory_space<semaphore_mem>>) src(%arg5 : memref<128x128xf32, #tpu.memory_space<hbm>>) dst(%dma_wait3A_62 : memref<128x128xf32, #tpu.memory_space<vmem>>)
      tpu.yield
    }) : () -> ()
    %mul3A = arith.constant 640 : i32
    %mul3A_0 = arith.muli %arg1, %mul3A : i32
    %add3A = arith.constant 0 : i32
    %add3A_1 = arith.addi %mul3A_0, %add3A : i32
    "tpu.region"() ({
      %run_scoped3A_50 = tpu.sem_alloc : memref<!tpu.dma_semaphore, #tpu.memory_space<semaphore_mem>>
      %dma_start3A_51 = arith.constant 0 : i32
      %dma_start3A_52 = arith.constant 0 : i32
      %dma_start3A_53 = tpu.memref_slice %arg9[%dma_start3A_51, %dma_start3A_52] : memref<160x128xf32, #tpu.memory_space<vmem>> -> memref<128x128xf32, #tpu.memory_space<vmem>>
      %dma_start3A_54 = arith.constant 0 : i32
      %dma_start3A_55 = tpu.memref_slice %arg10[%add3A_1, %dma_start3A_54] : memref<10240x128xf32, #tpu.memory_space<vmem_shared>> -> memref<128x128xf32, #tpu.memory_space<vmem_shared>>
      %dma_start3A_56 = arith.constant 0 : i32
      %dma_start3A_57 = tpu.memref_slice %arg10[%add3A_1, %dma_start3A_56] : memref<10240x128xf32, #tpu.memory_space<vmem_shared>> -> memref<128x128xf32, #tpu.memory_space<vmem_shared>>
      %dma_start3A_58 = arith.constant 0 : i32
      %dma_start3A_59 = arith.constant 0 : i32
      %dma_start3A_60 = tpu.memref_slice %arg9[%dma_start3A_58, %dma_start3A_59] : memref<160x128xf32, #tpu.memory_space<vmem>> -> memref<128x128xf32, #tpu.memory_space<vmem>>
      tpu.enqueue_dma source(%dma_start3A_60 : memref<128x128xf32, #tpu.memory_space<vmem>>) target(%dma_start3A_57 : memref<128x128xf32, #tpu.memory_space<vmem_shared>>) target_semaphore(%run_scoped3A_50 : memref<!tpu.dma_semaphore, #tpu.memory_space<semaphore_mem>>)
      %dma_wait3A_61 = arith.constant 0 : i32
      %dma_wait3A_62 = arith.constant 0 : i32
      %dma_wait3A_63 = tpu.memref_slice %arg9[%dma_wait3A_61, %dma_wait3A_62] : memref<160x128xf32, #tpu.memory_space<vmem>> -> memref<128x128xf32, #tpu.memory_space<vmem>>
      %dma_wait3A_64 = arith.constant 0 : i32
      %dma_wait3A_65 = tpu.memref_slice %arg10[%add3A_1, %dma_wait3A_64] : memref<10240x128xf32, #tpu.memory_space<vmem_shared>> -> memref<128x128xf32, #tpu.memory_space<vmem_shared>>
      %dma_wait3A_66 = arith.constant 0 : i32
      %dma_wait3A_67 = tpu.memref_slice %arg10[%add3A_1, %dma_wait3A_66] : memref<10240x128xf32, #tpu.memory_space<vmem_shared>> -> memref<128x128xf32, #tpu.memory_space<vmem_shared>>
      %dma_wait3A_68 = arith.constant 0 : i32
      %dma_wait3A_69 = arith.constant 0 : i32
      %dma_wait3A_70 = tpu.memref_slice %arg9[%dma_wait3A_68, %dma_wait3A_69] : memref<160x128xf32, #tpu.memory_space<vmem>> -> memref<128x128xf32, #tpu.memory_space<vmem>>
      tpu.wait_dma2 semaphore(%run_scoped3A_50 : memref<!tpu.dma_semaphore, #tpu.memory_space<semaphore_mem>>) src(%dma_wait3A_70 : memref<128x128xf32, #tpu.memory_space<vmem>>) dst(%dma_wait3A_67 : memref<128x128xf32, #tpu.memory_space<vmem_shared>>)
      tpu.yield
    }) : () -> ()
    %add3A_2 = arith.constant 128 : i32
    %add3A_3 = arith.addi %mul3A_0, %add3A_2 : i32
    "tpu.region"() ({
      %run_scoped3A_50 = tpu.sem_alloc : memref<!tpu.dma_semaphore, #tpu.memory_space<semaphore_mem>>
      %dma_start3A_51 = arith.constant 0 : i32
      %dma_start3A_52 = arith.constant 0 : i32
      %dma_start3A_53 = tpu.memref_slice %arg9[%dma_start3A_51, %dma_start3A_52] : memref<160x128xf32, #tpu.memory_space<vmem>> -> memref<128x128xf32, #tpu.memory_space<vmem>>
      %dma_start3A_54 = arith.constant 0 : i32
      %dma_start3A_55 = tpu.memref_slice %arg10[%add3A_3, %dma_start3A_54] : memref<10240x128xf32, #tpu.memory_space<vmem_shared>> -> memref<128x128xf32, #tpu.memory_space<vmem_shared>>
      %dma_start3A_56 = arith.constant 0 : i32
      %dma_start3A_57 = tpu.memref_slice %arg10[%add3A_3, %dma_start3A_56] : memref<10240x128xf32, #tpu.memory_space<vmem_shared>> -> memref<128x128xf32, #tpu.memory_space<vmem_shared>>
      %dma_start3A_58 = arith.constant 0 : i32
      %dma_start3A_59 = arith.constant 0 : i32
      %dma_start3A_60 = tpu.memref_slice %arg9[%dma_start3A_58, %dma_start3A_59] : memref<160x128xf32, #tpu.memory_space<vmem>> -> memref<128x128xf32, #tpu.memory_space<vmem>>
      tpu.enqueue_dma source(%dma_start3A_60 : memref<128x128xf32, #tpu.memory_space<vmem>>) target(%dma_start3A_57 : memref<128x128xf32, #tpu.memory_space<vmem_shared>>) target_semaphore(%run_scoped3A_50 : memref<!tpu.dma_semaphore, #tpu.memory_space<semaphore_mem>>)
      %dma_wait3A_61 = arith.constant 0 : i32
      %dma_wait3A_62 = arith.constant 0 : i32
      %dma_wait3A_63 = tpu.memref_slice %arg9[%dma_wait3A_61, %dma_wait3A_62] : memref<160x128xf32, #tpu.memory_space<vmem>> -> memref<128x128xf32, #tpu.memory_space<vmem>>
      %dma_wait3A_64 = arith.constant 0 : i32
      %dma_wait3A_65 = tpu.memref_slice %arg10[%add3A_3, %dma_wait3A_64] : memref<10240x128xf32, #tpu.memory_space<vmem_shared>> -> memref<128x128xf32, #tpu.memory_space<vmem_shared>>
      %dma_wait3A_66 = arith.constant 0 : i32
      %dma_wait3A_67 = tpu.memref_slice %arg10[%add3A_3, %dma_wait3A_66] : memref<10240x128xf32, #tpu.memory_space<vmem_shared>> -> memref<128x128xf32, #tpu.memory_space<vmem_shared>>
      %dma_wait3A_68 = arith.constant 0 : i32
      %dma_wait3A_69 = arith.constant 0 : i32
      %dma_wait3A_70 = tpu.memref_slice %arg9[%dma_wait3A_68, %dma_wait3A_69] : memref<160x128xf32, #tpu.memory_space<vmem>> -> memref<128x128xf32, #tpu.memory_space<vmem>>
      tpu.wait_dma2 semaphore(%run_scoped3A_50 : memref<!tpu.dma_semaphore, #tpu.memory_space<semaphore_mem>>) src(%dma_wait3A_70 : memref<128x128xf32, #tpu.memory_space<vmem>>) dst(%dma_wait3A_67 : memref<128x128xf32, #tpu.memory_space<vmem_shared>>)
      tpu.yield
    }) : () -> ()
    %add3A_4 = arith.constant 256 : i32
    %add3A_5 = arith.addi %mul3A_0, %add3A_4 : i32
    "tpu.region"() ({
      %run_scoped3A_50 = tpu.sem_alloc : memref<!tpu.dma_semaphore, #tpu.memory_space<semaphore_mem>>
      %dma_start3A_51 = arith.constant 0 : i32
      %dma_start3A_52 = arith.constant 0 : i32
      %dma_start3A_53 = tpu.memref_slice %arg9[%dma_start3A_51, %dma_start3A_52] : memref<160x128xf32, #tpu.memory_space<vmem>> -> memref<128x128xf32, #tpu.memory_space<vmem>>
      %dma_start3A_54 = arith.constant 0 : i32
      %dma_start3A_55 = tpu.memref_slice %arg10[%add3A_5, %dma_start3A_54] : memref<10240x128xf32, #tpu.memory_space<vmem_shared>> -> memref<128x128xf32, #tpu.memory_space<vmem_shared>>
      %dma_start3A_56 = arith.constant 0 : i32
      %dma_start3A_57 = tpu.memref_slice %arg10[%add3A_5, %dma_start3A_56] : memref<10240x128xf32, #tpu.memory_space<vmem_shared>> -> memref<128x128xf32, #tpu.memory_space<vmem_shared>>
      %dma_start3A_58 = arith.constant 0 : i32
      %dma_start3A_59 = arith.constant 0 : i32
      %dma_start3A_60 = tpu.memref_slice %arg9[%dma_start3A_58, %dma_start3A_59] : memref<160x128xf32, #tpu.memory_space<vmem>> -> memref<128x128xf32, #tpu.memory_space<vmem>>
      tpu.enqueue_dma source(%dma_start3A_60 : memref<128x128xf32, #tpu.memory_space<vmem>>) target(%dma_start3A_57 : memref<128x128xf32, #tpu.memory_space<vmem_shared>>) target_semaphore(%run_scoped3A_50 : memref<!tpu.dma_semaphore, #tpu.memory_space<semaphore_mem>>)
      %dma_wait3A_61 = arith.constant 0 : i32
      %dma_wait3A_62 = arith.constant 0 : i32
      %dma_wait3A_63 = tpu.memref_slice %arg9[%dma_wait3A_61, %dma_wait3A_62] : memref<160x128xf32, #tpu.memory_space<vmem>> -> memref<128x128xf32, #tpu.memory_space<vmem>>
      %dma_wait3A_64 = arith.constant 0 : i32
      %dma_wait3A_65 = tpu.memref_slice %arg10[%add3A_5, %dma_wait3A_64] : memref<10240x128xf32, #tpu.memory_space<vmem_shared>> -> memref<128x128xf32, #tpu.memory_space<vmem_shared>>
      %dma_wait3A_66 = arith.constant 0 : i32
      %dma_wait3A_67 = tpu.memref_slice %arg10[%add3A_5, %dma_wait3A_66] : memref<10240x128xf32, #tpu.memory_space<vmem_shared>> -> memref<128x128xf32, #tpu.memory_space<vmem_shared>>
      %dma_wait3A_68 = arith.constant 0 : i32
      %dma_wait3A_69 = arith.constant 0 : i32
      %dma_wait3A_70 = tpu.memref_slice %arg9[%dma_wait3A_68, %dma_wait3A_69] : memref<160x128xf32, #tpu.memory_space<vmem>> -> memref<128x128xf32, #tpu.memory_space<vmem>>
      tpu.wait_dma2 semaphore(%run_scoped3A_50 : memref<!tpu.dma_semaphore, #tpu.memory_space<semaphore_mem>>) src(%dma_wait3A_70 : memref<128x128xf32, #tpu.memory_space<vmem>>) dst(%dma_wait3A_67 : memref<128x128xf32, #tpu.memory_space<vmem_shared>>)
      tpu.yield
    }) : () -> ()
    %add3A_6 = arith.constant 384 : i32
    %add3A_7 = arith.addi %mul3A_0, %add3A_6 : i32
    "tpu.region"() ({
      %run_scoped3A_50 = tpu.sem_alloc : memref<!tpu.dma_semaphore, #tpu.memory_space<semaphore_mem>>
      %dma_start3A_51 = arith.constant 0 : i32
      %dma_start3A_52 = arith.constant 0 : i32
      %dma_start3A_53 = tpu.memref_slice %arg9[%dma_start3A_51, %dma_start3A_52] : memref<160x128xf32, #tpu.memory_space<vmem>> -> memref<128x128xf32, #tpu.memory_space<vmem>>
      %dma_start3A_54 = arith.constant 0 : i32
      %dma_start3A_55 = tpu.memref_slice %arg10[%add3A_7, %dma_start3A_54] : memref<10240x128xf32, #tpu.memory_space<vmem_shared>> -> memref<128x128xf32, #tpu.memory_space<vmem_shared>>
      %dma_start3A_56 = arith.constant 0 : i32
      %dma_start3A_57 = tpu.memref_slice %arg10[%add3A_7, %dma_start3A_56] : memref<10240x128xf32, #tpu.memory_space<vmem_shared>> -> memref<128x128xf32, #tpu.memory_space<vmem_shared>>
      %dma_start3A_58 = arith.constant 0 : i32
      %dma_start3A_59 = arith.constant 0 : i32
      %dma_start3A_60 = tpu.memref_slice %arg9[%dma_start3A_58, %dma_start3A_59] : memref<160x128xf32, #tpu.memory_space<vmem>> -> memref<128x128xf32, #tpu.memory_space<vmem>>
      tpu.enqueue_dma source(%dma_start3A_60 : memref<128x128xf32, #tpu.memory_space<vmem>>) target(%dma_start3A_57 : memref<128x128xf32, #tpu.memory_space<vmem_shared>>) target_semaphore(%run_scoped3A_50 : memref<!tpu.dma_semaphore, #tpu.memory_space<semaphore_mem>>)
      %dma_wait3A_61 = arith.constant 0 : i32
      %dma_wait3A_62 = arith.constant 0 : i32
      %dma_wait3A_63 = tpu.memref_slice %arg9[%dma_wait3A_61, %dma_wait3A_62] : memref<160x128xf32, #tpu.memory_space<vmem>> -> memref<128x128xf32, #tpu.memory_space<vmem>>
      %dma_wait3A_64 = arith.constant 0 : i32
      %dma_wait3A_65 = tpu.memref_slice %arg10[%add3A_7, %dma_wait3A_64] : memref<10240x128xf32, #tpu.memory_space<vmem_shared>> -> memref<128x128xf32, #tpu.memory_space<vmem_shared>>
      %dma_wait3A_66 = arith.constant 0 : i32
      %dma_wait3A_67 = tpu.memref_slice %arg10[%add3A_7, %dma_wait3A_66] : memref<10240x128xf32, #tpu.memory_space<vmem_shared>> -> memref<128x128xf32, #tpu.memory_space<vmem_shared>>
      %dma_wait3A_68 = arith.constant 0 : i32
      %dma_wait3A_69 = arith.constant 0 : i32
      %dma_wait3A_70 = tpu.memref_slice %arg9[%dma_wait3A_68, %dma_wait3A_69] : memref<160x128xf32, #tpu.memory_space<vmem>> -> memref<128x128xf32, #tpu.memory_space<vmem>>
      tpu.wait_dma2 semaphore(%run_scoped3A_50 : memref<!tpu.dma_semaphore, #tpu.memory_space<semaphore_mem>>) src(%dma_wait3A_70 : memref<128x128xf32, #tpu.memory_space<vmem>>) dst(%dma_wait3A_67 : memref<128x128xf32, #tpu.memory_space<vmem_shared>>)
      tpu.yield
    }) : () -> ()
    %add3A_8 = arith.constant 512 : i32
    %add3A_9 = arith.addi %mul3A_0, %add3A_8 : i32
    "tpu.region"() ({
      %run_scoped3A_50 = tpu.sem_alloc : memref<!tpu.dma_semaphore, #tpu.memory_space<semaphore_mem>>
      %dma_start3A_51 = arith.constant 0 : i32
      %dma_start3A_52 = arith.constant 0 : i32
      %dma_start3A_53 = tpu.memref_slice %arg9[%dma_start3A_51, %dma_start3A_52] : memref<160x128xf32, #tpu.memory_space<vmem>> -> memref<128x128xf32, #tpu.memory_space<vmem>>
      %dma_start3A_54 = arith.constant 0 : i32
      %dma_start3A_55 = tpu.memref_slice %arg10[%add3A_9, %dma_start3A_54] : memref<10240x128xf32, #tpu.memory_space<vmem_shared>> -> memref<128x128xf32, #tpu.memory_space<vmem_shared>>
      %dma_start3A_56 = arith.constant 0 : i32
      %dma_start3A_57 = tpu.memref_slice %arg10[%add3A_9, %dma_start3A_56] : memref<10240x128xf32, #tpu.memory_space<vmem_shared>> -> memref<128x128xf32, #tpu.memory_space<vmem_shared>>
      %dma_start3A_58 = arith.constant 0 : i32
      %dma_start3A_59 = arith.constant 0 : i32
      %dma_start3A_60 = tpu.memref_slice %arg9[%dma_start3A_58, %dma_start3A_59] : memref<160x128xf32, #tpu.memory_space<vmem>> -> memref<128x128xf32, #tpu.memory_space<vmem>>
      tpu.enqueue_dma source(%dma_start3A_60 : memref<128x128xf32, #tpu.memory_space<vmem>>) target(%dma_start3A_57 : memref<128x128xf32, #tpu.memory_space<vmem_shared>>) target_semaphore(%run_scoped3A_50 : memref<!tpu.dma_semaphore, #tpu.memory_space<semaphore_mem>>)
      %dma_wait3A_61 = arith.constant 0 : i32
      %dma_wait3A_62 = arith.constant 0 : i32
      %dma_wait3A_63 = tpu.memref_slice %arg9[%dma_wait3A_61, %dma_wait3A_62] : memref<160x128xf32, #tpu.memory_space<vmem>> -> memref<128x128xf32, #tpu.memory_space<vmem>>
      %dma_wait3A_64 = arith.constant 0 : i32
      %dma_wait3A_65 = tpu.memref_slice %arg10[%add3A_9, %dma_wait3A_64] : memref<10240x128xf32, #tpu.memory_space<vmem_shared>> -> memref<128x128xf32, #tpu.memory_space<vmem_shared>>
      %dma_wait3A_66 = arith.constant 0 : i32
      %dma_wait3A_67 = tpu.memref_slice %arg10[%add3A_9, %dma_wait3A_66] : memref<10240x128xf32, #tpu.memory_space<vmem_shared>> -> memref<128x128xf32, #tpu.memory_space<vmem_shared>>
      %dma_wait3A_68 = arith.constant 0 : i32
      %dma_wait3A_69 = arith.constant 0 : i32
      %dma_wait3A_70 = tpu.memref_slice %arg9[%dma_wait3A_68, %dma_wait3A_69] : memref<160x128xf32, #tpu.memory_space<vmem>> -> memref<128x128xf32, #tpu.memory_space<vmem>>
      tpu.wait_dma2 semaphore(%run_scoped3A_50 : memref<!tpu.dma_semaphore, #tpu.memory_space<semaphore_mem>>) src(%dma_wait3A_70 : memref<128x128xf32, #tpu.memory_space<vmem>>) dst(%dma_wait3A_67 : memref<128x128xf32, #tpu.memory_space<vmem_shared>>)
      tpu.yield
    }) : () -> ()
    %barrier3A = arith.constant 0 : index
    tpu.barrier barrier_id(%barrier3A)
    %dma_start3A = arith.constant 0 : i32
    %dma_start3A_10 = arith.constant 0 : i32
    %dma_start3A_11 = tpu.memref_slice %arg9[%dma_start3A, %dma_start3A_10] : memref<160x128xf32, #tpu.memory_space<vmem>> -> memref<80x128xf32, #tpu.memory_space<vmem>>
    %dma_start3A_12 = arith.constant 0 : i32
    %dma_start3A_13 = tpu.memref_slice %arg7[%dma_start3A_12] : memref<10000xi32, #tpu.memory_space<vmem>> -> memref<80xi32, #tpu.memory_space<vmem>>
    %dma_start3A_14 = arith.constant 0 : i32
    %dma_start3A_15 = arith.constant 0 : i32
    %dma_start3A_16 = tpu.memref_slice %arg2[%dma_start3A_14, %dma_start3A_15] : memref<20000x128xf32, #tpu.memory_space<hbm>> -> memref<20000x128xf32, #tpu.memory_space<hbm>>
    tpu.enqueue_indirect_dma source(%dma_start3A_16 : memref<20000x128xf32, #tpu.memory_space<hbm>>) target(%dma_start3A_11 : memref<80x128xf32, #tpu.memory_space<vmem>>) offsets(%dma_start3A_13 : memref<80xi32, #tpu.memory_space<vmem>>) semaphore(%arg11 : memref<!tpu.dma_semaphore, #tpu.memory_space<semaphore_mem>>)
    %scan3A = arith.constant 0 : i32
    %scan3A_17 = arith.constant 0 : i32
    %scan3A_18 = arith.constant 62 : i32
    %scan3A_19 = arith.addi %scan3A_17, %scan3A_18 : i32
    %scan3A_20 = arith.constant 1 : i32
    scf.for %scan3A_50 = %scan3A_17 to %scan3A_19 step %scan3A_20  : i32 {
      %mul3A_51 = arith.constant 2 : i32
      %mul3A_52 = arith.muli %mul3A_51, %scan3A_50 : i32
      %mul3A_53 = arith.constant 80 : i32
      %mul3A_54 = arith.muli %mul3A_52, %mul3A_53 : i32
      %dma_wait3A_55 = arith.constant 0 : i32
      %dma_wait3A_56 = arith.constant 0 : i32
      %dma_wait3A_57 = tpu.memref_slice %arg9[%dma_wait3A_55, %dma_wait3A_56] : memref<160x128xf32, #tpu.memory_space<vmem>> -> memref<80x128xf32, #tpu.memory_space<vmem>>
      %dma_wait3A_58 = tpu.memref_slice %arg7[%mul3A_54] : memref<10000xi32, #tpu.memory_space<vmem>> -> memref<80xi32, #tpu.memory_space<vmem>>
      %dma_wait3A_59 = arith.constant 0 : i32
      %dma_wait3A_60 = arith.constant 0 : i32
      %dma_wait3A_61 = tpu.memref_slice %arg2[%dma_wait3A_59, %dma_wait3A_60] : memref<20000x128xf32, #tpu.memory_space<hbm>> -> memref<20000x128xf32, #tpu.memory_space<hbm>>
      tpu.wait_indirect_dma semaphore(%arg11 : memref<!tpu.dma_semaphore, #tpu.memory_space<semaphore_mem>>) src(%dma_wait3A_61 : memref<20000x128xf32, #tpu.memory_space<hbm>>) dst(%dma_wait3A_57 : memref<80x128xf32, #tpu.memory_space<vmem>>)
      %add3A_62 = arith.constant 1 : i32
      %add3A_63 = arith.addi %mul3A_52, %add3A_62 : i32
      %mul3A_64 = arith.constant 80 : i32
      %mul3A_65 = arith.muli %add3A_63, %mul3A_64 : i32
      %dma_start3A_66 = arith.constant 80 : i32
      %dma_start3A_67 = arith.constant 0 : i32
      %dma_start3A_68 = tpu.memref_slice %arg9[%dma_start3A_66, %dma_start3A_67] : memref<160x128xf32, #tpu.memory_space<vmem>> -> memref<80x128xf32, #tpu.memory_space<vmem>>
      %dma_start3A_69 = tpu.memref_slice %arg7[%mul3A_65] : memref<10000xi32, #tpu.memory_space<vmem>> -> memref<80xi32, #tpu.memory_space<vmem>>
      %dma_start3A_70 = arith.constant 0 : i32
      %dma_start3A_71 = arith.constant 0 : i32
      %dma_start3A_72 = tpu.memref_slice %arg2[%dma_start3A_70, %dma_start3A_71] : memref<20000x128xf32, #tpu.memory_space<hbm>> -> memref<20000x128xf32, #tpu.memory_space<hbm>>
      tpu.enqueue_indirect_dma source(%dma_start3A_72 : memref<20000x128xf32, #tpu.memory_space<hbm>>) target(%dma_start3A_68 : memref<80x128xf32, #tpu.memory_space<vmem>>) offsets(%dma_start3A_69 : memref<80xi32, #tpu.memory_space<vmem>>) semaphore(%arg12 : memref<!tpu.dma_semaphore, #tpu.memory_space<semaphore_mem>>)
      "tpu.region"() ({
        %run_scoped3A_97 = tpu.sem_alloc : memref<!tpu.dma_semaphore, #tpu.memory_space<semaphore_mem>>
        %dma_start3A_98 = arith.constant 0 : i32
        %dma_start3A_99 = arith.constant 0 : i32
        %dma_start3A_100 = tpu.memref_slice %arg9[%dma_start3A_98, %dma_start3A_99] : memref<160x128xf32, #tpu.memory_space<vmem>> -> memref<80x128xf32, #tpu.memory_space<vmem>>
        %dma_start3A_101 = arith.constant 0 : i32
        %dma_start3A_102 = tpu.memref_slice %arg8[%mul3A_52, %dma_start3A_101] : memref<125x80xi32, #tpu.memory_space<vmem>> -> memref<1x80xi32, #tpu.memory_space<vmem>>
        %dma_start3A_103 = tpu.memref_squeeze %dma_start3A_102 : memref<1x80xi32, #tpu.memory_space<vmem>> -> memref<80xi32, #tpu.memory_space<vmem>>
        %dma_start3A_104 = arith.constant 0 : i32
        %dma_start3A_105 = arith.constant 0 : i32
        %dma_start3A_106 = tpu.memref_slice %arg10[%dma_start3A_104, %dma_start3A_105] : memref<10240x128xf32, #tpu.memory_space<vmem_shared>> -> memref<10240x128xf32, #tpu.memory_space<vmem_shared>>
        tpu.enqueue_indirect_dma source(%dma_start3A_100 : memref<80x128xf32, #tpu.memory_space<vmem>>) target(%dma_start3A_106 : memref<10240x128xf32, #tpu.memory_space<vmem_shared>>) offsets(%dma_start3A_103 : memref<80xi32, #tpu.memory_space<vmem>>) semaphore(%run_scoped3A_97 : memref<!tpu.dma_semaphore, #tpu.memory_space<semaphore_mem>>) {add = true}
        %dma_wait3A_107 = arith.constant 0 : i32
        %dma_wait3A_108 = arith.constant 0 : i32
        %dma_wait3A_109 = tpu.memref_slice %arg9[%dma_wait3A_107, %dma_wait3A_108] : memref<160x128xf32, #tpu.memory_space<vmem>> -> memref<80x128xf32, #tpu.memory_space<vmem>>
        %dma_wait3A_110 = arith.constant 0 : i32
        %dma_wait3A_111 = tpu.memref_slice %arg8[%mul3A_52, %dma_wait3A_110] : memref<125x80xi32, #tpu.memory_space<vmem>> -> memref<1x80xi32, #tpu.memory_space<vmem>>
        %dma_wait3A_112 = tpu.memref_squeeze %dma_wait3A_111 : memref<1x80xi32, #tpu.memory_space<vmem>> -> memref<80xi32, #tpu.memory_space<vmem>>
        %dma_wait3A_113 = arith.constant 0 : i32
        %dma_wait3A_114 = arith.constant 0 : i32
        %dma_wait3A_115 = tpu.memref_slice %arg10[%dma_wait3A_113, %dma_wait3A_114] : memref<10240x128xf32, #tpu.memory_space<vmem_shared>> -> memref<10240x128xf32, #tpu.memory_space<vmem_shared>>
        tpu.wait_indirect_dma semaphore(%run_scoped3A_97 : memref<!tpu.dma_semaphore, #tpu.memory_space<semaphore_mem>>) src(%dma_wait3A_109 : memref<80x128xf32, #tpu.memory_space<vmem>>) dst(%dma_wait3A_115 : memref<10240x128xf32, #tpu.memory_space<vmem_shared>>)
        tpu.yield
      }) : () -> ()
      %add3A_73 = arith.constant 1 : i32
      %add3A_74 = arith.addi %mul3A_52, %add3A_73 : i32
      %mul3A_75 = arith.constant 80 : i32
      %mul3A_76 = arith.muli %add3A_74, %mul3A_75 : i32
      %dma_wait3A_77 = arith.constant 80 : i32
      %dma_wait3A_78 = arith.constant 0 : i32
      %dma_wait3A_79 = tpu.memref_slice %arg9[%dma_wait3A_77, %dma_wait3A_78] : memref<160x128xf32, #tpu.memory_space<vmem>> -> memref<80x128xf32, #tpu.memory_space<vmem>>
      %dma_wait3A_80 = tpu.memref_slice %arg7[%mul3A_76] : memref<10000xi32, #tpu.memory_space<vmem>> -> memref<80xi32, #tpu.memory_space<vmem>>
      %dma_wait3A_81 = arith.constant 0 : i32
      %dma_wait3A_82 = arith.constant 0 : i32
      %dma_wait3A_83 = tpu.memref_slice %arg2[%dma_wait3A_81, %dma_wait3A_82] : memref<20000x128xf32, #tpu.memory_space<hbm>> -> memref<20000x128xf32, #tpu.memory_space<hbm>>
      tpu.wait_indirect_dma semaphore(%arg12 : memref<!tpu.dma_semaphore, #tpu.memory_space<semaphore_mem>>) src(%dma_wait3A_83 : memref<20000x128xf32, #tpu.memory_space<hbm>>) dst(%dma_wait3A_79 : memref<80x128xf32, #tpu.memory_space<vmem>>)
      %add3A_84 = arith.constant 2 : i32
      %add3A_85 = arith.addi %mul3A_52, %add3A_84 : i32
      %mul3A_86 = arith.constant 80 : i32
      %mul3A_87 = arith.muli %add3A_85, %mul3A_86 : i32
      %dma_start3A_88 = arith.constant 0 : i32
      %dma_start3A_89 = arith.constant 0 : i32
      %dma_start3A_90 = tpu.memref_slice %arg9[%dma_start3A_88, %dma_start3A_89] : memref<160x128xf32, #tpu.memory_space<vmem>> -> memref<80x128xf32, #tpu.memory_space<vmem>>
      %dma_start3A_91 = tpu.memref_slice %arg7[%mul3A_87] : memref<10000xi32, #tpu.memory_space<vmem>> -> memref<80xi32, #tpu.memory_space<vmem>>
      %dma_start3A_92 = arith.constant 0 : i32
      %dma_start3A_93 = arith.constant 0 : i32
      %dma_start3A_94 = tpu.memref_slice %arg2[%dma_start3A_92, %dma_start3A_93] : memref<20000x128xf32, #tpu.memory_space<hbm>> -> memref<20000x128xf32, #tpu.memory_space<hbm>>
      tpu.enqueue_indirect_dma source(%dma_start3A_94 : memref<20000x128xf32, #tpu.memory_space<hbm>>) target(%dma_start3A_90 : memref<80x128xf32, #tpu.memory_space<vmem>>) offsets(%dma_start3A_91 : memref<80xi32, #tpu.memory_space<vmem>>) semaphore(%arg11 : memref<!tpu.dma_semaphore, #tpu.memory_space<semaphore_mem>>)
      %add3A_95 = arith.constant 1 : i32
      %add3A_96 = arith.addi %mul3A_52, %add3A_95 : i32
      "tpu.region"() ({
        %run_scoped3A_97 = tpu.sem_alloc : memref<!tpu.dma_semaphore, #tpu.memory_space<semaphore_mem>>
        %dma_start3A_98 = arith.constant 80 : i32
        %dma_start3A_99 = arith.constant 0 : i32
        %dma_start3A_100 = tpu.memref_slice %arg9[%dma_start3A_98, %dma_start3A_99] : memref<160x128xf32, #tpu.memory_space<vmem>> -> memref<80x128xf32, #tpu.memory_space<vmem>>
        %dma_start3A_101 = arith.constant 0 : i32
        %dma_start3A_102 = tpu.memref_slice %arg8[%add3A_96, %dma_start3A_101] : memref<125x80xi32, #tpu.memory_space<vmem>> -> memref<1x80xi32, #tpu.memory_space<vmem>>
        %dma_start3A_103 = tpu.memref_squeeze %dma_start3A_102 : memref<1x80xi32, #tpu.memory_space<vmem>> -> memref<80xi32, #tpu.memory_space<vmem>>
        %dma_start3A_104 = arith.constant 0 : i32
        %dma_start3A_105 = arith.constant 0 : i32
        %dma_start3A_106 = tpu.memref_slice %arg10[%dma_start3A_104, %dma_start3A_105] : memref<10240x128xf32, #tpu.memory_space<vmem_shared>> -> memref<10240x128xf32, #tpu.memory_space<vmem_shared>>
        tpu.enqueue_indirect_dma source(%dma_start3A_100 : memref<80x128xf32, #tpu.memory_space<vmem>>) target(%dma_start3A_106 : memref<10240x128xf32, #tpu.memory_space<vmem_shared>>) offsets(%dma_start3A_103 : memref<80xi32, #tpu.memory_space<vmem>>) semaphore(%run_scoped3A_97 : memref<!tpu.dma_semaphore, #tpu.memory_space<semaphore_mem>>) {add = true}
        %dma_wait3A_107 = arith.constant 80 : i32
        %dma_wait3A_108 = arith.constant 0 : i32
        %dma_wait3A_109 = tpu.memref_slice %arg9[%dma_wait3A_107, %dma_wait3A_108] : memref<160x128xf32, #tpu.memory_space<vmem>> -> memref<80x128xf32, #tpu.memory_space<vmem>>
        %dma_wait3A_110 = arith.constant 0 : i32
        %dma_wait3A_111 = tpu.memref_slice %arg8[%add3A_96, %dma_wait3A_110] : memref<125x80xi32, #tpu.memory_space<vmem>> -> memref<1x80xi32, #tpu.memory_space<vmem>>
        %dma_wait3A_112 = tpu.memref_squeeze %dma_wait3A_111 : memref<1x80xi32, #tpu.memory_space<vmem>> -> memref<80xi32, #tpu.memory_space<vmem>>
        %dma_wait3A_113 = arith.constant 0 : i32
        %dma_wait3A_114 = arith.constant 0 : i32
        %dma_wait3A_115 = tpu.memref_slice %arg10[%dma_wait3A_113, %dma_wait3A_114] : memref<10240x128xf32, #tpu.memory_space<vmem_shared>> -> memref<10240x128xf32, #tpu.memory_space<vmem_shared>>
        tpu.wait_indirect_dma semaphore(%run_scoped3A_97 : memref<!tpu.dma_semaphore, #tpu.memory_space<semaphore_mem>>) src(%dma_wait3A_109 : memref<80x128xf32, #tpu.memory_space<vmem>>) dst(%dma_wait3A_115 : memref<10240x128xf32, #tpu.memory_space<vmem_shared>>)
        tpu.yield
      }) : () -> ()
    }
    %scan3A_21 = arith.constant 62 : i32
    %dma_wait3A = arith.constant 0 : i32
    %dma_wait3A_22 = arith.constant 0 : i32
    %dma_wait3A_23 = tpu.memref_slice %arg9[%dma_wait3A, %dma_wait3A_22] : memref<160x128xf32, #tpu.memory_space<vmem>> -> memref<80x128xf32, #tpu.memory_space<vmem>>
    %dma_wait3A_24 = arith.constant 9920 : i32
    %dma_wait3A_25 = tpu.memref_slice %arg7[%dma_wait3A_24] : memref<10000xi32, #tpu.memory_space<vmem>> -> memref<80xi32, #tpu.memory_space<vmem>>
    %dma_wait3A_26 = arith.constant 0 : i32
    %dma_wait3A_27 = arith.constant 0 : i32
    %dma_wait3A_28 = tpu.memref_slice %arg2[%dma_wait3A_26, %dma_wait3A_27] : memref<20000x128xf32, #tpu.memory_space<hbm>> -> memref<20000x128xf32, #tpu.memory_space<hbm>>
    tpu.wait_indirect_dma semaphore(%arg11 : memref<!tpu.dma_semaphore, #tpu.memory_space<semaphore_mem>>) src(%dma_wait3A_28 : memref<20000x128xf32, #tpu.memory_space<hbm>>) dst(%dma_wait3A_23 : memref<80x128xf32, #tpu.memory_space<vmem>>)
    %run_scoped3A = arith.constant 124 : i32
    "tpu.region"() ({
      %run_scoped3A_50 = tpu.sem_alloc : memref<!tpu.dma_semaphore, #tpu.memory_space<semaphore_mem>>
      %dma_start3A_51 = arith.constant 0 : i32
      %dma_start3A_52 = arith.constant 0 : i32
      %dma_start3A_53 = tpu.memref_slice %arg9[%dma_start3A_51, %dma_start3A_52] : memref<160x128xf32, #tpu.memory_space<vmem>> -> memref<80x128xf32, #tpu.memory_space<vmem>>
      %dma_start3A_54 = arith.constant 0 : i32
      %dma_start3A_55 = tpu.memref_slice %arg8[%run_scoped3A, %dma_start3A_54] : memref<125x80xi32, #tpu.memory_space<vmem>> -> memref<1x80xi32, #tpu.memory_space<vmem>>
      %dma_start3A_56 = tpu.memref_squeeze %dma_start3A_55 : memref<1x80xi32, #tpu.memory_space<vmem>> -> memref<80xi32, #tpu.memory_space<vmem>>
      %dma_start3A_57 = arith.constant 0 : i32
      %dma_start3A_58 = arith.constant 0 : i32
      %dma_start3A_59 = tpu.memref_slice %arg10[%dma_start3A_57, %dma_start3A_58] : memref<10240x128xf32, #tpu.memory_space<vmem_shared>> -> memref<10240x128xf32, #tpu.memory_space<vmem_shared>>
      tpu.enqueue_indirect_dma source(%dma_start3A_53 : memref<80x128xf32, #tpu.memory_space<vmem>>) target(%dma_start3A_59 : memref<10240x128xf32, #tpu.memory_space<vmem_shared>>) offsets(%dma_start3A_56 : memref<80xi32, #tpu.memory_space<vmem>>) semaphore(%run_scoped3A_50 : memref<!tpu.dma_semaphore, #tpu.memory_space<semaphore_mem>>) {add = true}
      %dma_wait3A_60 = arith.constant 0 : i32
      %dma_wait3A_61 = arith.constant 0 : i32
      %dma_wait3A_62 = tpu.memref_slice %arg9[%dma_wait3A_60, %dma_wait3A_61] : memref<160x128xf32, #tpu.memory_space<vmem>> -> memref<80x128xf32, #tpu.memory_space<vmem>>
      %dma_wait3A_63 = arith.constant 0 : i32
      %dma_wait3A_64 = tpu.memref_slice %arg8[%run_scoped3A, %dma_wait3A_63] : memref<125x80xi32, #tpu.memory_space<vmem>> -> memref<1x80xi32, #tpu.memory_space<vmem>>
      %dma_wait3A_65 = tpu.memref_squeeze %dma_wait3A_64 : memref<1x80xi32, #tpu.memory_space<vmem>> -> memref<80xi32, #tpu.memory_space<vmem>>
      %dma_wait3A_66 = arith.constant 0 : i32
      %dma_wait3A_67 = arith.constant 0 : i32
      %dma_wait3A_68 = tpu.memref_slice %arg10[%dma_wait3A_66, %dma_wait3A_67] : memref<10240x128xf32, #tpu.memory_space<vmem_shared>> -> memref<10240x128xf32, #tpu.memory_space<vmem_shared>>
      tpu.wait_indirect_dma semaphore(%run_scoped3A_50 : memref<!tpu.dma_semaphore, #tpu.memory_space<semaphore_mem>>) src(%dma_wait3A_62 : memref<80x128xf32, #tpu.memory_space<vmem>>) dst(%dma_wait3A_68 : memref<10240x128xf32, #tpu.memory_space<vmem_shared>>)
      tpu.yield
    }) : () -> ()
    %barrier3A_29 = arith.constant 0 : index
    tpu.barrier barrier_id(%barrier3A_29)
    %add3A_30 = arith.constant 0 : i32
    %add3A_31 = arith.addi %mul3A_0, %add3A_30 : i32
    "tpu.region"() ({
      %run_scoped3A_50 = tpu.sem_alloc : memref<!tpu.dma_semaphore, #tpu.memory_space<semaphore_mem>>
      %dma_start3A_51 = arith.constant 0 : i32
      %dma_start3A_52 = arith.constant 0 : i32
      %dma_start3A_53 = tpu.memref_slice %arg9[%dma_start3A_51, %dma_start3A_52] : memref<160x128xf32, #tpu.memory_space<vmem>> -> memref<128x128xf32, #tpu.memory_space<vmem>>
      %dma_start3A_54 = arith.constant 0 : i32
      %dma_start3A_55 = tpu.memref_slice %arg10[%add3A_31, %dma_start3A_54] : memref<10240x128xf32, #tpu.memory_space<vmem_shared>> -> memref<128x128xf32, #tpu.memory_space<vmem_shared>>
      %dma_start3A_56 = arith.constant 0 : i32
      %dma_start3A_57 = arith.constant 0 : i32
      %dma_start3A_58 = tpu.memref_slice %arg9[%dma_start3A_56, %dma_start3A_57] : memref<160x128xf32, #tpu.memory_space<vmem>> -> memref<128x128xf32, #tpu.memory_space<vmem>>
      %dma_start3A_59 = arith.constant 0 : i32
      %dma_start3A_60 = tpu.memref_slice %arg10[%add3A_31, %dma_start3A_59] : memref<10240x128xf32, #tpu.memory_space<vmem_shared>> -> memref<128x128xf32, #tpu.memory_space<vmem_shared>>
      tpu.enqueue_dma source(%dma_start3A_60 : memref<128x128xf32, #tpu.memory_space<vmem_shared>>) target(%dma_start3A_58 : memref<128x128xf32, #tpu.memory_space<vmem>>) target_semaphore(%run_scoped3A_50 : memref<!tpu.dma_semaphore, #tpu.memory_space<semaphore_mem>>)
      %dma_wait3A_61 = arith.constant 0 : i32
      %dma_wait3A_62 = arith.constant 0 : i32
      %dma_wait3A_63 = tpu.memref_slice %arg9[%dma_wait3A_61, %dma_wait3A_62] : memref<160x128xf32, #tpu.memory_space<vmem>> -> memref<128x128xf32, #tpu.memory_space<vmem>>
      %dma_wait3A_64 = arith.constant 0 : i32
      %dma_wait3A_65 = tpu.memref_slice %arg10[%add3A_31, %dma_wait3A_64] : memref<10240x128xf32, #tpu.memory_space<vmem_shared>> -> memref<128x128xf32, #tpu.memory_space<vmem_shared>>
      %dma_wait3A_66 = arith.constant 0 : i32
      %dma_wait3A_67 = arith.constant 0 : i32
      %dma_wait3A_68 = tpu.memref_slice %arg9[%dma_wait3A_66, %dma_wait3A_67] : memref<160x128xf32, #tpu.memory_space<vmem>> -> memref<128x128xf32, #tpu.memory_space<vmem>>
      %dma_wait3A_69 = arith.constant 0 : i32
      %dma_wait3A_70 = tpu.memref_slice %arg10[%add3A_31, %dma_wait3A_69] : memref<10240x128xf32, #tpu.memory_space<vmem_shared>> -> memref<128x128xf32, #tpu.memory_space<vmem_shared>>
      tpu.wait_dma2 semaphore(%run_scoped3A_50 : memref<!tpu.dma_semaphore, #tpu.memory_space<semaphore_mem>>) src(%dma_wait3A_70 : memref<128x128xf32, #tpu.memory_space<vmem_shared>>) dst(%dma_wait3A_68 : memref<128x128xf32, #tpu.memory_space<vmem>>)
      tpu.yield
    }) : () -> ()
    %add3A_32 = arith.constant 0 : i32
    %add3A_33 = arith.addi %mul3A_0, %add3A_32 : i32
    "tpu.region"() ({
      %run_scoped3A_50 = tpu.sem_alloc : memref<!tpu.dma_semaphore, #tpu.memory_space<semaphore_mem>>
      %dma_start3A_51 = arith.constant 0 : i32
      %dma_start3A_52 = arith.constant 0 : i32
      %dma_start3A_53 = tpu.memref_slice %arg9[%dma_start3A_51, %dma_start3A_52] : memref<160x128xf32, #tpu.memory_space<vmem>> -> memref<128x128xf32, #tpu.memory_space<vmem>>
      %dma_start3A_54 = arith.constant 0 : i32
      %dma_start3A_55 = tpu.memref_slice %arg6[%arg0, %add3A_33, %dma_start3A_54] : memref<2x10240x128xf32, #tpu.memory_space<hbm>> -> memref<1x128x128xf32, #tpu.memory_space<hbm>>
      %dma_start3A_56 = tpu.memref_squeeze %dma_start3A_55 : memref<1x128x128xf32, #tpu.memory_space<hbm>> -> memref<128x128xf32, #tpu.memory_space<hbm>>
      %dma_start3A_57 = arith.constant 0 : i32
      %dma_start3A_58 = tpu.memref_slice %arg6[%arg0, %add3A_33, %dma_start3A_57] : memref<2x10240x128xf32, #tpu.memory_space<hbm>> -> memref<1x128x128xf32, #tpu.memory_space<hbm>>
      %dma_start3A_59 = tpu.memref_squeeze %dma_start3A_58 : memref<1x128x128xf32, #tpu.memory_space<hbm>> -> memref<128x128xf32, #tpu.memory_space<hbm>>
      %dma_start3A_60 = arith.constant 0 : i32
      %dma_start3A_61 = arith.constant 0 : i32
      %dma_start3A_62 = tpu.memref_slice %arg9[%dma_start3A_60, %dma_start3A_61] : memref<160x128xf32, #tpu.memory_space<vmem>> -> memref<128x128xf32, #tpu.memory_space<vmem>>
      tpu.enqueue_dma source(%dma_start3A_62 : memref<128x128xf32, #tpu.memory_space<vmem>>) target(%dma_start3A_59 : memref<128x128xf32, #tpu.memory_space<hbm>>) target_semaphore(%run_scoped3A_50 : memref<!tpu.dma_semaphore, #tpu.memory_space<semaphore_mem>>)
      %dma_wait3A_63 = arith.constant 0 : i32
      %dma_wait3A_64 = arith.constant 0 : i32
      %dma_wait3A_65 = tpu.memref_slice %arg9[%dma_wait3A_63, %dma_wait3A_64] : memref<160x128xf32, #tpu.memory_space<vmem>> -> memref<128x128xf32, #tpu.memory_space<vmem>>
      %dma_wait3A_66 = arith.constant 0 : i32
      %dma_wait3A_67 = tpu.memref_slice %arg6[%arg0, %add3A_33, %dma_wait3A_66] : memref<2x10240x128xf32, #tpu.memory_space<hbm>> -> memref<1x128x128xf32, #tpu.memory_space<hbm>>
      %dma_wait3A_68 = tpu.memref_squeeze %dma_wait3A_67 : memref<1x128x128xf32, #tpu.memory_space<hbm>> -> memref<128x128xf32, #tpu.memory_space<hbm>>
      %dma_wait3A_69 = arith.constant 0 : i32
      %dma_wait3A_70 = tpu.memref_slice %arg6[%arg0, %add3A_33, %dma_wait3A_69] : memref<2x10240x128xf32, #tpu.memory_space<hbm>> -> memref<1x128x128xf32, #tpu.memory_space<hbm>>
      %dma_wait3A_71 = tpu.memref_squeeze %dma_wait3A_70 : memref<1x128x128xf32, #tpu.memory_space<hbm>> -> memref<128x128xf32, #tpu.memory_space<hbm>>
      %dma_wait3A_72 = arith.constant 0 : i32
      %dma_wait3A_73 = arith.constant 0 : i32
      %dma_wait3A_74 = tpu.memref_slice %arg9[%dma_wait3A_72, %dma_wait3A_73] : memref<160x128xf32, #tpu.memory_space<vmem>> -> memref<128x128xf32, #tpu.memory_space<vmem>>
      tpu.wait_dma2 semaphore(%run_scoped3A_50 : memref<!tpu.dma_semaphore, #tpu.memory_space<semaphore_mem>>) src(%dma_wait3A_74 : memref<128x128xf32, #tpu.memory_space<vmem>>) dst(%dma_wait3A_71 : memref<128x128xf32, #tpu.memory_space<hbm>>)
      tpu.yield
    }) : () -> ()
    %add3A_34 = arith.constant 128 : i32
    %add3A_35 = arith.addi %mul3A_0, %add3A_34 : i32
    "tpu.region"() ({
      %run_scoped3A_50 = tpu.sem_alloc : memref<!tpu.dma_semaphore, #tpu.memory_space<semaphore_mem>>
      %dma_start3A_51 = arith.constant 0 : i32
      %dma_start3A_52 = arith.constant 0 : i32
      %dma_start3A_53 = tpu.memref_slice %arg9[%dma_start3A_51, %dma_start3A_52] : memref<160x128xf32, #tpu.memory_space<vmem>> -> memref<128x128xf32, #tpu.memory_space<vmem>>
      %dma_start3A_54 = arith.constant 0 : i32
      %dma_start3A_55 = tpu.memref_slice %arg10[%add3A_35, %dma_start3A_54] : memref<10240x128xf32, #tpu.memory_space<vmem_shared>> -> memref<128x128xf32, #tpu.memory_space<vmem_shared>>
      %dma_start3A_56 = arith.constant 0 : i32
      %dma_start3A_57 = arith.constant 0 : i32
      %dma_start3A_58 = tpu.memref_slice %arg9[%dma_start3A_56, %dma_start3A_57] : memref<160x128xf32, #tpu.memory_space<vmem>> -> memref<128x128xf32, #tpu.memory_space<vmem>>
      %dma_start3A_59 = arith.constant 0 : i32
      %dma_start3A_60 = tpu.memref_slice %arg10[%add3A_35, %dma_start3A_59] : memref<10240x128xf32, #tpu.memory_space<vmem_shared>> -> memref<128x128xf32, #tpu.memory_space<vmem_shared>>
      tpu.enqueue_dma source(%dma_start3A_60 : memref<128x128xf32, #tpu.memory_space<vmem_shared>>) target(%dma_start3A_58 : memref<128x128xf32, #tpu.memory_space<vmem>>) target_semaphore(%run_scoped3A_50 : memref<!tpu.dma_semaphore, #tpu.memory_space<semaphore_mem>>)
      %dma_wait3A_61 = arith.constant 0 : i32
      %dma_wait3A_62 = arith.constant 0 : i32
      %dma_wait3A_63 = tpu.memref_slice %arg9[%dma_wait3A_61, %dma_wait3A_62] : memref<160x128xf32, #tpu.memory_space<vmem>> -> memref<128x128xf32, #tpu.memory_space<vmem>>
      %dma_wait3A_64 = arith.constant 0 : i32
      %dma_wait3A_65 = tpu.memref_slice %arg10[%add3A_35, %dma_wait3A_64] : memref<10240x128xf32, #tpu.memory_space<vmem_shared>> -> memref<128x128xf32, #tpu.memory_space<vmem_shared>>
      %dma_wait3A_66 = arith.constant 0 : i32
      %dma_wait3A_67 = arith.constant 0 : i32
      %dma_wait3A_68 = tpu.memref_slice %arg9[%dma_wait3A_66, %dma_wait3A_67] : memref<160x128xf32, #tpu.memory_space<vmem>> -> memref<128x128xf32, #tpu.memory_space<vmem>>
      %dma_wait3A_69 = arith.constant 0 : i32
      %dma_wait3A_70 = tpu.memref_slice %arg10[%add3A_35, %dma_wait3A_69] : memref<10240x128xf32, #tpu.memory_space<vmem_shared>> -> memref<128x128xf32, #tpu.memory_space<vmem_shared>>
      tpu.wait_dma2 semaphore(%run_scoped3A_50 : memref<!tpu.dma_semaphore, #tpu.memory_space<semaphore_mem>>) src(%dma_wait3A_70 : memref<128x128xf32, #tpu.memory_space<vmem_shared>>) dst(%dma_wait3A_68 : memref<128x128xf32, #tpu.memory_space<vmem>>)
      tpu.yield
    }) : () -> ()
    %add3A_36 = arith.constant 128 : i32
    %add3A_37 = arith.addi %mul3A_0, %add3A_36 : i32
    "tpu.region"() ({
      %run_scoped3A_50 = tpu.sem_alloc : memref<!tpu.dma_semaphore, #tpu.memory_space<semaphore_mem>>
      %dma_start3A_51 = arith.constant 0 : i32
      %dma_start3A_52 = arith.constant 0 : i32
      %dma_start3A_53 = tpu.memref_slice %arg9[%dma_start3A_51, %dma_start3A_52] : memref<160x128xf32, #tpu.memory_space<vmem>> -> memref<128x128xf32, #tpu.memory_space<vmem>>
      %dma_start3A_54 = arith.constant 0 : i32
      %dma_start3A_55 = tpu.memref_slice %arg6[%arg0, %add3A_37, %dma_start3A_54] : memref<2x10240x128xf32, #tpu.memory_space<hbm>> -> memref<1x128x128xf32, #tpu.memory_space<hbm>>
      %dma_start3A_56 = tpu.memref_squeeze %dma_start3A_55 : memref<1x128x128xf32, #tpu.memory_space<hbm>> -> memref<128x128xf32, #tpu.memory_space<hbm>>
      %dma_start3A_57 = arith.constant 0 : i32
      %dma_start3A_58 = tpu.memref_slice %arg6[%arg0, %add3A_37, %dma_start3A_57] : memref<2x10240x128xf32, #tpu.memory_space<hbm>> -> memref<1x128x128xf32, #tpu.memory_space<hbm>>
      %dma_start3A_59 = tpu.memref_squeeze %dma_start3A_58 : memref<1x128x128xf32, #tpu.memory_space<hbm>> -> memref<128x128xf32, #tpu.memory_space<hbm>>
      %dma_start3A_60 = arith.constant 0 : i32
      %dma_start3A_61 = arith.constant 0 : i32
      %dma_start3A_62 = tpu.memref_slice %arg9[%dma_start3A_60, %dma_start3A_61] : memref<160x128xf32, #tpu.memory_space<vmem>> -> memref<128x128xf32, #tpu.memory_space<vmem>>
      tpu.enqueue_dma source(%dma_start3A_62 : memref<128x128xf32, #tpu.memory_space<vmem>>) target(%dma_start3A_59 : memref<128x128xf32, #tpu.memory_space<hbm>>) target_semaphore(%run_scoped3A_50 : memref<!tpu.dma_semaphore, #tpu.memory_space<semaphore_mem>>)
      %dma_wait3A_63 = arith.constant 0 : i32
      %dma_wait3A_64 = arith.constant 0 : i32
      %dma_wait3A_65 = tpu.memref_slice %arg9[%dma_wait3A_63, %dma_wait3A_64] : memref<160x128xf32, #tpu.memory_space<vmem>> -> memref<128x128xf32, #tpu.memory_space<vmem>>
      %dma_wait3A_66 = arith.constant 0 : i32
      %dma_wait3A_67 = tpu.memref_slice %arg6[%arg0, %add3A_37, %dma_wait3A_66] : memref<2x10240x128xf32, #tpu.memory_space<hbm>> -> memref<1x128x128xf32, #tpu.memory_space<hbm>>
      %dma_wait3A_68 = tpu.memref_squeeze %dma_wait3A_67 : memref<1x128x128xf32, #tpu.memory_space<hbm>> -> memref<128x128xf32, #tpu.memory_space<hbm>>
      %dma_wait3A_69 = arith.constant 0 : i32
      %dma_wait3A_70 = tpu.memref_slice %arg6[%arg0, %add3A_37, %dma_wait3A_69] : memref<2x10240x128xf32, #tpu.memory_space<hbm>> -> memref<1x128x128xf32, #tpu.memory_space<hbm>>
      %dma_wait3A_71 = tpu.memref_squeeze %dma_wait3A_70 : memref<1x128x128xf32, #tpu.memory_space<hbm>> -> memref<128x128xf32, #tpu.memory_space<hbm>>
      %dma_wait3A_72 = arith.constant 0 : i32
      %dma_wait3A_73 = arith.constant 0 : i32
      %dma_wait3A_74 = tpu.memref_slice %arg9[%dma_wait3A_72, %dma_wait3A_73] : memref<160x128xf32, #tpu.memory_space<vmem>> -> memref<128x128xf32, #tpu.memory_space<vmem>>
      tpu.wait_dma2 semaphore(%run_scoped3A_50 : memref<!tpu.dma_semaphore, #tpu.memory_space<semaphore_mem>>) src(%dma_wait3A_74 : memref<128x128xf32, #tpu.memory_space<vmem>>) dst(%dma_wait3A_71 : memref<128x128xf32, #tpu.memory_space<hbm>>)
      tpu.yield
    }) : () -> ()
    %add3A_38 = arith.constant 256 : i32
    %add3A_39 = arith.addi %mul3A_0, %add3A_38 : i32
    "tpu.region"() ({
      %run_scoped3A_50 = tpu.sem_alloc : memref<!tpu.dma_semaphore, #tpu.memory_space<semaphore_mem>>
      %dma_start3A_51 = arith.constant 0 : i32
      %dma_start3A_52 = arith.constant 0 : i32
      %dma_start3A_53 = tpu.memref_slice %arg9[%dma_start3A_51, %dma_start3A_52] : memref<160x128xf32, #tpu.memory_space<vmem>> -> memref<128x128xf32, #tpu.memory_space<vmem>>
      %dma_start3A_54 = arith.constant 0 : i32
      %dma_start3A_55 = tpu.memref_slice %arg10[%add3A_39, %dma_start3A_54] : memref<10240x128xf32, #tpu.memory_space<vmem_shared>> -> memref<128x128xf32, #tpu.memory_space<vmem_shared>>
      %dma_start3A_56 = arith.constant 0 : i32
      %dma_start3A_57 = arith.constant 0 : i32
      %dma_start3A_58 = tpu.memref_slice %arg9[%dma_start3A_56, %dma_start3A_57] : memref<160x128xf32, #tpu.memory_space<vmem>> -> memref<128x128xf32, #tpu.memory_space<vmem>>
      %dma_start3A_59 = arith.constant 0 : i32
      %dma_start3A_60 = tpu.memref_slice %arg10[%add3A_39, %dma_start3A_59] : memref<10240x128xf32, #tpu.memory_space<vmem_shared>> -> memref<128x128xf32, #tpu.memory_space<vmem_shared>>
      tpu.enqueue_dma source(%dma_start3A_60 : memref<128x128xf32, #tpu.memory_space<vmem_shared>>) target(%dma_start3A_58 : memref<128x128xf32, #tpu.memory_space<vmem>>) target_semaphore(%run_scoped3A_50 : memref<!tpu.dma_semaphore, #tpu.memory_space<semaphore_mem>>)
      %dma_wait3A_61 = arith.constant 0 : i32
      %dma_wait3A_62 = arith.constant 0 : i32
      %dma_wait3A_63 = tpu.memref_slice %arg9[%dma_wait3A_61, %dma_wait3A_62] : memref<160x128xf32, #tpu.memory_space<vmem>> -> memref<128x128xf32, #tpu.memory_space<vmem>>
      %dma_wait3A_64 = arith.constant 0 : i32
      %dma_wait3A_65 = tpu.memref_slice %arg10[%add3A_39, %dma_wait3A_64] : memref<10240x128xf32, #tpu.memory_space<vmem_shared>> -> memref<128x128xf32, #tpu.memory_space<vmem_shared>>
      %dma_wait3A_66 = arith.constant 0 : i32
      %dma_wait3A_67 = arith.constant 0 : i32
      %dma_wait3A_68 = tpu.memref_slice %arg9[%dma_wait3A_66, %dma_wait3A_67] : memref<160x128xf32, #tpu.memory_space<vmem>> -> memref<128x128xf32, #tpu.memory_space<vmem>>
      %dma_wait3A_69 = arith.constant 0 : i32
      %dma_wait3A_70 = tpu.memref_slice %arg10[%add3A_39, %dma_wait3A_69] : memref<10240x128xf32, #tpu.memory_space<vmem_shared>> -> memref<128x128xf32, #tpu.memory_space<vmem_shared>>
      tpu.wait_dma2 semaphore(%run_scoped3A_50 : memref<!tpu.dma_semaphore, #tpu.memory_space<semaphore_mem>>) src(%dma_wait3A_70 : memref<128x128xf32, #tpu.memory_space<vmem_shared>>) dst(%dma_wait3A_68 : memref<128x128xf32, #tpu.memory_space<vmem>>)
      tpu.yield
    }) : () -> ()
    %add3A_40 = arith.constant 256 : i32
    %add3A_41 = arith.addi %mul3A_0, %add3A_40 : i32
    "tpu.region"() ({
      %run_scoped3A_50 = tpu.sem_alloc : memref<!tpu.dma_semaphore, #tpu.memory_space<semaphore_mem>>
      %dma_start3A_51 = arith.constant 0 : i32
      %dma_start3A_52 = arith.constant 0 : i32
      %dma_start3A_53 = tpu.memref_slice %arg9[%dma_start3A_51, %dma_start3A_52] : memref<160x128xf32, #tpu.memory_space<vmem>> -> memref<128x128xf32, #tpu.memory_space<vmem>>
      %dma_start3A_54 = arith.constant 0 : i32
      %dma_start3A_55 = tpu.memref_slice %arg6[%arg0, %add3A_41, %dma_start3A_54] : memref<2x10240x128xf32, #tpu.memory_space<hbm>> -> memref<1x128x128xf32, #tpu.memory_space<hbm>>
      %dma_start3A_56 = tpu.memref_squeeze %dma_start3A_55 : memref<1x128x128xf32, #tpu.memory_space<hbm>> -> memref<128x128xf32, #tpu.memory_space<hbm>>
      %dma_start3A_57 = arith.constant 0 : i32
      %dma_start3A_58 = tpu.memref_slice %arg6[%arg0, %add3A_41, %dma_start3A_57] : memref<2x10240x128xf32, #tpu.memory_space<hbm>> -> memref<1x128x128xf32, #tpu.memory_space<hbm>>
      %dma_start3A_59 = tpu.memref_squeeze %dma_start3A_58 : memref<1x128x128xf32, #tpu.memory_space<hbm>> -> memref<128x128xf32, #tpu.memory_space<hbm>>
      %dma_start3A_60 = arith.constant 0 : i32
      %dma_start3A_61 = arith.constant 0 : i32
      %dma_start3A_62 = tpu.memref_slice %arg9[%dma_start3A_60, %dma_start3A_61] : memref<160x128xf32, #tpu.memory_space<vmem>> -> memref<128x128xf32, #tpu.memory_space<vmem>>
      tpu.enqueue_dma source(%dma_start3A_62 : memref<128x128xf32, #tpu.memory_space<vmem>>) target(%dma_start3A_59 : memref<128x128xf32, #tpu.memory_space<hbm>>) target_semaphore(%run_scoped3A_50 : memref<!tpu.dma_semaphore, #tpu.memory_space<semaphore_mem>>)
      %dma_wait3A_63 = arith.constant 0 : i32
      %dma_wait3A_64 = arith.constant 0 : i32
      %dma_wait3A_65 = tpu.memref_slice %arg9[%dma_wait3A_63, %dma_wait3A_64] : memref<160x128xf32, #tpu.memory_space<vmem>> -> memref<128x128xf32, #tpu.memory_space<vmem>>
      %dma_wait3A_66 = arith.constant 0 : i32
      %dma_wait3A_67 = tpu.memref_slice %arg6[%arg0, %add3A_41, %dma_wait3A_66] : memref<2x10240x128xf32, #tpu.memory_space<hbm>> -> memref<1x128x128xf32, #tpu.memory_space<hbm>>
      %dma_wait3A_68 = tpu.memref_squeeze %dma_wait3A_67 : memref<1x128x128xf32, #tpu.memory_space<hbm>> -> memref<128x128xf32, #tpu.memory_space<hbm>>
      %dma_wait3A_69 = arith.constant 0 : i32
      %dma_wait3A_70 = tpu.memref_slice %arg6[%arg0, %add3A_41, %dma_wait3A_69] : memref<2x10240x128xf32, #tpu.memory_space<hbm>> -> memref<1x128x128xf32, #tpu.memory_space<hbm>>
      %dma_wait3A_71 = tpu.memref_squeeze %dma_wait3A_70 : memref<1x128x128xf32, #tpu.memory_space<hbm>> -> memref<128x128xf32, #tpu.memory_space<hbm>>
      %dma_wait3A_72 = arith.constant 0 : i32
      %dma_wait3A_73 = arith.constant 0 : i32
      %dma_wait3A_74 = tpu.memref_slice %arg9[%dma_wait3A_72, %dma_wait3A_73] : memref<160x128xf32, #tpu.memory_space<vmem>> -> memref<128x128xf32, #tpu.memory_space<vmem>>
      tpu.wait_dma2 semaphore(%run_scoped3A_50 : memref<!tpu.dma_semaphore, #tpu.memory_space<semaphore_mem>>) src(%dma_wait3A_74 : memref<128x128xf32, #tpu.memory_space<vmem>>) dst(%dma_wait3A_71 : memref<128x128xf32, #tpu.memory_space<hbm>>)
      tpu.yield
    }) : () -> ()
    %add3A_42 = arith.constant 384 : i32
    %add3A_43 = arith.addi %mul3A_0, %add3A_42 : i32
    "tpu.region"() ({
      %run_scoped3A_50 = tpu.sem_alloc : memref<!tpu.dma_semaphore, #tpu.memory_space<semaphore_mem>>
      %dma_start3A_51 = arith.constant 0 : i32
      %dma_start3A_52 = arith.constant 0 : i32
      %dma_start3A_53 = tpu.memref_slice %arg9[%dma_start3A_51, %dma_start3A_52] : memref<160x128xf32, #tpu.memory_space<vmem>> -> memref<128x128xf32, #tpu.memory_space<vmem>>
      %dma_start3A_54 = arith.constant 0 : i32
      %dma_start3A_55 = tpu.memref_slice %arg10[%add3A_43, %dma_start3A_54] : memref<10240x128xf32, #tpu.memory_space<vmem_shared>> -> memref<128x128xf32, #tpu.memory_space<vmem_shared>>
      %dma_start3A_56 = arith.constant 0 : i32
      %dma_start3A_57 = arith.constant 0 : i32
      %dma_start3A_58 = tpu.memref_slice %arg9[%dma_start3A_56, %dma_start3A_57] : memref<160x128xf32, #tpu.memory_space<vmem>> -> memref<128x128xf32, #tpu.memory_space<vmem>>
      %dma_start3A_59 = arith.constant 0 : i32
      %dma_start3A_60 = tpu.memref_slice %arg10[%add3A_43, %dma_start3A_59] : memref<10240x128xf32, #tpu.memory_space<vmem_shared>> -> memref<128x128xf32, #tpu.memory_space<vmem_shared>>
      tpu.enqueue_dma source(%dma_start3A_60 : memref<128x128xf32, #tpu.memory_space<vmem_shared>>) target(%dma_start3A_58 : memref<128x128xf32, #tpu.memory_space<vmem>>) target_semaphore(%run_scoped3A_50 : memref<!tpu.dma_semaphore, #tpu.memory_space<semaphore_mem>>)
      %dma_wait3A_61 = arith.constant 0 : i32
      %dma_wait3A_62 = arith.constant 0 : i32
      %dma_wait3A_63 = tpu.memref_slice %arg9[%dma_wait3A_61, %dma_wait3A_62] : memref<160x128xf32, #tpu.memory_space<vmem>> -> memref<128x128xf32, #tpu.memory_space<vmem>>
      %dma_wait3A_64 = arith.constant 0 : i32
      %dma_wait3A_65 = tpu.memref_slice %arg10[%add3A_43, %dma_wait3A_64] : memref<10240x128xf32, #tpu.memory_space<vmem_shared>> -> memref<128x128xf32, #tpu.memory_space<vmem_shared>>
      %dma_wait3A_66 = arith.constant 0 : i32
      %dma_wait3A_67 = arith.constant 0 : i32
      %dma_wait3A_68 = tpu.memref_slice %arg9[%dma_wait3A_66, %dma_wait3A_67] : memref<160x128xf32, #tpu.memory_space<vmem>> -> memref<128x128xf32, #tpu.memory_space<vmem>>
      %dma_wait3A_69 = arith.constant 0 : i32
      %dma_wait3A_70 = tpu.memref_slice %arg10[%add3A_43, %dma_wait3A_69] : memref<10240x128xf32, #tpu.memory_space<vmem_shared>> -> memref<128x128xf32, #tpu.memory_space<vmem_shared>>
      tpu.wait_dma2 semaphore(%run_scoped3A_50 : memref<!tpu.dma_semaphore, #tpu.memory_space<semaphore_mem>>) src(%dma_wait3A_70 : memref<128x128xf32, #tpu.memory_space<vmem_shared>>) dst(%dma_wait3A_68 : memref<128x128xf32, #tpu.memory_space<vmem>>)
      tpu.yield
    }) : () -> ()
    %add3A_44 = arith.constant 384 : i32
    %add3A_45 = arith.addi %mul3A_0, %add3A_44 : i32
    "tpu.region"() ({
      %run_scoped3A_50 = tpu.sem_alloc : memref<!tpu.dma_semaphore, #tpu.memory_space<semaphore_mem>>
      %dma_start3A_51 = arith.constant 0 : i32
      %dma_start3A_52 = arith.constant 0 : i32
      %dma_start3A_53 = tpu.memref_slice %arg9[%dma_start3A_51, %dma_start3A_52] : memref<160x128xf32, #tpu.memory_space<vmem>> -> memref<128x128xf32, #tpu.memory_space<vmem>>
      %dma_start3A_54 = arith.constant 0 : i32
      %dma_start3A_55 = tpu.memref_slice %arg6[%arg0, %add3A_45, %dma_start3A_54] : memref<2x10240x128xf32, #tpu.memory_space<hbm>> -> memref<1x128x128xf32, #tpu.memory_space<hbm>>
      %dma_start3A_56 = tpu.memref_squeeze %dma_start3A_55 : memref<1x128x128xf32, #tpu.memory_space<hbm>> -> memref<128x128xf32, #tpu.memory_space<hbm>>
      %dma_start3A_57 = arith.constant 0 : i32
      %dma_start3A_58 = tpu.memref_slice %arg6[%arg0, %add3A_45, %dma_start3A_57] : memref<2x10240x128xf32, #tpu.memory_space<hbm>> -> memref<1x128x128xf32, #tpu.memory_space<hbm>>
      %dma_start3A_59 = tpu.memref_squeeze %dma_start3A_58 : memref<1x128x128xf32, #tpu.memory_space<hbm>> -> memref<128x128xf32, #tpu.memory_space<hbm>>
      %dma_start3A_60 = arith.constant 0 : i32
      %dma_start3A_61 = arith.constant 0 : i32
      %dma_start3A_62 = tpu.memref_slice %arg9[%dma_start3A_60, %dma_start3A_61] : memref<160x128xf32, #tpu.memory_space<vmem>> -> memref<128x128xf32, #tpu.memory_space<vmem>>
      tpu.enqueue_dma source(%dma_start3A_62 : memref<128x128xf32, #tpu.memory_space<vmem>>) target(%dma_start3A_59 : memref<128x128xf32, #tpu.memory_space<hbm>>) target_semaphore(%run_scoped3A_50 : memref<!tpu.dma_semaphore, #tpu.memory_space<semaphore_mem>>)
      %dma_wait3A_63 = arith.constant 0 : i32
      %dma_wait3A_64 = arith.constant 0 : i32
      %dma_wait3A_65 = tpu.memref_slice %arg9[%dma_wait3A_63, %dma_wait3A_64] : memref<160x128xf32, #tpu.memory_space<vmem>> -> memref<128x128xf32, #tpu.memory_space<vmem>>
      %dma_wait3A_66 = arith.constant 0 : i32
      %dma_wait3A_67 = tpu.memref_slice %arg6[%arg0, %add3A_45, %dma_wait3A_66] : memref<2x10240x128xf32, #tpu.memory_space<hbm>> -> memref<1x128x128xf32, #tpu.memory_space<hbm>>
      %dma_wait3A_68 = tpu.memref_squeeze %dma_wait3A_67 : memref<1x128x128xf32, #tpu.memory_space<hbm>> -> memref<128x128xf32, #tpu.memory_space<hbm>>
      %dma_wait3A_69 = arith.constant 0 : i32
      %dma_wait3A_70 = tpu.memref_slice %arg6[%arg0, %add3A_45, %dma_wait3A_69] : memref<2x10240x128xf32, #tpu.memory_space<hbm>> -> memref<1x128x128xf32, #tpu.memory_space<hbm>>
      %dma_wait3A_71 = tpu.memref_squeeze %dma_wait3A_70 : memref<1x128x128xf32, #tpu.memory_space<hbm>> -> memref<128x128xf32, #tpu.memory_space<hbm>>
      %dma_wait3A_72 = arith.constant 0 : i32
      %dma_wait3A_73 = arith.constant 0 : i32
      %dma_wait3A_74 = tpu.memref_slice %arg9[%dma_wait3A_72, %dma_wait3A_73] : memref<160x128xf32, #tpu.memory_space<vmem>> -> memref<128x128xf32, #tpu.memory_space<vmem>>
      tpu.wait_dma2 semaphore(%run_scoped3A_50 : memref<!tpu.dma_semaphore, #tpu.memory_space<semaphore_mem>>) src(%dma_wait3A_74 : memref<128x128xf32, #tpu.memory_space<vmem>>) dst(%dma_wait3A_71 : memref<128x128xf32, #tpu.memory_space<hbm>>)
      tpu.yield
    }) : () -> ()
    %add3A_46 = arith.constant 512 : i32
    %add3A_47 = arith.addi %mul3A_0, %add3A_46 : i32
    "tpu.region"() ({
      %run_scoped3A_50 = tpu.sem_alloc : memref<!tpu.dma_semaphore, #tpu.memory_space<semaphore_mem>>
      %dma_start3A_51 = arith.constant 0 : i32
      %dma_start3A_52 = arith.constant 0 : i32
      %dma_start3A_53 = tpu.memref_slice %arg9[%dma_start3A_51, %dma_start3A_52] : memref<160x128xf32, #tpu.memory_space<vmem>> -> memref<128x128xf32, #tpu.memory_space<vmem>>
      %dma_start3A_54 = arith.constant 0 : i32
      %dma_start3A_55 = tpu.memref_slice %arg10[%add3A_47, %dma_start3A_54] : memref<10240x128xf32, #tpu.memory_space<vmem_shared>> -> memref<128x128xf32, #tpu.memory_space<vmem_shared>>
      %dma_start3A_56 = arith.constant 0 : i32
      %dma_start3A_57 = arith.constant 0 : i32
      %dma_start3A_58 = tpu.memref_slice %arg9[%dma_start3A_56, %dma_start3A_57] : memref<160x128xf32, #tpu.memory_space<vmem>> -> memref<128x128xf32, #tpu.memory_space<vmem>>
      %dma_start3A_59 = arith.constant 0 : i32
      %dma_start3A_60 = tpu.memref_slice %arg10[%add3A_47, %dma_start3A_59] : memref<10240x128xf32, #tpu.memory_space<vmem_shared>> -> memref<128x128xf32, #tpu.memory_space<vmem_shared>>
      tpu.enqueue_dma source(%dma_start3A_60 : memref<128x128xf32, #tpu.memory_space<vmem_shared>>) target(%dma_start3A_58 : memref<128x128xf32, #tpu.memory_space<vmem>>) target_semaphore(%run_scoped3A_50 : memref<!tpu.dma_semaphore, #tpu.memory_space<semaphore_mem>>)
      %dma_wait3A_61 = arith.constant 0 : i32
      %dma_wait3A_62 = arith.constant 0 : i32
      %dma_wait3A_63 = tpu.memref_slice %arg9[%dma_wait3A_61, %dma_wait3A_62] : memref<160x128xf32, #tpu.memory_space<vmem>> -> memref<128x128xf32, #tpu.memory_space<vmem>>
      %dma_wait3A_64 = arith.constant 0 : i32
      %dma_wait3A_65 = tpu.memref_slice %arg10[%add3A_47, %dma_wait3A_64] : memref<10240x128xf32, #tpu.memory_space<vmem_shared>> -> memref<128x128xf32, #tpu.memory_space<vmem_shared>>
      %dma_wait3A_66 = arith.constant 0 : i32
      %dma_wait3A_67 = arith.constant 0 : i32
      %dma_wait3A_68 = tpu.memref_slice %arg9[%dma_wait3A_66, %dma_wait3A_67] : memref<160x128xf32, #tpu.memory_space<vmem>> -> memref<128x128xf32, #tpu.memory_space<vmem>>
      %dma_wait3A_69 = arith.constant 0 : i32
      %dma_wait3A_70 = tpu.memref_slice %arg10[%add3A_47, %dma_wait3A_69] : memref<10240x128xf32, #tpu.memory_space<vmem_shared>> -> memref<128x128xf32, #tpu.memory_space<vmem_shared>>
      tpu.wait_dma2 semaphore(%run_scoped3A_50 : memref<!tpu.dma_semaphore, #tpu.memory_space<semaphore_mem>>) src(%dma_wait3A_70 : memref<128x128xf32, #tpu.memory_space<vmem_shared>>) dst(%dma_wait3A_68 : memref<128x128xf32, #tpu.memory_space<vmem>>)
      tpu.yield
    }) : () -> ()
    %add3A_48 = arith.constant 512 : i32
    %add3A_49 = arith.addi %mul3A_0, %add3A_48 : i32
    "tpu.region"() ({
      %run_scoped3A_50 = tpu.sem_alloc : memref<!tpu.dma_semaphore, #tpu.memory_space<semaphore_mem>>
      %dma_start3A_51 = arith.constant 0 : i32
      %dma_start3A_52 = arith.constant 0 : i32
      %dma_start3A_53 = tpu.memref_slice %arg9[%dma_start3A_51, %dma_start3A_52] : memref<160x128xf32, #tpu.memory_space<vmem>> -> memref<128x128xf32, #tpu.memory_space<vmem>>
      %dma_start3A_54 = arith.constant 0 : i32
      %dma_start3A_55 = tpu.memref_slice %arg6[%arg0, %add3A_49, %dma_start3A_54] : memref<2x10240x128xf32, #tpu.memory_space<hbm>> -> memref<1x128x128xf32, #tpu.memory_space<hbm>>
      %dma_start3A_56 = tpu.memref_squeeze %dma_start3A_55 : memref<1x128x128xf32, #tpu.memory_space<hbm>> -> memref<128x128xf32, #tpu.memory_space<hbm>>
      %dma_start3A_57 = arith.constant 0 : i32
      %dma_start3A_58 = tpu.memref_slice %arg6[%arg0, %add3A_49, %dma_start3A_57] : memref<2x10240x128xf32, #tpu.memory_space<hbm>> -> memref<1x128x128xf32, #tpu.memory_space<hbm>>
      %dma_start3A_59 = tpu.memref_squeeze %dma_start3A_58 : memref<1x128x128xf32, #tpu.memory_space<hbm>> -> memref<128x128xf32, #tpu.memory_space<hbm>>
      %dma_start3A_60 = arith.constant 0 : i32
      %dma_start3A_61 = arith.constant 0 : i32
      %dma_start3A_62 = tpu.memref_slice %arg9[%dma_start3A_60, %dma_start3A_61] : memref<160x128xf32, #tpu.memory_space<vmem>> -> memref<128x128xf32, #tpu.memory_space<vmem>>
      tpu.enqueue_dma source(%dma_start3A_62 : memref<128x128xf32, #tpu.memory_space<vmem>>) target(%dma_start3A_59 : memref<128x128xf32, #tpu.memory_space<hbm>>) target_semaphore(%run_scoped3A_50 : memref<!tpu.dma_semaphore, #tpu.memory_space<semaphore_mem>>)
      %dma_wait3A_63 = arith.constant 0 : i32
      %dma_wait3A_64 = arith.constant 0 : i32
      %dma_wait3A_65 = tpu.memref_slice %arg9[%dma_wait3A_63, %dma_wait3A_64] : memref<160x128xf32, #tpu.memory_space<vmem>> -> memref<128x128xf32, #tpu.memory_space<vmem>>
      %dma_wait3A_66 = arith.constant 0 : i32
      %dma_wait3A_67 = tpu.memref_slice %arg6[%arg0, %add3A_49, %dma_wait3A_66] : memref<2x10240x128xf32, #tpu.memory_space<hbm>> -> memref<1x128x128xf32, #tpu.memory_space<hbm>>
      %dma_wait3A_68 = tpu.memref_squeeze %dma_wait3A_67 : memref<1x128x128xf32, #tpu.memory_space<hbm>> -> memref<128x128xf32, #tpu.memory_space<hbm>>
      %dma_wait3A_69 = arith.constant 0 : i32
      %dma_wait3A_70 = tpu.memref_slice %arg6[%arg0, %add3A_49, %dma_wait3A_69] : memref<2x10240x128xf32, #tpu.memory_space<hbm>> -> memref<1x128x128xf32, #tpu.memory_space<hbm>>
      %dma_wait3A_71 = tpu.memref_squeeze %dma_wait3A_70 : memref<1x128x128xf32, #tpu.memory_space<hbm>> -> memref<128x128xf32, #tpu.memory_space<hbm>>
      %dma_wait3A_72 = arith.constant 0 : i32
      %dma_wait3A_73 = arith.constant 0 : i32
      %dma_wait3A_74 = tpu.memref_slice %arg9[%dma_wait3A_72, %dma_wait3A_73] : memref<160x128xf32, #tpu.memory_space<vmem>> -> memref<128x128xf32, #tpu.memory_space<vmem>>
      tpu.wait_dma2 semaphore(%run_scoped3A_50 : memref<!tpu.dma_semaphore, #tpu.memory_space<semaphore_mem>>) src(%dma_wait3A_74 : memref<128x128xf32, #tpu.memory_space<vmem>>) dst(%dma_wait3A_71 : memref<128x128xf32, #tpu.memory_space<hbm>>)
      tpu.yield
    }) : () -> ()
    return
  }
}

module attributes {stable_mosaic.version = 14 : i64} {
  func.func @_mm1_body(%arg0: i32, %arg1: memref<2000x256xf32, #tpu.memory_space<vmem>>, %arg2: memref<256x256xf32, #tpu.memory_space<vmem>>, %arg3: memref<2000x1xf32, #tpu.memory_space<vmem>>, %arg4: memref<2x2000x128xf32, #tpu.memory_space<vmem>>) attributes {dimension_semantics = [#tpu.dimension_semantics<arbitrary>], iteration_bounds = array<i64: 5>, scalar_prefetch = 0 : i64, scratch_operands = 0 : i64, tpu.core_type = #tpu.core_type<tc>, window_params = [{transform_indices = @transform_0, window_bounds = array<i64: 2000, 256>}, {pipeline_mode = #tpu.pipeline_mode<synchronous>, transform_indices = @transform_1, window_bounds = array<i64: 256, 256>}, {transform_indices = @transform_2, window_bounds = array<i64: 2000, 1>}, {transform_indices = @transform_3, window_bounds = array<i64: 2, 2000, 128>}]} {
    %get3A = arith.constant 0 : index
    %get3A_0 = arith.constant 0 : index
    %get3A_1 = vector.load %arg3[%get3A, %get3A_0] : memref<2000x1xf32, #tpu.memory_space<vmem>>, vector<2000x1xf32>
    %max3A = arith.constant 1.000000e+00 : f32
    %max3A_2 = vector.broadcast %max3A : f32 to vector<2000x1xf32>
    %max3A_3 = arith.maximumf %get3A_1, %max3A_2 : vector<2000x1xf32>
    %rsqrt3A = math.rsqrt %max3A_3 : vector<2000x1xf32>
    %get3A_4 = arith.constant 0 : index
    %get3A_5 = arith.constant 0 : index
    %get3A_6 = vector.load %arg1[%get3A_4, %get3A_5] : memref<2000x256xf32, #tpu.memory_space<vmem>>, vector<2000x256xf32>
    %get3A_7 = arith.constant 0 : index
    %get3A_8 = arith.constant 0 : index
    %get3A_9 = vector.load %arg2[%get3A_7, %get3A_8] : memref<256x256xf32, #tpu.memory_space<vmem>>, vector<256x256xf32>
    %dot_general3A = arith.constant dense<0.000000e+00> : vector<2000x256xf32>
    %dot_general3A_10 = tpu.matmul %get3A_6, %get3A_9, %dot_general3A {dimension_numbers = #tpu.dot_dimension_numbers<[1], [0], [0], [1], [0, 0, 1, 1], [], []>, transpose_lhs_hint = false} : vector<2000x256xf32>, vector<256x256xf32>, vector<2000x256xf32> -> vector<2000x256xf32>
    %mul3A = vector.broadcast %rsqrt3A : vector<2000x1xf32> to vector<2000x256xf32>
    %mul3A_11 = arith.mulf %dot_general3A_10, %mul3A : vector<2000x256xf32>
    %slice3A = vector.extract_strided_slice %mul3A_11 {offsets = [0, 0], sizes = [2000, 128], strides = [1, 1]} : vector<2000x256xf32> to vector<2000x128xf32>
    %swap3A = arith.constant 0 : index
    %swap3A_12 = arith.constant 0 : index
    %swap3A_13 = arith.constant 0 : index
    %swap3A_14 = vector.load %arg4[%swap3A, %swap3A_12, %swap3A_13] : memref<2x2000x128xf32, #tpu.memory_space<vmem>>, vector<1x2000x128xf32>
    %swap3A_15 = vector.shape_cast %swap3A_14 : vector<1x2000x128xf32> to vector<2000x128xf32>
    %swap3A_16 = vector.shape_cast %slice3A : vector<2000x128xf32> to vector<1x2000x128xf32>
    tpu.vector_store %arg4[%swap3A, %swap3A_12, %swap3A_13], %swap3A_16 {strides = array<i32>} : memref<2x2000x128xf32, #tpu.memory_space<vmem>>, vector<1x2000x128xf32>,
    %slice3A_17 = vector.extract_strided_slice %mul3A_11 {offsets = [0, 128], sizes = [2000, 128], strides = [1, 1]} : vector<2000x256xf32> to vector<2000x128xf32>
    %swap3A_18 = arith.constant 1 : index
    %swap3A_19 = arith.constant 0 : index
    %swap3A_20 = arith.constant 0 : index
    %swap3A_21 = vector.load %arg4[%swap3A_18, %swap3A_19, %swap3A_20] : memref<2x2000x128xf32, #tpu.memory_space<vmem>>, vector<1x2000x128xf32>
    %swap3A_22 = vector.shape_cast %swap3A_21 : vector<1x2000x128xf32> to vector<2000x128xf32>
    %swap3A_23 = vector.shape_cast %slice3A_17 : vector<2000x128xf32> to vector<1x2000x128xf32>
    tpu.vector_store %arg4[%swap3A_18, %swap3A_19, %swap3A_20], %swap3A_23 {strides = array<i32>} : memref<2x2000x128xf32, #tpu.memory_space<vmem>>, vector<1x2000x128xf32>,
    return
  }
  func.func @transform_0(%arg0: i32) -> (i32, i32) {
    %c0_i32 = arith.constant 0 : i32
    %c0_i32_0 = arith.constant 0 : i32
    return %arg0, %c0_i32 : i32, i32
  }
  func.func @transform_1(%arg0: i32) -> (i32, i32) {
    %c0_i32 = arith.constant 0 : i32
    %c0_i32_0 = arith.constant 0 : i32
    %c0_i32_1 = arith.constant 0 : i32
    return %c0_i32, %c0_i32_0 : i32, i32
  }
  func.func @transform_2(%arg0: i32) -> (i32, i32) {
    %c0_i32 = arith.constant 0 : i32
    %c0_i32_0 = arith.constant 0 : i32
    return %arg0, %c0_i32 : i32, i32
  }
  func.func @transform_3(%arg0: i32) -> (i32, i32, i32) {
    %c0_i32 = arith.constant 0 : i32
    %c0_i32_0 = arith.constant 0 : i32
    %c0_i32_1 = arith.constant 0 : i32
    return %c0_i32, %arg0, %c0_i32_0 : i32, i32, i32
  }
}

module attributes {stable_mosaic.version = 14 : i64} {
  func.func @_mid_body(%arg0: i32, %arg1: memref<2x2000x128xf32, #tpu.memory_space<vmem>>, %arg2: memref<2000x1xf32, #tpu.memory_space<vmem>>, %arg3: memref<2000x1xf32, #tpu.memory_space<vmem>>, %arg4: memref<1x256xf32, #tpu.memory_space<vmem>>, %arg5: memref<256x256xf32, #tpu.memory_space<vmem>>, %arg6: memref<2x2000x128xf32, #tpu.memory_space<vmem>>) attributes {dimension_semantics = [#tpu.dimension_semantics<arbitrary>], iteration_bounds = array<i64: 5>, scalar_prefetch = 0 : i64, scratch_operands = 0 : i64, tpu.core_type = #tpu.core_type<tc>, window_params = [{transform_indices = @transform_0, window_bounds = array<i64: 2, 2000, 128>}, {transform_indices = @transform_1, window_bounds = array<i64: 2000, 1>}, {transform_indices = @transform_2, window_bounds = array<i64: 2000, 1>}, {pipeline_mode = #tpu.pipeline_mode<synchronous>, transform_indices = @transform_3, window_bounds = array<i64: 1, 256>}, {pipeline_mode = #tpu.pipeline_mode<synchronous>, transform_indices = @transform_4, window_bounds = array<i64: 256, 256>}, {transform_indices = @transform_5, window_bounds = array<i64: 2, 2000, 128>}]} {
    %get3A = arith.constant 0 : index
    %get3A_0 = arith.constant 0 : index
    %get3A_1 = arith.constant 0 : index
    %get3A_2 = vector.load %arg1[%get3A, %get3A_0, %get3A_1] : memref<2x2000x128xf32, #tpu.memory_space<vmem>>, vector<1x2000x128xf32>
    %get3A_3 = vector.shape_cast %get3A_2 : vector<1x2000x128xf32> to vector<2000x128xf32>
    %get3A_4 = arith.constant 1 : index
    %get3A_5 = arith.constant 0 : index
    %get3A_6 = arith.constant 0 : index
    %get3A_7 = vector.load %arg1[%get3A_4, %get3A_5, %get3A_6] : memref<2x2000x128xf32, #tpu.memory_space<vmem>>, vector<1x2000x128xf32>
    %get3A_8 = vector.shape_cast %get3A_7 : vector<1x2000x128xf32> to vector<2000x128xf32>
    %concatenate3A = tpu.concatenate %get3A_3, %get3A_8 in 1 : vector<2000x128xf32>, vector<2000x128xf32> -> vector<2000x256xf32>
    %get3A_9 = arith.constant 0 : index
    %get3A_10 = arith.constant 0 : index
    %get3A_11 = vector.load %arg2[%get3A_9, %get3A_10] : memref<2000x1xf32, #tpu.memory_space<vmem>>, vector<2000x1xf32>
    %max3A = arith.constant 1.000000e+00 : f32
    %max3A_12 = vector.broadcast %max3A : f32 to vector<2000x1xf32>
    %max3A_13 = arith.maximumf %get3A_11, %max3A_12 : vector<2000x1xf32>
    %rsqrt3A = math.rsqrt %max3A_13 : vector<2000x1xf32>
    %mul3A = vector.broadcast %rsqrt3A : vector<2000x1xf32> to vector<2000x256xf32>
    %mul3A_14 = arith.mulf %concatenate3A, %mul3A : vector<2000x256xf32>
    %get3A_15 = arith.constant 0 : index
    %get3A_16 = arith.constant 0 : index
    %get3A_17 = vector.load %arg4[%get3A_15, %get3A_16] : memref<1x256xf32, #tpu.memory_space<vmem>>, vector<1x256xf32>
    %add3A = vector.broadcast %get3A_17 : vector<1x256xf32> to vector<2000x256xf32>
    %add3A_18 = arith.addf %mul3A_14, %add3A : vector<2000x256xf32>
    %max3A_19 = arith.constant 0.000000e+00 : f32
    %max3A_20 = vector.broadcast %max3A_19 : f32 to vector<2000x256xf32>
    %max3A_21 = arith.maximumf %add3A_18, %max3A_20 : vector<2000x256xf32>
    %get3A_22 = arith.constant 0 : index
    %get3A_23 = arith.constant 0 : index
    %get3A_24 = vector.load %arg3[%get3A_22, %get3A_23] : memref<2000x1xf32, #tpu.memory_space<vmem>>, vector<2000x1xf32>
    %max3A_25 = arith.constant 1.000000e+00 : f32
    %max3A_26 = vector.broadcast %max3A_25 : f32 to vector<2000x1xf32>
    %max3A_27 = arith.maximumf %get3A_24, %max3A_26 : vector<2000x1xf32>
    %rsqrt3A_28 = math.rsqrt %max3A_27 : vector<2000x1xf32>
    %get3A_29 = arith.constant 0 : index
    %get3A_30 = arith.constant 0 : index
    %get3A_31 = vector.load %arg5[%get3A_29, %get3A_30] : memref<256x256xf32, #tpu.memory_space<vmem>>, vector<256x256xf32>
    %dot_general3A = arith.constant dense<0.000000e+00> : vector<2000x256xf32>
    %dot_general3A_32 = tpu.matmul %max3A_21, %get3A_31, %dot_general3A {dimension_numbers = #tpu.dot_dimension_numbers<[1], [0], [0], [1], [0, 0, 1, 1], [], []>, transpose_lhs_hint = false} : vector<2000x256xf32>, vector<256x256xf32>, vector<2000x256xf32> -> vector<2000x256xf32>
    %mul3A_33 = vector.broadcast %rsqrt3A_28 : vector<2000x1xf32> to vector<2000x256xf32>
    %mul3A_34 = arith.mulf %dot_general3A_32, %mul3A_33 : vector<2000x256xf32>
    %slice3A = vector.extract_strided_slice %mul3A_34 {offsets = [0, 0], sizes = [2000, 128], strides = [1, 1]} : vector<2000x256xf32> to vector<2000x128xf32>
    %swap3A = arith.constant 0 : index
    %swap3A_35 = arith.constant 0 : index
    %swap3A_36 = arith.constant 0 : index
    %swap3A_37 = vector.load %arg6[%swap3A, %swap3A_35, %swap3A_36] : memref<2x2000x128xf32, #tpu.memory_space<vmem>>, vector<1x2000x128xf32>
    %swap3A_38 = vector.shape_cast %swap3A_37 : vector<1x2000x128xf32> to vector<2000x128xf32>
    %swap3A_39 = vector.shape_cast %slice3A : vector<2000x128xf32> to vector<1x2000x128xf32>
    tpu.vector_store %arg6[%swap3A, %swap3A_35, %swap3A_36], %swap3A_39 {strides = array<i32>} : memref<2x2000x128xf32, #tpu.memory_space<vmem>>, vector<1x2000x128xf32>,
    %slice3A_40 = vector.extract_strided_slice %mul3A_34 {offsets = [0, 128], sizes = [2000, 128], strides = [1, 1]} : vector<2000x256xf32> to vector<2000x128xf32>
    %swap3A_41 = arith.constant 1 : index
    %swap3A_42 = arith.constant 0 : index
    %swap3A_43 = arith.constant 0 : index
    %swap3A_44 = vector.load %arg6[%swap3A_41, %swap3A_42, %swap3A_43] : memref<2x2000x128xf32, #tpu.memory_space<vmem>>, vector<1x2000x128xf32>
    %swap3A_45 = vector.shape_cast %swap3A_44 : vector<1x2000x128xf32> to vector<2000x128xf32>
    %swap3A_46 = vector.shape_cast %slice3A_40 : vector<2000x128xf32> to vector<1x2000x128xf32>
    tpu.vector_store %arg6[%swap3A_41, %swap3A_42, %swap3A_43], %swap3A_46 {strides = array<i32>} : memref<2x2000x128xf32, #tpu.memory_space<vmem>>, vector<1x2000x128xf32>,
    return
  }
  func.func @transform_0(%arg0: i32) -> (i32, i32, i32) {
    %c0_i32 = arith.constant 0 : i32
    %c0_i32_0 = arith.constant 0 : i32
    %c0_i32_1 = arith.constant 0 : i32
    return %c0_i32, %arg0, %c0_i32_0 : i32, i32, i32
  }
  func.func @transform_1(%arg0: i32) -> (i32, i32) {
    %c0_i32 = arith.constant 0 : i32
    %c0_i32_0 = arith.constant 0 : i32
    return %arg0, %c0_i32 : i32, i32
  }
  func.func @transform_2(%arg0: i32) -> (i32, i32) {
    %c0_i32 = arith.constant 0 : i32
    %c0_i32_0 = arith.constant 0 : i32
    return %arg0, %c0_i32 : i32, i32
  }
  func.func @transform_3(%arg0: i32) -> (i32, i32) {
    %c0_i32 = arith.constant 0 : i32
    %c0_i32_0 = arith.constant 0 : i32
    %c0_i32_1 = arith.constant 0 : i32
    return %c0_i32, %c0_i32_0 : i32, i32
  }
  func.func @transform_4(%arg0: i32) -> (i32, i32) {
    %c0_i32 = arith.constant 0 : i32
    %c0_i32_0 = arith.constant 0 : i32
    %c0_i32_1 = arith.constant 0 : i32
    return %c0_i32, %c0_i32_0 : i32, i32
  }
  func.func @transform_5(%arg0: i32) -> (i32, i32, i32) {
    %c0_i32 = arith.constant 0 : i32
    %c0_i32_0 = arith.constant 0 : i32
    %c0_i32_1 = arith.constant 0 : i32
    return %c0_i32, %arg0, %c0_i32_0 : i32, i32, i32
  }
}

module attributes {stable_mosaic.version = 14 : i64} {
  func.func @_fin_body(%arg0: i32, %arg1: memref<2x2000x128xf32, #tpu.memory_space<vmem>>, %arg2: memref<2000x1xf32, #tpu.memory_space<vmem>>, %arg3: memref<1x256xf32, #tpu.memory_space<vmem>>, %arg4: memref<1x256xf32, #tpu.memory_space<vmem>>, %arg5: memref<256x256xf32, #tpu.memory_space<vmem>>, %arg6: memref<1x256xf32, #tpu.memory_space<vmem>>, %arg7: memref<2x256xf32, #tpu.memory_space<vmem>>, %arg8: memref<1x1xf32, #tpu.memory_space<vmem>>, %arg9: memref<1x1xf32, #tpu.memory_space<vmem>>, %arg10: memref<1x256xf32, #tpu.memory_space<vmem>>) attributes {dimension_semantics = [#tpu.dimension_semantics<arbitrary>], iteration_bounds = array<i64: 5>, scalar_prefetch = 0 : i64, scratch_operands = 1 : i64, tpu.core_type = #tpu.core_type<tc>, window_params = [{transform_indices = @transform_0, window_bounds = array<i64: 2, 2000, 128>}, {transform_indices = @transform_1, window_bounds = array<i64: 2000, 1>}, {pipeline_mode = #tpu.pipeline_mode<synchronous>, transform_indices = @transform_2, window_bounds = array<i64: 1, 256>}, {pipeline_mode = #tpu.pipeline_mode<synchronous>, transform_indices = @transform_3, window_bounds = array<i64: 1, 256>}, {pipeline_mode = #tpu.pipeline_mode<synchronous>, transform_indices = @transform_4, window_bounds = array<i64: 256, 256>}, {pipeline_mode = #tpu.pipeline_mode<synchronous>, transform_indices = @transform_5, window_bounds = array<i64: 1, 256>}, {pipeline_mode = #tpu.pipeline_mode<synchronous>, transform_indices = @transform_6, window_bounds = array<i64: 2, 256>}, {pipeline_mode = #tpu.pipeline_mode<synchronous>, transform_indices = @transform_7, window_bounds = array<i64: 1, 1>}, {pipeline_mode = #tpu.pipeline_mode<synchronous>, transform_indices = @transform_8, window_bounds = array<i64: 1, 1>}]} {
    %get3A = arith.constant 0 : index
    %get3A_0 = arith.constant 0 : index
    %get3A_1 = arith.constant 0 : index
    %get3A_2 = vector.load %arg1[%get3A, %get3A_0, %get3A_1] : memref<2x2000x128xf32, #tpu.memory_space<vmem>>, vector<1x2000x128xf32>
    %get3A_3 = vector.shape_cast %get3A_2 : vector<1x2000x128xf32> to vector<2000x128xf32>
    %get3A_4 = arith.constant 1 : index
    %get3A_5 = arith.constant 0 : index
    %get3A_6 = arith.constant 0 : index
    %get3A_7 = vector.load %arg1[%get3A_4, %get3A_5, %get3A_6] : memref<2x2000x128xf32, #tpu.memory_space<vmem>>, vector<1x2000x128xf32>
    %get3A_8 = vector.shape_cast %get3A_7 : vector<1x2000x128xf32> to vector<2000x128xf32>
    %concatenate3A = tpu.concatenate %get3A_3, %get3A_8 in 1 : vector<2000x128xf32>, vector<2000x128xf32> -> vector<2000x256xf32>
    %get3A_9 = arith.constant 0 : index
    %get3A_10 = arith.constant 0 : index
    %get3A_11 = vector.load %arg2[%get3A_9, %get3A_10] : memref<2000x1xf32, #tpu.memory_space<vmem>>, vector<2000x1xf32>
    %max3A = arith.constant 1.000000e+00 : f32
    %max3A_12 = vector.broadcast %max3A : f32 to vector<2000x1xf32>
    %max3A_13 = arith.maximumf %get3A_11, %max3A_12 : vector<2000x1xf32>
    %rsqrt3A = math.rsqrt %max3A_13 : vector<2000x1xf32>
    %mul3A = vector.broadcast %rsqrt3A : vector<2000x1xf32> to vector<2000x256xf32>
    %mul3A_14 = arith.mulf %concatenate3A, %mul3A : vector<2000x256xf32>
    %get3A_15 = arith.constant 0 : index
    %get3A_16 = arith.constant 0 : index
    %get3A_17 = vector.load %arg3[%get3A_15, %get3A_16] : memref<1x256xf32, #tpu.memory_space<vmem>>, vector<1x256xf32>
    %add3A = vector.broadcast %get3A_17 : vector<1x256xf32> to vector<2000x256xf32>
    %add3A_18 = arith.addf %mul3A_14, %add3A : vector<2000x256xf32>
    %max3A_19 = arith.constant 0.000000e+00 : f32
    %max3A_20 = vector.broadcast %max3A_19 : f32 to vector<2000x256xf32>
    %max3A_21 = arith.maximumf %add3A_18, %max3A_20 : vector<2000x256xf32>
    %reduce_sum3A = arith.constant dense<0.000000e+00> : vector<256xf32>
    %reduce_sum3A_22 = vector.multi_reduction <add>, %max3A_21, %reduce_sum3A [0] : vector<2000x256xf32> to vector<256xf32>
    %broadcast_in_dim3A = vector.shape_cast %reduce_sum3A_22 : vector<256xf32> to vector<1x256xf32>
    %eq3A = arith.constant 0 : i32
    %eq3A_23 = arith.cmpi eq, %arg0, %eq3A : i32
    %convert_element_type3A = arith.extui %eq3A_23 : i1 to i32
    %cond3A = arith.constant 0 : i32
    %cond3A_24 = arith.cmpi ne, %convert_element_type3A, %cond3A : i32
    scf.if %cond3A_24 {
      %swap3A = arith.constant 0 : index
      %swap3A_34 = arith.constant 0 : index
      %swap3A_35 = vector.load %arg10[%swap3A, %swap3A_34] : memref<1x256xf32, #tpu.memory_space<vmem>>, vector<1x256xf32>
      tpu.vector_store %arg10[%swap3A, %swap3A_34], %broadcast_in_dim3A {strides = array<i32>} : memref<1x256xf32, #tpu.memory_space<vmem>>, vector<1x256xf32>,
    } else {
    }
    %gt3A = arith.constant 0 : i32
    %gt3A_25 = arith.cmpi sgt, %arg0, %gt3A : i32
    %convert_element_type3A_26 = arith.extui %gt3A_25 : i1 to i32
    %cond3A_27 = arith.constant 0 : i32
    %cond3A_28 = arith.cmpi ne, %convert_element_type3A_26, %cond3A_27 : i32
    scf.if %cond3A_28 {
      %get3A_34 = arith.constant 0 : index
      %get3A_35 = arith.constant 0 : index
      %get3A_36 = vector.load %arg10[%get3A_34, %get3A_35] : memref<1x256xf32, #tpu.memory_space<vmem>>, vector<1x256xf32>
      %add3A_37 = arith.addf %get3A_36, %broadcast_in_dim3A : vector<1x256xf32>
      %swap3A = arith.constant 0 : index
      %swap3A_38 = arith.constant 0 : index
      %swap3A_39 = vector.load %arg10[%swap3A, %swap3A_38] : memref<1x256xf32, #tpu.memory_space<vmem>>, vector<1x256xf32>
      tpu.vector_store %arg10[%swap3A, %swap3A_38], %add3A_37 {strides = array<i32>} : memref<1x256xf32, #tpu.memory_space<vmem>>, vector<1x256xf32>,
    } else {
    }
    %eq3A_29 = arith.constant 4 : i32
    %eq3A_30 = arith.cmpi eq, %arg0, %eq3A_29 : i32
    %convert_element_type3A_31 = arith.extui %eq3A_30 : i1 to i32
    %cond3A_32 = arith.constant 0 : i32
    %cond3A_33 = arith.cmpi ne, %convert_element_type3A_31, %cond3A_32 : i32
    scf.if %cond3A_33 {
      %get3A_34 = arith.constant 0 : index
      %get3A_35 = arith.constant 0 : index
      %get3A_36 = vector.load %arg10[%get3A_34, %get3A_35] : memref<1x256xf32, #tpu.memory_space<vmem>>, vector<1x256xf32>
      %mul3A_37 = arith.constant 9.99999974E-5 : f32
      %mul3A_38 = vector.broadcast %mul3A_37 : f32 to vector<1x256xf32>
      %mul3A_39 = arith.mulf %get3A_36, %mul3A_38 : vector<1x256xf32>
      %get3A_40 = arith.constant 0 : index
      %get3A_41 = arith.constant 0 : index
      %get3A_42 = vector.load %arg4[%get3A_40, %get3A_41] : memref<1x256xf32, #tpu.memory_space<vmem>>, vector<1x256xf32>
      %get3A_43 = arith.constant 0 : index
      %get3A_44 = arith.constant 0 : index
      %get3A_45 = vector.load %arg5[%get3A_43, %get3A_44] : memref<256x256xf32, #tpu.memory_space<vmem>>, vector<256x256xf32>
      %dot_general3A = arith.constant dense<0.000000e+00> : vector<1x256xf32>
      %dot_general3A_46 = tpu.matmul %get3A_42, %get3A_45, %dot_general3A {dimension_numbers = #tpu.dot_dimension_numbers<[1], [0], [0], [1], [0, 0, 1, 1], [], []>, transpose_lhs_hint = false} : vector<1x256xf32>, vector<256x256xf32>, vector<1x256xf32> -> vector<1x256xf32>
      %get3A_47 = arith.constant 0 : index
      %get3A_48 = arith.constant 0 : index
      %get3A_49 = vector.load %arg6[%get3A_47, %get3A_48] : memref<1x256xf32, #tpu.memory_space<vmem>>, vector<1x256xf32>
      %add3A_50 = arith.addf %dot_general3A_46, %get3A_49 : vector<1x256xf32>
      %get3A_51 = arith.constant 0 : index
      %get3A_52 = arith.constant 0 : index
      %get3A_53 = vector.load %arg7[%get3A_51, %get3A_52] : memref<2x256xf32, #tpu.memory_space<vmem>>, vector<1x256xf32>
      %mul3A_54 = arith.mulf %mul3A_39, %get3A_53 : vector<1x256xf32>
      %reduce_sum3A_55 = vector.shape_cast %mul3A_54 : vector<1x256xf32> to vector<1x1x256xf32>
      %reduce_sum3A_56 = arith.constant dense<0.000000e+00> : vector<1xf32>
      %reduce_sum3A_57 = vector.multi_reduction <add>, %reduce_sum3A_55, %reduce_sum3A_56 [1, 2] : vector<1x1x256xf32> to vector<1xf32>
      %reduce_sum3A_58 = vector.shape_cast %reduce_sum3A_57 : vector<1xf32> to vector<1x1x1xf32>
      %reduce_sum3A_59 = vector.extract %reduce_sum3A_58[0, 0, 0] : f32 from vector<1x1x1xf32>
      %get3A_60 = arith.constant 1 : index
      %get3A_61 = arith.constant 0 : index
      %get3A_62 = vector.load %arg7[%get3A_60, %get3A_61] : memref<2x256xf32, #tpu.memory_space<vmem>>, vector<1x256xf32>
      %mul3A_63 = arith.mulf %add3A_50, %get3A_62 : vector<1x256xf32>
      %reduce_sum3A_64 = vector.shape_cast %mul3A_63 : vector<1x256xf32> to vector<1x1x256xf32>
      %reduce_sum3A_65 = arith.constant dense<0.000000e+00> : vector<1xf32>
      %reduce_sum3A_66 = vector.multi_reduction <add>, %reduce_sum3A_64, %reduce_sum3A_65 [1, 2] : vector<1x1x256xf32> to vector<1xf32>
      %reduce_sum3A_67 = vector.shape_cast %reduce_sum3A_66 : vector<1xf32> to vector<1x1x1xf32>
      %reduce_sum3A_68 = vector.extract %reduce_sum3A_67[0, 0, 0] : f32 from vector<1x1x1xf32>
      %add3A_69 = arith.addf %reduce_sum3A_59, %reduce_sum3A_68 : f32
      %get3A_70 = arith.constant 0 : index
      %get3A_71 = arith.constant 0 : index
      %get3A_72 = vector.load %arg8[%get3A_70, %get3A_71] : memref<1x1xf32, #tpu.memory_space<vmem>>, vector<1x1xf32>
      %get3A_73 = vector.extract %get3A_72[0, 0] : f32 from vector<1x1xf32>
      %add3A_74 = arith.addf %add3A_69, %get3A_73 : f32
      %reshape3A = vector.broadcast %add3A_74 : f32 to vector<1x1xf32>
      %swap3A = arith.constant 0 : index
      %swap3A_75 = arith.constant 0 : index
      %swap3A_76 = vector.load %arg9[%swap3A, %swap3A_75] : memref<1x1xf32, #tpu.memory_space<vmem>>, vector<1x1xf32>
      tpu.vector_store %arg9[%swap3A, %swap3A_75], %reshape3A {strides = array<i32>} : memref<1x1xf32, #tpu.memory_space<vmem>>, vector<1x1xf32>,
    } else {
    }
    return
  }
  func.func @transform_0(%arg0: i32) -> (i32, i32, i32) {
    %c0_i32 = arith.constant 0 : i32
    %c0_i32_0 = arith.constant 0 : i32
    %c0_i32_1 = arith.constant 0 : i32
    return %c0_i32, %arg0, %c0_i32_0 : i32, i32, i32
  }
  func.func @transform_1(%arg0: i32) -> (i32, i32) {
    %c0_i32 = arith.constant 0 : i32
    %c0_i32_0 = arith.constant 0 : i32
    return %arg0, %c0_i32 : i32, i32
  }
  func.func @transform_2(%arg0: i32) -> (i32, i32) {
    %c0_i32 = arith.constant 0 : i32
    %c0_i32_0 = arith.constant 0 : i32
    %c0_i32_1 = arith.constant 0 : i32
    return %c0_i32, %c0_i32_0 : i32, i32
  }
  func.func @transform_3(%arg0: i32) -> (i32, i32) {
    %c0_i32 = arith.constant 0 : i32
    %c0_i32_0 = arith.constant 0 : i32
    %c0_i32_1 = arith.constant 0 : i32
    return %c0_i32, %c0_i32_0 : i32, i32
  }
  func.func @transform_4(%arg0: i32) -> (i32, i32) {
    %c0_i32 = arith.constant 0 : i32
    %c0_i32_0 = arith.constant 0 : i32
    %c0_i32_1 = arith.constant 0 : i32
    return %c0_i32, %c0_i32_0 : i32, i32
  }
  func.func @transform_5(%arg0: i32) -> (i32, i32) {
    %c0_i32 = arith.constant 0 : i32
    %c0_i32_0 = arith.constant 0 : i32
    %c0_i32_1 = arith.constant 0 : i32
    return %c0_i32, %c0_i32_0 : i32, i32
  }
  func.func @transform_6(%arg0: i32) -> (i32, i32) {
    %c0_i32 = arith.constant 0 : i32
    %c0_i32_0 = arith.constant 0 : i32
    %c0_i32_1 = arith.constant 0 : i32
    return %c0_i32, %c0_i32_0 : i32, i32
  }
  func.func @transform_7(%arg0: i32) -> (i32, i32) {
    %c0_i32 = arith.constant 0 : i32
    %c0_i32_0 = arith.constant 0 : i32
    %c0_i32_1 = arith.constant 0 : i32
    return %c0_i32, %c0_i32_0 : i32, i32
  }
  func.func @transform_8(%arg0: i32) -> (i32, i32) {
    %c0_i32 = arith.constant 0 : i32
    %c0_i32_0 = arith.constant 0 : i32
    %c0_i32_1 = arith.constant 0 : i32
    return %c0_i32, %c0_i32_0 : i32, i32
  }
}

</mosaic_0001>

<sc_bundles>
// kernel: kernel.11.cloned.1.call-start
scs
__scs_entry_jumppad:
0x0: {  	(pc) =	sbr.rel $0x88, $3  }
0x1: {  	(tag) =	ssettag $0x0;
	lr =	simm.s32 $0x1  }
0x2: {  	[smem:$0x3F96] =	sst lr;
	_ =	strace $0xD0000000  }
0x3: {  	_ = 	snop  }
0x4: {  	_ = 	snop  }
0x5: {  	_ = 	snop  }
0x6: {  	_ = 	snop  }
0x7: {  	_ = 	snop  }
__scs_overlays_trampoline_lowered:
0x8: {  	[smem:$0x3FA5] =	sst s0  }
0x9: {  	[smem:$0x3FA6] =	sst s1  }
0xa: {  	[smem:$0x3FA7] =	sst s2  }
0xb: {  	[smem:$0x3FA8] =	sst s3  }
0xc: {  	[smem:$0x3FA9] =	sst s4  }
0xd: {  	[smem:$0x3FAA] =	sst s5  }
0xe: {  	[smem:$0x3FAB] =	sst s6  }
0xf: {  	[smem:$0x3FAC] =	sst s7  }
0x10: {  	[smem:$0x3FAD] =	sst s8  }
0x11: {  	[smem:$0x3FAE] =	sst s9;
	s0 =	simm.s32 @!p0 $0x0  }
0x12: {  	s1 =	sld [smem:$0x3F94];
	s0 =	simm.s32 @p0 $0x1  }
0x13: {  	[smem:$0x3FAF] =	sst s0;
	s0 =	simm.s32 @!p1 $0x0  }
0x14: {  	s2 =	sld [smem:$0x3F93];
	s0 =	simm.s32 @p1 $0x1  }
0x15: {  	[smem:$0x3FB0] =	sst s0;
	s0 =	simm.s32 @!p2 $0x0  }
0x16: {  	s3 =	sld [smem:$0x3FDB];
	s0 =	simm.s32 @p2 $0x1  }
0x17: {  	s4 =	simm.s32 $0x1BF5;
	[smem:$0x3FB2] =	sst s0  }
0x18: {  	s0 =	sld [smem:$0x3F95];
	_ =	swait.ge [sflag:s4], $0x0  }
0x19: {  	s7 =	sld [smem:$0x3F96]  }
0x1a: {  	s8 =	sadd.s32 $0xFFFFE003, lr  }
0x1b: {  	s9 =	sadd.s32 $0xFFFFFEF7, lr;
	s5 =	simm.s32 $0xFFFFFFFF;
	p2 =	slt.u32 s8, $0xFFFFF086  }
0x1c: {  	p1 =	slt.u32 s9, $0xF7A;
	s5 =	simm.s32 @!p2 $0x0  }
0x1d: {  	s5 =	simm.s32 @p1 $0x1;
	p0 =	seq.s32 s7, s2  }
0x1e: {  	s7 =	smul.u32 @!p0 $0xF7A, s2;
	p2 =	seq.s32 @!p0 s5, $0x0  }
0x1f: {  	s9 =	smul.u32 $0xF7A, s1;
	s8 =	simm.s32 @!p0 $0x1BF5;
	p2 =	por !p2, p0  }
0x20: {  	[sflag:s8] =	ssyncset.s32 @!p0 $0xFFFFF086;
	s6 =	sadd.s32 @!p0 s3, s7;
	s7 =	simm.s32 @!p0 $0x108  }
0x21: {  	s3 =	sadd.s32 s3, s9;
	s6 =	sadd.s32 @!p0 $0x88, s6;
	s7 =	simm.s32 @p2 $0x1082  }
0x22: {  	[simem:s7], [sflag:s8] =	dma.local @!p0 [hbm:s6], $0xF7A  }
0x23: {  	s9 =	sor.u32 $0xD0000000, s2;
	s6 =	simm.s32 $0x108;
	_ =	swait.ge @!p0 [sflag:s8], $0x0  }
0x24: {  	s3 =	sadd.s32 $0x88, s3;
	s6 =	simm.s32 @!p1 $0x1082;
	[sflag:s4] =	ssyncset.s32 $0xFFFFF086  }
0x25: {  	[simem:s6], [sflag:s4] =	dma.local [hbm:s3], $0xF7A  }
0x26: {  	[smem:$0x3F96] =	sst s1;
	(tag) =	ssettag s2;
	_ =	strace s9  }
0x27: {  	s1 =	sld [smem:$0x3FA6]  }
0x28: {  	s2 =	sld [smem:$0x3FA7]  }
0x29: {  	s4 =	sld [smem:$0x3FA9]  }
0x2a: {  	p0 =	seq.s32 s5, $0x0;
	s5 =	sld [smem:$0x3FAA]  }
0x2b: {  	s6 =	sld [smem:$0x3FAB]  }
0x2c: {  	s7 =	sld [smem:$0x3FAC]  }
0x2d: {  	s3 =	simm.s32 $0x108;
	s8 =	sld [smem:$0x3FAD]  }
0x2e: {  	s3 =	simm.s32 @!p0 $0x1082;
	s9 =	sld [smem:$0x3FAE]  }
0x2f: {  	lr =	sadd.s32 s0, s3;
	s0 =	sld [smem:$0x3FA5]  }
0x30: {  	s3 =	sld [smem:$0x3FA8]  }
0x31: {  	[smem:$0x3FB1] =	sst s10  }
0x32: {  	s10 =	sld [smem:$0x3FAF];
	_ =	sdelay $0x3  }
0x33: {  	p0 =	seq.s32 s10, $0x1;
	s10 =	sld [smem:$0x3FB1];
	_ =	sdelay $0x3  }
0x34: {  	[smem:$0x3FB1] =	sst s10  }
0x35: {  	s10 =	sld [smem:$0x3FB0];
	_ =	sdelay $0x3  }
0x36: {  	p1 =	seq.s32 s10, $0x1;
	s10 =	sld [smem:$0x3FB1];
	_ =	sdelay $0x3  }
0x37: {  	[smem:$0x3FB1] =	sst s10  }
0x38: {  	s10 =	sld [smem:$0x3FB2]  }
0x39: {  	_ = 	snop;
	(pc) =	sbr.ind lr, $3  }
0x3a: {  	_ = 	snop  }
0x3b: {  	_ = 	snop  }
0x3c: {  	p2 =	seq.s32 s10, $0x1;
	s10 =	sld [smem:$0x3FB1]  }
0x3d: {  	_ =	shalt  }
0x3e: {  	_ =	shalt  }
0x3f: {  	_ =	shalt  }
0x40: {  	_ =	shalt  }
0x41: {  	_ =	shalt  }
0x42: {  	_ =	shalt  }
0x43: {  	_ =	shalt  }
0x44: {  	_ =	shalt  }
0x45: {  	_ =	shalt  }
0x46: {  	_ =	shalt  }
0x47: {  	_ =	shalt  }
0x48: {  	_ =	shalt  }
0x49: {  	_ =	shalt  }
0x4a: {  	_ =	shalt  }
0x4b: {  	_ =	shalt  }
0x4c: {  	_ =	shalt  }
0x4d: {  	_ =	shalt  }
0x4e: {  	_ =	shalt  }
0x4f: {  	_ =	shalt  }
0x50: {  	_ =	shalt  }
0x51: {  	_ =	shalt  }
0x52: {  	_ =	shalt  }
0x53: {  	_ =	shalt  }
0x54: {  	_ =	shalt  }
0x55: {  	_ =	shalt  }
0x56: {  	_ =	shalt  }
0x57: {  	_ =	shalt  }
0x58: {  	_ =	shalt  }
0x59: {  	_ =	shalt  }
0x5a: {  	_ =	shalt  }
0x5b: {  	_ =	shalt  }
0x5c: {  	_ =	shalt  }
0x5d: {  	_ =	shalt  }
0x5e: {  	_ =	shalt  }
0x5f: {  	_ =	shalt  }
0x60: {  	_ =	shalt  }
0x61: {  	_ =	shalt  }
0x62: {  	_ =	shalt  }
0x63: {  	_ =	shalt  }
0x64: {  	_ =	shalt  }
0x65: {  	_ =	shalt  }
0x66: {  	_ =	shalt  }
0x67: {  	_ =	shalt  }
0x68: {  	_ =	shalt  }
0x69: {  	_ =	shalt  }
0x6a: {  	_ =	shalt  }
0x6b: {  	_ =	shalt  }
0x6c: {  	_ =	shalt  }
0x6d: {  	_ =	shalt  }
0x6e: {  	_ =	shalt  }
0x6f: {  	_ =	shalt  }
0x70: {  	_ =	shalt  }
0x71: {  	_ =	shalt  }
0x72: {  	_ =	shalt  }
0x73: {  	_ =	shalt  }
0x74: {  	_ =	shalt  }
0x75: {  	_ =	shalt  }
0x76: {  	_ =	shalt  }
0x77: {  	_ =	shalt  }
0x78: {  	_ =	shalt  }
0x79: {  	_ =	shalt  }
0x7a: {  	_ =	shalt  }
0x7b: {  	_ =	shalt  }
0x7c: {  	_ =	shalt  }
0x7d: {  	_ =	shalt  }
0x7e: {  	_ =	shalt  }
0x7f: {  	_ =	shalt  }
0x80: {  	_ =	shalt  }
0x81: {  	_ =	shalt  }
0x82: {  	_ =	shalt  }
0x83: {  	_ =	shalt  }
0x84: {  	_ =	shalt  }
0x85: {  	_ =	shalt  }
0x86: {  	_ =	shalt  }
0x87: {  	_ =	shalt  }
.Lfunc_end0:
.L_simem_size_0:
called_computation.1_lowered:
.L_overlay_start_0:
0x88: {  	s2 =	sld [smem:$0x3FD9]  }
0x89: {  	s3 =	sld [smem:$0x3FFE];
	_ =	sdelay $0x1  }
0x8a: {  	s1 =	srdreg.scid  }
0x8b: {  	s0 =	sand.u32 $0x1, s1  }
0x8c: {  	s16 =	sshll.u32 s0, $0xA;
	s2 =	sadd.s32 s3, s2  }
0x8d: {  	s2 =	sadd.s32 s2, s16  }
0x8e: {  	[smem:$0x3FBD] =	sst s2  }
0x8f: {  	_ = 	snop  }
0x90: {  	(tm) =	ssettm $0x1  }
0x91: {  	s17 =	sld [smem:$0x3FFB];
	_ =	sdelay $0x3  }
0x92: {  	_ =	strace s17  }
0x93: {  	s2 =	sld [smem:$0x3FFC];
	_ =	sdelay $0x3  }
0x94: {  	_ =	strace s2  }
0x95: {  	s2 =	sld [smem:$0x3FFD];
	_ =	sdelay $0x3  }
0x96: {  	_ =	strace s2  }
0x97: {  	_ =	strace $0x8FFFFFFF  }
0x98: {  	s18 =	sld [smem:$0x3FDB];
	_ =	sdelay $0x1  }
0x99: {  	s19 =	simm.s32 $_scs_section_size  }
0x9a: {  	s4 =	simm.s32 $_size__tile_overlayer_lowered;
	s5 =	simm.s32 $_tile_overlayer_lowered  }
0x9b: {  	s22 =	simm.s32 $0x1BFF;
	s21 =	sshll.u32 s5, $0x1;
	s2 =	sadd.s32 s19, s18  }
0x9c: {  	s6 =	simm.s32 $0x0;
	s20 =	sshll.u32 s4, $0x1;
	s4 =	sadd.s32 s21, s2  }
0x9d: {  	[timem:s6], [sflag:s22] =	dma.local [hbm:s4], s20  }
0x9e: {  	_ =	swait.ge [sflag:s22], s20  }
0x9f: {  	s3 =	ssub.s32 $0x0, s20;
	[sflag:s22] =	ssyncset.done $0x0  }
0xa0: {  	[sflag:s22] =	ssyncadd.s32 s3;
	_ =	sdelay $0x1  }
0xa1: {  	s23 =	simm.s32 $0x1B8B  }
0xa2: {  	_ =	swait.ge [sflag:s23], $0x1  }
0xa3: {  	[sflag:s23] =	ssyncset.done $0x0  }
0xa4: {  	s25 =	simm.s32 $0x1B8E;
	s24 =	sld [smem:$0x3FFE];
	[sflag:s23] =	ssyncadd.s32 $0xFFFFFFFF  }
0xa5: {  	s26 =	simm.s32 $execute0_lowered;
	[smem:$0x3FD2] =	sst s25  }
0xa6: {  	s4 =	sshll.u32 s26, $0x1;
	_ =	strace $0x80000049;
	[dreg:$0x1] =	wrdreg $0xFFFFFFFF  }
0xa7: {  	s28 =	simm.s32 $_size_execute0_lowered;
	s2 =	sadd.s32 s2, s4;
	[dreg:$0x0] =	wrdreg $0x0  }
0xa8: {  	s4 =	sshll.u32 s28, $0x1;
	[dreg:$0x2] =	wrdreg s2  }
0xa9: {  	[dreg:$0x3] =	wrdreg s4  }
0xaa: {  	[dreg:$0x4] =	wrdreg $0xC0  }
0xab: {  	_ =	task [dreg:s6], $0x5FFFF  }
0xac: {  	[dreg:$0x1] =	wrdreg $0xFFFFFFFF  }
0xad: {  	[dreg:$0x0] =	wrdreg $0x60  }
0xae: {  	[dreg:$0x2] =	wrdreg s24  }
0xaf: {  	[dreg:$0x3] =	wrdreg $0xB7800  }
0xb0: {  	[dreg:$0x4] =	wrdreg $0x9  }
0xb1: {  	_ =	task.clear_ibuf [dreg:s6], $0x5FFFF;
	_ =	strace $0x90000049  }
0xb2: {  	s29 =	simm.s32 $0x9;
	_ =	strace $0x8000004B  }
0xb3: {  	_ =	swait.ge [sflag:s29], $0x1  }
0xb4: {  	[sflag:s29] =	ssyncadd.s32 $0xFFFFFFFF  }
0xb5: {  	_ =	strace $0x9000004B  }
0xb6: {  	_ =	sfence  }
0xb7: {  	s30 =	sld [smem:$0x0];
	_ =	sdelay $0x2  }
0xb8: {  	s31 =	sshll.u32 s1, $0xD;
	s1 =	sshrl.u32 s1, $0x2  }
0xb9: {  	s3 =	sand.u32 $0x4000, s31;
	s1 =	sadd.s32 s1, s30  }
0xba: {  	s0 =	sor.u32 s3, s0;
	s1 =	sshll.u32 s1, $0x11  }
0xbb: {  	s0 =	sor.u32 s1, s0  }
0xbc: {  	s0 =	sadd.s32 $0x8F2B, s0  }
0xbd: {  	[sflag:s0] =	ssyncadd.remote.s32 $0x1  }
0xbe: {  	_ =	sfence.sel $0xFFFF  }
0xbf: {  	[dreg:$0x0] =	wrdreg $0xFFFFFFFF;
	(pc) =	sbr.abs _section_cstart, $3  }
0xc0: {  	[dreg:$0x1] =	wrdreg $0xFFFFFFFF  }
0xc1: {  	_ =	task.clear_ibuf [dreg:s6], $0x2FFFF;
	_ =	strace $0x9FFFFFFF  }
0xc2: {  	(tm) =	ssettm $0x7FFFFFFF  }
0xc3: {  	_ =	shalt  }
tec
execute0_lowered:
.L_overlay_start_1:
0x0: {  	(tag) =	ssettag $0x1  }
0x1: {  	s1 =	srdreg.scid  }
0x2: {  	s0 =	stileid.u32;
	s6 =	rddreg [dreg:$0x0]  }
0x3: {  	s2 =	rddreg [dreg:$0x1];
	s21 =	simm.s32 $0x3;
	s22 =	simm.s32 $0x2780  }
0x4: {  	s28 =	simm.s32 $0x2;
	s29 =	simm.s32 $0x6580;
	s10 =	smul.u32 $0x50000, s0  }
0x5: {  	s30 =	simm.s32 $0x0;
	s1 =	sand.u32 $0x1, s1;
	s12 =	smul.u32 $0x14000, s0  }
0x6: {  	s3 =	sshrl.u32 s0, $0x3;
	s7 =	sshll.u32 s0, $0x7;
	s4 =	smul.u32 $0x27800, s1  }
0x7: {  	s25 =	sshll.u32 s0, $0xB;
	s17 =	sadd.s32 $0x73E00, s6;
	s5 =	smul.u32 $0x13C00, s3  }
0x8: {  	s3 =	simm.s32 $0x0;
	s23 =	sand.u32 $0x380, s7;
	s8 =	sadd.s32 s25, s6  }
0x9: {  	s9 =	ssub.s32 $0x2, s1;
	s1 =	smul.u32 $0x140000, s1;
	s25 =	simm.s32 $0x1  }
0xa: {  	[smem:$0x7FF] =	sst s3;
	s26 =	sshrl.u32 s9, $0x1;
	s31 =	sshrl.u32 s10, $0x2  }
0xb: {  	s7 =	sadd.s32 $0x62000, s8;
	s13 =	sadd.s32 $0x4000, s12;
	s15 =	sadd.s32 $0x8000, s12  }
0xc: {  	s16 =	sadd.s32 $0xC000, s12;
	s19 =	sadd.s32 $0x10000, s12;
	s4 =	sadd.s32 s4, s5  }
0xd: {  	_ =	strace $0x8000004A;
	s18 =	ssub.s32 s9, s26;
	s8 =	sadd.s32 s31, s2  }
0xe: {  	s9 =	sadd.s32 s13, s2;
	s10 =	sadd.s32 s15, s2;
	s11 =	sadd.s32 s16, s2  }
0xf: {  	s14 =	sadd.s32 s12, s1;
	s13 =	sadd.s32 s1, s13;
	s12 =	sadd.s32 s19, s2  }
0x10: {  	s15 =	sadd.s32 s1, s15;
	s16 =	sadd.s32 s1, s16;
	s1 =	sadd.s32 s1, s19  }
0x11: {  	s26 =	simm.s32 $0x8F80;
	s4 =	sor.u32 s23, s4;
	s14 =	sshrl.u32 s14, $0x3  }
0x12: {  	s20 =	sshrl.u32 s13, $0x3;
	s15 =	sshrl.u32 s15, $0x3;
	s16 =	sshrl.u32 s16, $0x3  }
0x13: {  	s1 =	sshrl.u32 s1, $0x3;
	s18 =	smax.u32 s18, $0x1;
	s23 =	simm.s32 $0x6780  }
0x14: {  	s5 =	sshrl.u32 s4, $0x3;
	s4 =	sadd.s32 $0x1400, s6;
	s13 =	sadd.s32 s17, s14  }
0x15: {  	s14 =	sadd.s32 s17, s20;
	s15 =	sadd.s32 s17, s15;
	s16 =	sadd.s32 s17, s16  }
0x16: {  	s17 =	sadd.s32 s17, s1;
	s20 =	simm.s32 $0x400;
	s24 =	sadd.s32 s5, s6  }
0x17: {  	s5 =	sadd.s32 $0x4F600, s6;
	s6 =	sadd.s32 $0x6A000, s24;
	s24 =	simm.s32 $0x50  }
.LBB2_1:
0x18: {  	s0 =	simm.s32 $0x80  }
0x19: {  	[tilespmem:s3], [sflag:$0x3] =	stream.strided.gather [hbm4b:s6+s0], $0x2780, s20, s0, $0x38;
	[tilespmem:$0x1F780] =	vst v63  }
0x1a: {  	_ =	swait.ge [sflag:s21], $0x2780  }
0x1b: {  	[sflag:s21] =	ssyncset.done $0x0  }
0x1c: {  	[sflag:s21] =	ssyncadd.s32 $0xFFFFD880  }
0x1d: {  	[tilespmem:s22], [sflag:$0x3] =	stream.linear.gather [hbm4b:s7+s3], $0x3E80, $0x38;
	[tilespmem:$0x1F780] =	vst v63  }
0x1e: {  	_ =	swait.ge [sflag:s21], $0x3E80  }
0x1f: {  	[sflag:s21] =	ssyncset.done $0x0  }
0x20: {  	[sflag:s21] =	ssyncadd.s32 $0xFFFFC180  }
0x21: {  	[tilespmem:s23], [sflag:$0x3] =	stream.linear.gather [hbm4b:s5+s3], $0x4000, $0x38;
	[tilespmem:$0x1F780] =	vst v63  }
0x22: {  	_ =	swait.ge [sflag:s21], $0x4000  }
0x23: {  	[sflag:s21] =	ssyncset.done $0x0  }
0x24: {  	[sflag:s21] =	ssyncadd.s32 $0xFFFFC000  }
0x25: {  	[spmem:s8] =	stream.linear.scatter [tilespmem:s23], [sflag:$0x3], $0x4000, $0x38;
	[tilespmem:$0x1F780] =	vst v63  }
0x26: {  	_ =	swait.ge [sflag:s21], $0x4000  }
0x27: {  	[sflag:s21] =	ssyncset.done $0x0  }
0x28: {  	[sflag:s21] =	ssyncadd.s32 $0xFFFFC000  }
0x29: {  	[spmem:s9] =	stream.linear.scatter [tilespmem:s23], [sflag:$0x3], $0x4000, $0x38;
	[tilespmem:$0x1F780] =	vst v63  }
0x2a: {  	_ =	swait.ge [sflag:s21], $0x4000  }
0x2b: {  	[sflag:s21] =	ssyncset.done $0x0  }
0x2c: {  	[sflag:s21] =	ssyncadd.s32 $0xFFFFC000  }
0x2d: {  	[spmem:s10] =	stream.linear.scatter [tilespmem:s23], [sflag:$0x3], $0x4000, $0x38;
	[tilespmem:$0x1F780] =	vst v63  }
0x2e: {  	_ =	swait.ge [sflag:s21], $0x4000  }
0x2f: {  	[sflag:s21] =	ssyncset.done $0x0  }
0x30: {  	[sflag:s21] =	ssyncadd.s32 $0xFFFFC000  }
0x31: {  	[spmem:s11] =	stream.linear.scatter [tilespmem:s23], [sflag:$0x3], $0x4000, $0x38;
	[tilespmem:$0x1F780] =	vst v63  }
0x32: {  	_ =	swait.ge [sflag:s21], $0x4000  }
0x33: {  	[sflag:s21] =	ssyncset.done $0x0  }
0x34: {  	[sflag:s21] =	ssyncadd.s32 $0xFFFFC000  }
0x35: {  	[spmem:s12] =	stream.linear.scatter [tilespmem:s23], [sflag:$0x3], $0x4000, $0x38;
	[tilespmem:$0x1F780] =	vst v63  }
0x36: {  	_ =	swait.ge [sflag:s21], $0x4000  }
0x37: {  	[sflag:s21] =	ssyncset.done $0x0  }
0x38: {  	[sflag:s21] =	ssyncadd.s32 $0xFFFFC000  }
0x39: {  	[bflag:$0x0] =	sbarrier.arrive $0xFFFF  }
0x3a: {  	[tilespmem:s23], [sflag:$0x1] =	stream.indirect.gather [hbm4b:s4+s24], $0x80, s3, s24, $0xb8;
	[tilespmem:$0x1F780] =	vst v63  }
0x3b: {  	_ =	swait.ge [sflag:s25], $0x2800  }
0x3c: {  	[sflag:s25] =	ssyncset.done $0x0  }
0x3d: {  	s1 =	simm.s32 $0x50;
	[sflag:s25] =	ssyncadd.s32 $0xFFFFD800  }
0x3e: {  	[tilespmem:s26], [sflag:$0x2] =	stream.indirect.gather [hbm4b:s4+s24], $0x80, s1, s24, $0xb8;
	[tilespmem:$0x1F780] =	vst v63  }
0x3f: {  	s0 =	simm.s32 $0x2780  }
0x40: {  	[spmem:s2] =	stream.indirect.scatter.add.f32 [tilespmem:s23], [sflag:$0x3], $0x80, s0, s24, $0xb8;
	[tilespmem:$0x1F780] =	vst v63  }
0x41: {  	_ =	swait.ge [sflag:s21], $0x2800  }
0x42: {  	[sflag:s21] =	ssyncset.done $0x0  }
0x43: {  	[sflag:s21] =	ssyncadd.s32 $0xFFFFD800  }
0x44: {  	_ =	swait.ge [sflag:s28], $0x2800  }
0x45: {  	[sflag:s28] =	ssyncset.done $0x0  }
0x46: {  	s31 =	simm.s32 $0xA0;
	[sflag:s28] =	ssyncadd.s32 $0xFFFFD800  }
0x47: {  	[tilespmem:s23], [sflag:$0x1] =	stream.indirect.gather [hbm4b:s4+s24], $0x80, s31, s24, $0xb8;
	[tilespmem:$0x1F780] =	vst v63  }
0x48: {  	s19 =	simm.s32 $0x2800  }
0x49: {  	[spmem:s2] =	stream.indirect.scatter.add.f32 [tilespmem:s26], [sflag:$0x3], $0x80, s19, s24, $0xb8;
	[tilespmem:$0x1F780] =	vst v63  }
0x4a: {  	_ =	swait.ge [sflag:s21], $0x2800  }
0x4b: {  	s1 =	simm.s32 $0x400;
	[sflag:s21] =	ssyncset.done $0x0  }
.LBB2_2:
0x4c: {  	p0 =	sne.s32 s1, $0xF400;
	[sflag:s21] =	ssyncadd.s32 $0xFFFFD800;
	s31 =	sadd.s32 $0xA0, s31  }
0x4d: {  	s0 =	smov.u32 s1;
	s1 =	sadd.s32 $0x400, s1  }
0x4e: {  	_ =	swait.ge [sflag:s25], $0x2800  }
0x4f: {  	[sflag:s25] =	ssyncset.done $0x0  }
0x50: {  	s19 =	sadd.s32 $0xFFFFFFB0, s31;
	s0 =	sshra.s32 s0, $0x2;
	[sflag:s25] =	ssyncadd.s32 $0xFFFFD800  }
0x51: {  	[tilespmem:s26], [sflag:$0x2] =	stream.indirect.gather [hbm4b:s4+s24], $0x80, s19, s24, $0xb8;
	[tilespmem:$0x1F780] =	vst v63  }
0x52: {  	s19 =	sadd.s32 $0x2780, s0  }
0x53: {  	[spmem:s2] =	stream.indirect.scatter.add.f32 [tilespmem:s23], [sflag:$0x3], $0x80, s19, s24, $0xb8;
	[tilespmem:$0x1F780] =	vst v63  }
0x54: {  	_ =	swait.ge [sflag:s21], $0x2800  }
0x55: {  	[sflag:s21] =	ssyncset.done $0x0  }
0x56: {  	[sflag:s21] =	ssyncadd.s32 $0xFFFFD800  }
0x57: {  	_ =	swait.ge [sflag:s28], $0x2800  }
0x58: {  	[sflag:s28] =	ssyncset.done $0x0  }
0x59: {  	[sflag:s28] =	ssyncadd.s32 $0xFFFFD800  }
0x5a: {  	[tilespmem:s23], [sflag:$0x1] =	stream.indirect.gather [hbm4b:s4+s24], $0x80, s31, s24, $0xb8;
	[tilespmem:$0x1F780] =	vst v63  }
.Ltmp0:
0x5b: {  	_ = 	snop;
	(pc) =	sbr.rel @p0 .LBB2_2-.Ltmp0, $4  }
0x5c: {  	s0 =	sadd.s32 $0x2800, s0  }
0x5d: {  	[spmem:s2] =	stream.indirect.scatter.add.f32 [tilespmem:s26], [sflag:$0x3], $0x80, s0, s24, $0xb8;
	[tilespmem:$0x1F780] =	vst v63  }
0x5e: {  	_ =	swait.ge [sflag:s21], $0x2800  }
0x5f: {  	[sflag:s21] =	ssyncset.done $0x0  }
0x60: {  	[sflag:s21] =	ssyncadd.s32 $0xFFFFD800  }
0x61: {  	_ =	swait.ge [sflag:s25], $0x2800  }
0x62: {  	[sflag:s25] =	ssyncset.done $0x0  }
0x63: {  	[sflag:s25] =	ssyncadd.s32 $0xFFFFD800  }
0x64: {  	[spmem:s2] =	stream.indirect.scatter.add.f32 [tilespmem:s23], [sflag:$0x3], $0x80, s29, s24, $0xb8;
	[tilespmem:$0x1F780] =	vst v63  }
0x65: {  	_ =	swait.ge [sflag:s21], $0x2800  }
0x66: {  	[sflag:s21] =	ssyncset.done $0x0  }
0x67: {  	[sflag:s21] =	ssyncadd.s32 $0xFFFFD800  }
0x68: {  	[bflag:$0x0] =	sbarrier.arrive $0xFFFF  }
0x69: {  	[tilespmem:s23], [sflag:$0x3] =	stream.linear.gather [spmem:s8], $0x4000, $0x38;
	[tilespmem:$0x1F780] =	vst v63  }
0x6a: {  	_ =	swait.ge [sflag:s21], $0x4000  }
0x6b: {  	[sflag:s21] =	ssyncset.done $0x0  }
0x6c: {  	[sflag:s21] =	ssyncadd.s32 $0xFFFFC000  }
0x6d: {  	[hbm4b:s13+s3] =	stream.linear.scatter [tilespmem:s23], [sflag:$0x3], $0x4000, $0x38;
	[tilespmem:$0x1F780] =	vst v63  }
0x6e: {  	_ =	swait.ge [sflag:s21], $0x4000  }
0x6f: {  	[sflag:s21] =	ssyncset.done $0x0  }
0x70: {  	[sflag:s21] =	ssyncadd.s32 $0xFFFFC000  }
0x71: {  	[tilespmem:s23], [sflag:$0x3] =	stream.linear.gather [spmem:s9], $0x4000, $0x38;
	[tilespmem:$0x1F780] =	vst v63  }
0x72: {  	_ =	swait.ge [sflag:s21], $0x4000  }
0x73: {  	[sflag:s21] =	ssyncset.done $0x0  }
0x74: {  	[sflag:s21] =	ssyncadd.s32 $0xFFFFC000  }
0x75: {  	[hbm4b:s14+s3] =	stream.linear.scatter [tilespmem:s23], [sflag:$0x3], $0x4000, $0x38;
	[tilespmem:$0x1F780] =	vst v63  }
0x76: {  	_ =	swait.ge [sflag:s21], $0x4000  }
0x77: {  	[sflag:s21] =	ssyncset.done $0x0  }
0x78: {  	[sflag:s21] =	ssyncadd.s32 $0xFFFFC000  }
0x79: {  	[tilespmem:s23], [sflag:$0x3] =	stream.linear.gather [spmem:s10], $0x4000, $0x38;
	[tilespmem:$0x1F780] =	vst v63  }
0x7a: {  	_ =	swait.ge [sflag:s21], $0x4000  }
0x7b: {  	[sflag:s21] =	ssyncset.done $0x0  }
0x7c: {  	[sflag:s21] =	ssyncadd.s32 $0xFFFFC000  }
0x7d: {  	[hbm4b:s15+s3] =	stream.linear.scatter [tilespmem:s23], [sflag:$0x3], $0x4000, $0x38;
	[tilespmem:$0x1F780] =	vst v63  }
0x7e: {  	_ =	swait.ge [sflag:s21], $0x4000  }
0x7f: {  	[sflag:s21] =	ssyncset.done $0x0  }
0x80: {  	[sflag:s21] =	ssyncadd.s32 $0xFFFFC000  }
0x81: {  	[tilespmem:s23], [sflag:$0x3] =	stream.linear.gather [spmem:s11], $0x4000, $0x38;
	[tilespmem:$0x1F780] =	vst v63  }
0x82: {  	_ =	swait.ge [sflag:s21], $0x4000  }
0x83: {  	[sflag:s21] =	ssyncset.done $0x0  }
0x84: {  	[sflag:s21] =	ssyncadd.s32 $0xFFFFC000  }
0x85: {  	[hbm4b:s16+s3] =	stream.linear.scatter [tilespmem:s23], [sflag:$0x3], $0x4000, $0x38;
	[tilespmem:$0x1F780] =	vst v63  }
0x86: {  	_ =	swait.ge [sflag:s21], $0x4000  }
0x87: {  	[sflag:s21] =	ssyncset.done $0x0  }
0x88: {  	[sflag:s21] =	ssyncadd.s32 $0xFFFFC000  }
0x89: {  	[tilespmem:s23], [sflag:$0x3] =	stream.linear.gather [spmem:s12], $0x4000, $0x38;
	[tilespmem:$0x1F780] =	vst v63  }
0x8a: {  	s30 =	sadd.s32 $0x1, s30;
	_ =	swait.ge [sflag:s21], $0x4000  }
0x8b: {  	p0 =	sne.s32 s30, s18;
	[sflag:s21] =	ssyncset.done $0x0  }
.Ltmp1:
0x8c: {  	[sflag:s21] =	ssyncadd.s32 $0xFFFFC000;
	(pc) =	sbr.rel @p0 .LBB2_1-.Ltmp1, $4  }
0x8d: {  	[hbm4b:s17+s3] =	stream.linear.scatter [tilespmem:s23], [sflag:$0x3], $0x4000, $0x38;
	[tilespmem:$0x1F780] =	vst v63  }
0x8e: {  	_ =	swait.ge [sflag:s21], $0x4000  }
0x8f: {  	[sflag:s21] =	ssyncset.done $0x0  }
0x90: {  	[sflag:s21] =	ssyncadd.s32 $0xFFFFC000  }
0x91: {  	_ =	sfence.sel $0x180000  }
0x92: {  	[bflag:$0x0] =	sbarrier.arrive $0xFFFF  }
0x93: {  	_ =	strace $0x9000004A  }
0x94: {  	s0 =	stileid.u32;
	[bflag:$0x2] =	sbarrier.arrive $0xFFFF  }
0x95: {  	p0 =	sne.s32 s0, $0x0;
	s0 =	rddreg [dreg:$0x2]  }
0x96: {  	s0 =	sadd.s32 @!p0 $0x100000, s0  }
0x97: {  	[sflag:s0] =	ssyncadd.tile.s32 @!p0 $0x1;
	_ =	shalt  }
.Lfunc_end2:
_tile_overlayer_lowered:
.L_overlay_start_2:
0x98: {  	(tag) =	ssettag $0x2  }
0x99: {  	s0 =	rddreg [dreg:$0x0];
	s2 =	stileid.u32  }
0x9a: {  	s1 =	rddreg [dreg:$0x1];
	p0 =	sne.s32 s2, $0x0  }
0x9b: {  	s3 =	rddreg [dreg:$0x2];
	[bflag:$0x3] =	sbarrier.arrive $0xFFFF;
	s2 =	simm.s32 @!p0 $0x1C03  }
0x9c: {  	[timem:s3], [sflag:s2] =	dma.local @!p0 [hbm:s0], s1  }
0x9d: {  	s0 =	simm.s32 @!p0 $0x3  }
0x9e: {  	_ =	swait.ge @!p0 [sflag:s0], s1  }
0x9f: {  	s1 =	ssub.s32 @!p0 $0x0, s1;
	[sflag:s0] =	ssyncset.done @!p0 $0x0  }
0xa0: {  	[sflag:s0] =	ssyncadd.s32 @!p0 s1  }
0xa1: {  	[bflag:$0x3] =	sbarrier.arrive $0xFFFF  }
0xa2: {  	_ =	shalt  }

// kernel: kernel.14.cloned.1.call-start
scs
__scs_entry_jumppad:
0x0: {  	(pc) =	sbr.rel $0x88, $3  }
0x1: {  	(tag) =	ssettag $0x0;
	lr =	simm.s32 $0x1  }
0x2: {  	[smem:$0x3F96] =	sst lr;
	_ =	strace $0xD0000000  }
0x3: {  	_ = 	snop  }
0x4: {  	_ = 	snop  }
0x5: {  	_ = 	snop  }
0x6: {  	_ = 	snop  }
0x7: {  	_ = 	snop  }
__scs_overlays_trampoline_lowered:
0x8: {  	[smem:$0x3FA5] =	sst s0  }
0x9: {  	[smem:$0x3FA6] =	sst s1  }
0xa: {  	[smem:$0x3FA7] =	sst s2  }
0xb: {  	[smem:$0x3FA8] =	sst s3  }
0xc: {  	[smem:$0x3FA9] =	sst s4  }
0xd: {  	[smem:$0x3FAA] =	sst s5  }
0xe: {  	[smem:$0x3FAB] =	sst s6  }
0xf: {  	[smem:$0x3FAC] =	sst s7  }
0x10: {  	[smem:$0x3FAD] =	sst s8  }
0x11: {  	[smem:$0x3FAE] =	sst s9;
	s0 =	simm.s32 @!p0 $0x0  }
0x12: {  	s1 =	sld [smem:$0x3F94];
	s0 =	simm.s32 @p0 $0x1  }
0x13: {  	[smem:$0x3FAF] =	sst s0;
	s0 =	simm.s32 @!p1 $0x0  }
0x14: {  	s2 =	sld [smem:$0x3F93];
	s0 =	simm.s32 @p1 $0x1  }
0x15: {  	[smem:$0x3FB0] =	sst s0;
	s0 =	simm.s32 @!p2 $0x0  }
0x16: {  	s3 =	sld [smem:$0x3FDB];
	s0 =	simm.s32 @p2 $0x1  }
0x17: {  	s4 =	simm.s32 $0x1BF5;
	[smem:$0x3FB2] =	sst s0  }
0x18: {  	s0 =	sld [smem:$0x3F95];
	_ =	swait.ge [sflag:s4], $0x0  }
0x19: {  	s7 =	sld [smem:$0x3F96]  }
0x1a: {  	s8 =	sadd.s32 $0xFFFFE003, lr  }
0x1b: {  	s9 =	sadd.s32 $0xFFFFFEF7, lr;
	s5 =	simm.s32 $0xFFFFFFFF;
	p2 =	slt.u32 s8, $0xFFFFF086  }
0x1c: {  	p1 =	slt.u32 s9, $0xF7A;
	s5 =	simm.s32 @!p2 $0x0  }
0x1d: {  	s5 =	simm.s32 @p1 $0x1;
	p0 =	seq.s32 s7, s2  }
0x1e: {  	s7 =	smul.u32 @!p0 $0xF7A, s2;
	p2 =	seq.s32 @!p0 s5, $0x0  }
0x1f: {  	s9 =	smul.u32 $0xF7A, s1;
	s8 =	simm.s32 @!p0 $0x1BF5;
	p2 =	por !p2, p0  }
0x20: {  	[sflag:s8] =	ssyncset.s32 @!p0 $0xFFFFF086;
	s6 =	sadd.s32 @!p0 s3, s7;
	s7 =	simm.s32 @!p0 $0x108  }
0x21: {  	s3 =	sadd.s32 s3, s9;
	s6 =	sadd.s32 @!p0 $0x88, s6;
	s7 =	simm.s32 @p2 $0x1082  }
0x22: {  	[simem:s7], [sflag:s8] =	dma.local @!p0 [hbm:s6], $0xF7A  }
0x23: {  	s9 =	sor.u32 $0xD0000000, s2;
	s6 =	simm.s32 $0x108;
	_ =	swait.ge @!p0 [sflag:s8], $0x0  }
0x24: {  	s3 =	sadd.s32 $0x88, s3;
	s6 =	simm.s32 @!p1 $0x1082;
	[sflag:s4] =	ssyncset.s32 $0xFFFFF086  }
0x25: {  	[simem:s6], [sflag:s4] =	dma.local [hbm:s3], $0xF7A  }
0x26: {  	[smem:$0x3F96] =	sst s1;
	(tag) =	ssettag s2;
	_ =	strace s9  }
0x27: {  	s1 =	sld [smem:$0x3FA6]  }
0x28: {  	s2 =	sld [smem:$0x3FA7]  }
0x29: {  	s4 =	sld [smem:$0x3FA9]  }
0x2a: {  	p0 =	seq.s32 s5, $0x0;
	s5 =	sld [smem:$0x3FAA]  }
0x2b: {  	s6 =	sld [smem:$0x3FAB]  }
0x2c: {  	s7 =	sld [smem:$0x3FAC]  }
0x2d: {  	s3 =	simm.s32 $0x108;
	s8 =	sld [smem:$0x3FAD]  }
0x2e: {  	s3 =	simm.s32 @!p0 $0x1082;
	s9 =	sld [smem:$0x3FAE]  }
0x2f: {  	lr =	sadd.s32 s0, s3;
	s0 =	sld [smem:$0x3FA5]  }
0x30: {  	s3 =	sld [smem:$0x3FA8]  }
0x31: {  	[smem:$0x3FB1] =	sst s10  }
0x32: {  	s10 =	sld [smem:$0x3FAF];
	_ =	sdelay $0x3  }
0x33: {  	p0 =	seq.s32 s10, $0x1;
	s10 =	sld [smem:$0x3FB1];
	_ =	sdelay $0x3  }
0x34: {  	[smem:$0x3FB1] =	sst s10  }
0x35: {  	s10 =	sld [smem:$0x3FB0];
	_ =	sdelay $0x3  }
0x36: {  	p1 =	seq.s32 s10, $0x1;
	s10 =	sld [smem:$0x3FB1];
	_ =	sdelay $0x3  }
0x37: {  	[smem:$0x3FB1] =	sst s10  }
0x38: {  	s10 =	sld [smem:$0x3FB2]  }
0x39: {  	_ = 	snop;
	(pc) =	sbr.ind lr, $3  }
0x3a: {  	_ = 	snop  }
0x3b: {  	_ = 	snop  }
0x3c: {  	p2 =	seq.s32 s10, $0x1;
	s10 =	sld [smem:$0x3FB1]  }
0x3d: {  	_ =	shalt  }
0x3e: {  	_ =	shalt  }
0x3f: {  	_ =	shalt  }
0x40: {  	_ =	shalt  }
0x41: {  	_ =	shalt  }
0x42: {  	_ =	shalt  }
0x43: {  	_ =	shalt  }
0x44: {  	_ =	shalt  }
0x45: {  	_ =	shalt  }
0x46: {  	_ =	shalt  }
0x47: {  	_ =	shalt  }
0x48: {  	_ =	shalt  }
0x49: {  	_ =	shalt  }
0x4a: {  	_ =	shalt  }
0x4b: {  	_ =	shalt  }
0x4c: {  	_ =	shalt  }
0x4d: {  	_ =	shalt  }
0x4e: {  	_ =	shalt  }
0x4f: {  	_ =	shalt  }
0x50: {  	_ =	shalt  }
0x51: {  	_ =	shalt  }
0x52: {  	_ =	shalt  }
0x53: {  	_ =	shalt  }
0x54: {  	_ =	shalt  }
0x55: {  	_ =	shalt  }
0x56: {  	_ =	shalt  }
0x57: {  	_ =	shalt  }
0x58: {  	_ =	shalt  }
0x59: {  	_ =	shalt  }
0x5a: {  	_ =	shalt  }
0x5b: {  	_ =	shalt  }
0x5c: {  	_ =	shalt  }
0x5d: {  	_ =	shalt  }
0x5e: {  	_ =	shalt  }
0x5f: {  	_ =	shalt  }
0x60: {  	_ =	shalt  }
0x61: {  	_ =	shalt  }
0x62: {  	_ =	shalt  }
0x63: {  	_ =	shalt  }
0x64: {  	_ =	shalt  }
0x65: {  	_ =	shalt  }
0x66: {  	_ =	shalt  }
0x67: {  	_ =	shalt  }
0x68: {  	_ =	shalt  }
0x69: {  	_ =	shalt  }
0x6a: {  	_ =	shalt  }
0x6b: {  	_ =	shalt  }
0x6c: {  	_ =	shalt  }
0x6d: {  	_ =	shalt  }
0x6e: {  	_ =	shalt  }
0x6f: {  	_ =	shalt  }
0x70: {  	_ =	shalt  }
0x71: {  	_ =	shalt  }
0x72: {  	_ =	shalt  }
0x73: {  	_ =	shalt  }
0x74: {  	_ =	shalt  }
0x75: {  	_ =	shalt  }
0x76: {  	_ =	shalt  }
0x77: {  	_ =	shalt  }
0x78: {  	_ =	shalt  }
0x79: {  	_ =	shalt  }
0x7a: {  	_ =	shalt  }
0x7b: {  	_ =	shalt  }
0x7c: {  	_ =	shalt  }
0x7d: {  	_ =	shalt  }
0x7e: {  	_ =	shalt  }
0x7f: {  	_ =	shalt  }
0x80: {  	_ =	shalt  }
0x81: {  	_ =	shalt  }
0x82: {  	_ =	shalt  }
0x83: {  	_ =	shalt  }
0x84: {  	_ =	shalt  }
0x85: {  	_ =	shalt  }
0x86: {  	_ =	shalt  }
0x87: {  	_ =	shalt  }
.Lfunc_end0:
.L_simem_size_0:
called_computation.2_lowered:
.L_overlay_start_0:
0x88: {  	s2 =	sld [smem:$0x3FD9]  }
0x89: {  	s3 =	sld [smem:$0x3FFE];
	_ =	sdelay $0x1  }
0x8a: {  	s1 =	srdreg.scid  }
0x8b: {  	s0 =	sand.u32 $0x1, s1  }
0x8c: {  	s16 =	sshll.u32 s0, $0xA;
	s2 =	sadd.s32 s3, s2  }
0x8d: {  	s2 =	sadd.s32 s2, s16  }
0x8e: {  	[smem:$0x3FBD] =	sst s2  }
0x8f: {  	_ = 	snop  }
0x90: {  	(tm) =	ssettm $0x1  }
0x91: {  	s17 =	sld [smem:$0x3FFB];
	_ =	sdelay $0x3  }
0x92: {  	_ =	strace s17  }
0x93: {  	s2 =	sld [smem:$0x3FFC];
	_ =	sdelay $0x3  }
0x94: {  	_ =	strace s2  }
0x95: {  	s2 =	sld [smem:$0x3FFD];
	_ =	sdelay $0x3  }
0x96: {  	_ =	strace s2  }
0x97: {  	_ =	strace $0x8FFFFFFF  }
0x98: {  	s18 =	sld [smem:$0x3FDB];
	_ =	sdelay $0x1  }
0x99: {  	s19 =	simm.s32 $_scs_section_size  }
0x9a: {  	s4 =	simm.s32 $_size__tile_overlayer_lowered;
	s5 =	simm.s32 $_tile_overlayer_lowered  }
0x9b: {  	s22 =	simm.s32 $0x1BFF;
	s21 =	sshll.u32 s5, $0x1;
	s2 =	sadd.s32 s19, s18  }
0x9c: {  	s6 =	simm.s32 $0x0;
	s20 =	sshll.u32 s4, $0x1;
	s4 =	sadd.s32 s21, s2  }
0x9d: {  	[timem:s6], [sflag:s22] =	dma.local [hbm:s4], s20  }
0x9e: {  	_ =	swait.ge [sflag:s22], s20  }
0x9f: {  	s3 =	ssub.s32 $0x0, s20;
	[sflag:s22] =	ssyncset.done $0x0  }
0xa0: {  	[sflag:s22] =	ssyncadd.s32 s3;
	_ =	sdelay $0x1  }
0xa1: {  	s23 =	simm.s32 $0x1B8B  }
0xa2: {  	_ =	swait.ge [sflag:s23], $0x1  }
0xa3: {  	[sflag:s23] =	ssyncset.done $0x0  }
0xa4: {  	s25 =	simm.s32 $0x1B8E;
	s24 =	sld [smem:$0x3FFE];
	[sflag:s23] =	ssyncadd.s32 $0xFFFFFFFF  }
0xa5: {  	s26 =	simm.s32 $execute0_lowered;
	[smem:$0x3FD2] =	sst s25  }
0xa6: {  	s4 =	sshll.u32 s26, $0x1;
	_ =	strace $0x8000004C;
	[dreg:$0x1] =	wrdreg $0xFFFFFFFF  }
0xa7: {  	s28 =	simm.s32 $_size_execute0_lowered;
	s2 =	sadd.s32 s2, s4;
	[dreg:$0x0] =	wrdreg $0x0  }
0xa8: {  	s4 =	sshll.u32 s28, $0x1;
	[dreg:$0x2] =	wrdreg s2  }
0xa9: {  	[dreg:$0x3] =	wrdreg s4  }
0xaa: {  	[dreg:$0x4] =	wrdreg $0xC0  }
0xab: {  	_ =	task [dreg:s6], $0x5FFFF  }
0xac: {  	[dreg:$0x1] =	wrdreg $0xFFFFFFFF  }
0xad: {  	[dreg:$0x0] =	wrdreg $0x60  }
0xae: {  	[dreg:$0x2] =	wrdreg s24  }
0xaf: {  	[dreg:$0x3] =	wrdreg $0xB7800  }
0xb0: {  	[dreg:$0x4] =	wrdreg $0x9  }
0xb1: {  	_ =	task.clear_ibuf [dreg:s6], $0x5FFFF;
	_ =	strace $0x9000004C  }
0xb2: {  	s29 =	simm.s32 $0x9;
	_ =	strace $0x8000004E  }
0xb3: {  	_ =	swait.ge [sflag:s29], $0x1  }
0xb4: {  	[sflag:s29] =	ssyncadd.s32 $0xFFFFFFFF  }
0xb5: {  	_ =	strace $0x9000004E  }
0xb6: {  	_ =	sfence  }
0xb7: {  	s30 =	sld [smem:$0x0];
	_ =	sdelay $0x2  }
0xb8: {  	s31 =	sshll.u32 s1, $0xD;
	s1 =	sshrl.u32 s1, $0x2  }
0xb9: {  	s3 =	sand.u32 $0x4000, s31;
	s1 =	sadd.s32 s1, s30  }
0xba: {  	s0 =	sor.u32 s3, s0;
	s1 =	sshll.u32 s1, $0x11  }
0xbb: {  	s0 =	sor.u32 s1, s0  }
0xbc: {  	s0 =	sadd.s32 $0x8F2B, s0  }
0xbd: {  	[sflag:s0] =	ssyncadd.remote.s32 $0x1  }
0xbe: {  	_ =	sfence.sel $0xFFFF  }
0xbf: {  	[dreg:$0x0] =	wrdreg $0xFFFFFFFF;
	(pc) =	sbr.abs _section_cstart, $3  }
0xc0: {  	[dreg:$0x1] =	wrdreg $0xFFFFFFFF  }
0xc1: {  	_ =	task.clear_ibuf [dreg:s6], $0x2FFFF;
	_ =	strace $0x9FFFFFFF  }
0xc2: {  	(tm) =	ssettm $0x7FFFFFFF  }
0xc3: {  	_ =	shalt  }
tec
execute0_lowered:
.L_overlay_start_1:
0x0: {  	(tag) =	ssettag $0x1  }
0x1: {  	s1 =	srdreg.scid  }
0x2: {  	s0 =	stileid.u32;
	s6 =	rddreg [dreg:$0x0]  }
0x3: {  	s2 =	rddreg [dreg:$0x1];
	s21 =	simm.s32 $0x3;
	s22 =	simm.s32 $0x2780  }
0x4: {  	s28 =	simm.s32 $0x2;
	s29 =	simm.s32 $0x6580;
	s10 =	smul.u32 $0x50000, s0  }
0x5: {  	s30 =	simm.s32 $0x0;
	s1 =	sand.u32 $0x1, s1;
	s12 =	smul.u32 $0x14000, s0  }
0x6: {  	s3 =	sshrl.u32 s0, $0x3;
	s7 =	sshll.u32 s0, $0x7;
	s4 =	smul.u32 $0x27800, s1  }
0x7: {  	s25 =	sshll.u32 s0, $0xB;
	s17 =	sadd.s32 $0x73E00, s6;
	s5 =	smul.u32 $0x13C00, s3  }
0x8: {  	s3 =	simm.s32 $0x0;
	s23 =	sand.u32 $0x380, s7;
	s8 =	sadd.s32 s25, s6  }
0x9: {  	s9 =	ssub.s32 $0x2, s1;
	s1 =	smul.u32 $0x140000, s1;
	s25 =	simm.s32 $0x1  }
0xa: {  	[smem:$0x7FF] =	sst s3;
	s26 =	sshrl.u32 s9, $0x1;
	s31 =	sshrl.u32 s10, $0x2  }
0xb: {  	s7 =	sadd.s32 $0x62000, s8;
	s13 =	sadd.s32 $0x4000, s12;
	s15 =	sadd.s32 $0x8000, s12  }
0xc: {  	s16 =	sadd.s32 $0xC000, s12;
	s19 =	sadd.s32 $0x10000, s12;
	s4 =	sadd.s32 s4, s5  }
0xd: {  	_ =	strace $0x8000004D;
	s18 =	ssub.s32 s9, s26;
	s8 =	sadd.s32 s31, s2  }
0xe: {  	s9 =	sadd.s32 s13, s2;
	s10 =	sadd.s32 s15, s2;
	s11 =	sadd.s32 s16, s2  }
0xf: {  	s14 =	sadd.s32 s12, s1;
	s13 =	sadd.s32 s1, s13;
	s12 =	sadd.s32 s19, s2  }
0x10: {  	s15 =	sadd.s32 s1, s15;
	s16 =	sadd.s32 s1, s16;
	s1 =	sadd.s32 s1, s19  }
0x11: {  	s26 =	simm.s32 $0x8F80;
	s4 =	sor.u32 s23, s4;
	s14 =	sshrl.u32 s14, $0x3  }
0x12: {  	s20 =	sshrl.u32 s13, $0x3;
	s15 =	sshrl.u32 s15, $0x3;
	s16 =	sshrl.u32 s16, $0x3  }
0x13: {  	s1 =	sshrl.u32 s1, $0x3;
	s18 =	smax.u32 s18, $0x1;
	s23 =	simm.s32 $0x6780  }
0x14: {  	s5 =	sshrl.u32 s4, $0x3;
	s4 =	sadd.s32 $0x1400, s6;
	s13 =	sadd.s32 s17, s14  }
0x15: {  	s14 =	sadd.s32 s17, s20;
	s15 =	sadd.s32 s17, s15;
	s16 =	sadd.s32 s17, s16  }
0x16: {  	s17 =	sadd.s32 s17, s1;
	s20 =	simm.s32 $0x400;
	s24 =	sadd.s32 s5, s6  }
0x17: {  	s5 =	sadd.s32 $0x4F600, s6;
	s6 =	sadd.s32 $0x6A000, s24;
	s24 =	simm.s32 $0x50  }
.LBB2_1:
0x18: {  	s0 =	simm.s32 $0x80  }
0x19: {  	[tilespmem:s3], [sflag:$0x3] =	stream.strided.gather [hbm4b:s6+s0], $0x2780, s20, s0, $0x38;
	[tilespmem:$0x1F780] =	vst v63  }
0x1a: {  	_ =	swait.ge [sflag:s21], $0x2780  }
0x1b: {  	[sflag:s21] =	ssyncset.done $0x0  }
0x1c: {  	[sflag:s21] =	ssyncadd.s32 $0xFFFFD880  }
0x1d: {  	[tilespmem:s22], [sflag:$0x3] =	stream.linear.gather [hbm4b:s7+s3], $0x3E80, $0x38;
	[tilespmem:$0x1F780] =	vst v63  }
0x1e: {  	_ =	swait.ge [sflag:s21], $0x3E80  }
0x1f: {  	[sflag:s21] =	ssyncset.done $0x0  }
0x20: {  	[sflag:s21] =	ssyncadd.s32 $0xFFFFC180  }
0x21: {  	[tilespmem:s23], [sflag:$0x3] =	stream.linear.gather [hbm4b:s5+s3], $0x4000, $0x38;
	[tilespmem:$0x1F780] =	vst v63  }
0x22: {  	_ =	swait.ge [sflag:s21], $0x4000  }
0x23: {  	[sflag:s21] =	ssyncset.done $0x0  }
0x24: {  	[sflag:s21] =	ssyncadd.s32 $0xFFFFC000  }
0x25: {  	[spmem:s8] =	stream.linear.scatter [tilespmem:s23], [sflag:$0x3], $0x4000, $0x38;
	[tilespmem:$0x1F780] =	vst v63  }
0x26: {  	_ =	swait.ge [sflag:s21], $0x4000  }
0x27: {  	[sflag:s21] =	ssyncset.done $0x0  }
0x28: {  	[sflag:s21] =	ssyncadd.s32 $0xFFFFC000  }
0x29: {  	[spmem:s9] =	stream.linear.scatter [tilespmem:s23], [sflag:$0x3], $0x4000, $0x38;
	[tilespmem:$0x1F780] =	vst v63  }
0x2a: {  	_ =	swait.ge [sflag:s21], $0x4000  }
0x2b: {  	[sflag:s21] =	ssyncset.done $0x0  }
0x2c: {  	[sflag:s21] =	ssyncadd.s32 $0xFFFFC000  }
0x2d: {  	[spmem:s10] =	stream.linear.scatter [tilespmem:s23], [sflag:$0x3], $0x4000, $0x38;
	[tilespmem:$0x1F780] =	vst v63  }
0x2e: {  	_ =	swait.ge [sflag:s21], $0x4000  }
0x2f: {  	[sflag:s21] =	ssyncset.done $0x0  }
0x30: {  	[sflag:s21] =	ssyncadd.s32 $0xFFFFC000  }
0x31: {  	[spmem:s11] =	stream.linear.scatter [tilespmem:s23], [sflag:$0x3], $0x4000, $0x38;
	[tilespmem:$0x1F780] =	vst v63  }
0x32: {  	_ =	swait.ge [sflag:s21], $0x4000  }
0x33: {  	[sflag:s21] =	ssyncset.done $0x0  }
0x34: {  	[sflag:s21] =	ssyncadd.s32 $0xFFFFC000  }
0x35: {  	[spmem:s12] =	stream.linear.scatter [tilespmem:s23], [sflag:$0x3], $0x4000, $0x38;
	[tilespmem:$0x1F780] =	vst v63  }
0x36: {  	_ =	swait.ge [sflag:s21], $0x4000  }
0x37: {  	[sflag:s21] =	ssyncset.done $0x0  }
0x38: {  	[sflag:s21] =	ssyncadd.s32 $0xFFFFC000  }
0x39: {  	[bflag:$0x0] =	sbarrier.arrive $0xFFFF  }
0x3a: {  	[tilespmem:s23], [sflag:$0x1] =	stream.indirect.gather [hbm4b:s4+s24], $0x80, s3, s24, $0xb8;
	[tilespmem:$0x1F780] =	vst v63  }
0x3b: {  	_ =	swait.ge [sflag:s25], $0x2800  }
0x3c: {  	[sflag:s25] =	ssyncset.done $0x0  }
0x3d: {  	s1 =	simm.s32 $0x50;
	[sflag:s25] =	ssyncadd.s32 $0xFFFFD800  }
0x3e: {  	[tilespmem:s26], [sflag:$0x2] =	stream.indirect.gather [hbm4b:s4+s24], $0x80, s1, s24, $0xb8;
	[tilespmem:$0x1F780] =	vst v63  }
0x3f: {  	s0 =	simm.s32 $0x2780  }
0x40: {  	[spmem:s2] =	stream.indirect.scatter.add.f32 [tilespmem:s23], [sflag:$0x3], $0x80, s0, s24, $0xb8;
	[tilespmem:$0x1F780] =	vst v63  }
0x41: {  	_ =	swait.ge [sflag:s21], $0x2800  }
0x42: {  	[sflag:s21] =	ssyncset.done $0x0  }
0x43: {  	[sflag:s21] =	ssyncadd.s32 $0xFFFFD800  }
0x44: {  	_ =	swait.ge [sflag:s28], $0x2800  }
0x45: {  	[sflag:s28] =	ssyncset.done $0x0  }
0x46: {  	s31 =	simm.s32 $0xA0;
	[sflag:s28] =	ssyncadd.s32 $0xFFFFD800  }
0x47: {  	[tilespmem:s23], [sflag:$0x1] =	stream.indirect.gather [hbm4b:s4+s24], $0x80, s31, s24, $0xb8;
	[tilespmem:$0x1F780] =	vst v63  }
0x48: {  	s19 =	simm.s32 $0x2800  }
0x49: {  	[spmem:s2] =	stream.indirect.scatter.add.f32 [tilespmem:s26], [sflag:$0x3], $0x80, s19, s24, $0xb8;
	[tilespmem:$0x1F780] =	vst v63  }
0x4a: {  	_ =	swait.ge [sflag:s21], $0x2800  }
0x4b: {  	s1 =	simm.s32 $0x400;
	[sflag:s21] =	ssyncset.done $0x0  }
.LBB2_2:
0x4c: {  	p0 =	sne.s32 s1, $0xF400;
	[sflag:s21] =	ssyncadd.s32 $0xFFFFD800;
	s31 =	sadd.s32 $0xA0, s31  }
0x4d: {  	s0 =	smov.u32 s1;
	s1 =	sadd.s32 $0x400, s1  }
0x4e: {  	_ =	swait.ge [sflag:s25], $0x2800  }
0x4f: {  	[sflag:s25] =	ssyncset.done $0x0  }
0x50: {  	s19 =	sadd.s32 $0xFFFFFFB0, s31;
	s0 =	sshra.s32 s0, $0x2;
	[sflag:s25] =	ssyncadd.s32 $0xFFFFD800  }
0x51: {  	[tilespmem:s26], [sflag:$0x2] =	stream.indirect.gather [hbm4b:s4+s24], $0x80, s19, s24, $0xb8;
	[tilespmem:$0x1F780] =	vst v63  }
0x52: {  	s19 =	sadd.s32 $0x2780, s0  }
0x53: {  	[spmem:s2] =	stream.indirect.scatter.add.f32 [tilespmem:s23], [sflag:$0x3], $0x80, s19, s24, $0xb8;
	[tilespmem:$0x1F780] =	vst v63  }
0x54: {  	_ =	swait.ge [sflag:s21], $0x2800  }
0x55: {  	[sflag:s21] =	ssyncset.done $0x0  }
0x56: {  	[sflag:s21] =	ssyncadd.s32 $0xFFFFD800  }
0x57: {  	_ =	swait.ge [sflag:s28], $0x2800  }
0x58: {  	[sflag:s28] =	ssyncset.done $0x0  }
0x59: {  	[sflag:s28] =	ssyncadd.s32 $0xFFFFD800  }
0x5a: {  	[tilespmem:s23], [sflag:$0x1] =	stream.indirect.gather [hbm4b:s4+s24], $0x80, s31, s24, $0xb8;
	[tilespmem:$0x1F780] =	vst v63  }
.Ltmp0:
0x5b: {  	_ = 	snop;
	(pc) =	sbr.rel @p0 .LBB2_2-.Ltmp0, $4  }
0x5c: {  	s0 =	sadd.s32 $0x2800, s0  }
0x5d: {  	[spmem:s2] =	stream.indirect.scatter.add.f32 [tilespmem:s26], [sflag:$0x3], $0x80, s0, s24, $0xb8;
	[tilespmem:$0x1F780] =	vst v63  }
0x5e: {  	_ =	swait.ge [sflag:s21], $0x2800  }
0x5f: {  	[sflag:s21] =	ssyncset.done $0x0  }
0x60: {  	[sflag:s21] =	ssyncadd.s32 $0xFFFFD800  }
0x61: {  	_ =	swait.ge [sflag:s25], $0x2800  }
0x62: {  	[sflag:s25] =	ssyncset.done $0x0  }
0x63: {  	[sflag:s25] =	ssyncadd.s32 $0xFFFFD800  }
0x64: {  	[spmem:s2] =	stream.indirect.scatter.add.f32 [tilespmem:s23], [sflag:$0x3], $0x80, s29, s24, $0xb8;
	[tilespmem:$0x1F780] =	vst v63  }
0x65: {  	_ =	swait.ge [sflag:s21], $0x2800  }
0x66: {  	[sflag:s21] =	ssyncset.done $0x0  }
0x67: {  	[sflag:s21] =	ssyncadd.s32 $0xFFFFD800  }
0x68: {  	[bflag:$0x0] =	sbarrier.arrive $0xFFFF  }
0x69: {  	[tilespmem:s23], [sflag:$0x3] =	stream.linear.gather [spmem:s8], $0x4000, $0x38;
	[tilespmem:$0x1F780] =	vst v63  }
0x6a: {  	_ =	swait.ge [sflag:s21], $0x4000  }
0x6b: {  	[sflag:s21] =	ssyncset.done $0x0  }
0x6c: {  	[sflag:s21] =	ssyncadd.s32 $0xFFFFC000  }
0x6d: {  	[hbm4b:s13+s3] =	stream.linear.scatter [tilespmem:s23], [sflag:$0x3], $0x4000, $0x38;
	[tilespmem:$0x1F780] =	vst v63  }
0x6e: {  	_ =	swait.ge [sflag:s21], $0x4000  }
0x6f: {  	[sflag:s21] =	ssyncset.done $0x0  }
0x70: {  	[sflag:s21] =	ssyncadd.s32 $0xFFFFC000  }
0x71: {  	[tilespmem:s23], [sflag:$0x3] =	stream.linear.gather [spmem:s9], $0x4000, $0x38;
	[tilespmem:$0x1F780] =	vst v63  }
0x72: {  	_ =	swait.ge [sflag:s21], $0x4000  }
0x73: {  	[sflag:s21] =	ssyncset.done $0x0  }
0x74: {  	[sflag:s21] =	ssyncadd.s32 $0xFFFFC000  }
0x75: {  	[hbm4b:s14+s3] =	stream.linear.scatter [tilespmem:s23], [sflag:$0x3], $0x4000, $0x38;
	[tilespmem:$0x1F780] =	vst v63  }
0x76: {  	_ =	swait.ge [sflag:s21], $0x4000  }
0x77: {  	[sflag:s21] =	ssyncset.done $0x0  }
0x78: {  	[sflag:s21] =	ssyncadd.s32 $0xFFFFC000  }
0x79: {  	[tilespmem:s23], [sflag:$0x3] =	stream.linear.gather [spmem:s10], $0x4000, $0x38;
	[tilespmem:$0x1F780] =	vst v63  }
0x7a: {  	_ =	swait.ge [sflag:s21], $0x4000  }
0x7b: {  	[sflag:s21] =	ssyncset.done $0x0  }
0x7c: {  	[sflag:s21] =	ssyncadd.s32 $0xFFFFC000  }
0x7d: {  	[hbm4b:s15+s3] =	stream.linear.scatter [tilespmem:s23], [sflag:$0x3], $0x4000, $0x38;
	[tilespmem:$0x1F780] =	vst v63  }
0x7e: {  	_ =	swait.ge [sflag:s21], $0x4000  }
0x7f: {  	[sflag:s21] =	ssyncset.done $0x0  }
0x80: {  	[sflag:s21] =	ssyncadd.s32 $0xFFFFC000  }
0x81: {  	[tilespmem:s23], [sflag:$0x3] =	stream.linear.gather [spmem:s11], $0x4000, $0x38;
	[tilespmem:$0x1F780] =	vst v63  }
0x82: {  	_ =	swait.ge [sflag:s21], $0x4000  }
0x83: {  	[sflag:s21] =	ssyncset.done $0x0  }
0x84: {  	[sflag:s21] =	ssyncadd.s32 $0xFFFFC000  }
0x85: {  	[hbm4b:s16+s3] =	stream.linear.scatter [tilespmem:s23], [sflag:$0x3], $0x4000, $0x38;
	[tilespmem:$0x1F780] =	vst v63  }
0x86: {  	_ =	swait.ge [sflag:s21], $0x4000  }
0x87: {  	[sflag:s21] =	ssyncset.done $0x0  }
0x88: {  	[sflag:s21] =	ssyncadd.s32 $0xFFFFC000  }
0x89: {  	[tilespmem:s23], [sflag:$0x3] =	stream.linear.gather [spmem:s12], $0x4000, $0x38;
	[tilespmem:$0x1F780] =	vst v63  }
0x8a: {  	s30 =	sadd.s32 $0x1, s30;
	_ =	swait.ge [sflag:s21], $0x4000  }
0x8b: {  	p0 =	sne.s32 s30, s18;
	[sflag:s21] =	ssyncset.done $0x0  }
.Ltmp1:
0x8c: {  	[sflag:s21] =	ssyncadd.s32 $0xFFFFC000;
	(pc) =	sbr.rel @p0 .LBB2_1-.Ltmp1, $4  }
0x8d: {  	[hbm4b:s17+s3] =	stream.linear.scatter [tilespmem:s23], [sflag:$0x3], $0x4000, $0x38;
	[tilespmem:$0x1F780] =	vst v63  }
0x8e: {  	_ =	swait.ge [sflag:s21], $0x4000  }
0x8f: {  	[sflag:s21] =	ssyncset.done $0x0  }
0x90: {  	[sflag:s21] =	ssyncadd.s32 $0xFFFFC000  }
0x91: {  	_ =	sfence.sel $0x180000  }
0x92: {  	[bflag:$0x0] =	sbarrier.arrive $0xFFFF  }
0x93: {  	_ =	strace $0x9000004D  }
0x94: {  	s0 =	stileid.u32;
	[bflag:$0x2] =	sbarrier.arrive $0xFFFF  }
0x95: {  	p0 =	sne.s32 s0, $0x0;
	s0 =	rddreg [dreg:$0x2]  }
0x96: {  	s0 =	sadd.s32 @!p0 $0x100000, s0  }
0x97: {  	[sflag:s0] =	ssyncadd.tile.s32 @!p0 $0x1;
	_ =	shalt  }
.Lfunc_end2:
_tile_overlayer_lowered:
.L_overlay_start_2:
0x98: {  	(tag) =	ssettag $0x2  }
0x99: {  	s0 =	rddreg [dreg:$0x0];
	s2 =	stileid.u32  }
0x9a: {  	s1 =	rddreg [dreg:$0x1];
	p0 =	sne.s32 s2, $0x0  }
0x9b: {  	s3 =	rddreg [dreg:$0x2];
	[bflag:$0x3] =	sbarrier.arrive $0xFFFF;
	s2 =	simm.s32 @!p0 $0x1C03  }
0x9c: {  	[timem:s3], [sflag:s2] =	dma.local @!p0 [hbm:s0], s1  }
0x9d: {  	s0 =	simm.s32 @!p0 $0x3  }
0x9e: {  	_ =	swait.ge @!p0 [sflag:s0], s1  }
0x9f: {  	s1 =	ssub.s32 @!p0 $0x0, s1;
	[sflag:s0] =	ssyncset.done @!p0 $0x0  }
0xa0: {  	[sflag:s0] =	ssyncadd.s32 @!p0 s1  }
0xa1: {  	[bflag:$0x3] =	sbarrier.arrive $0xFFFF  }
0xa2: {  	_ =	shalt  }

// kernel: kernel.8.cloned.1.call-start
scs
__scs_entry_jumppad:
0x0: {  	(pc) =	sbr.rel $0x88, $3  }
0x1: {  	(tag) =	ssettag $0x0;
	lr =	simm.s32 $0x1  }
0x2: {  	[smem:$0x3F96] =	sst lr;
	_ =	strace $0xD0000000  }
0x3: {  	_ = 	snop  }
0x4: {  	_ = 	snop  }
0x5: {  	_ = 	snop  }
0x6: {  	_ = 	snop  }
0x7: {  	_ = 	snop  }
__scs_overlays_trampoline_lowered:
0x8: {  	[smem:$0x3FA5] =	sst s0  }
0x9: {  	[smem:$0x3FA6] =	sst s1  }
0xa: {  	[smem:$0x3FA7] =	sst s2  }
0xb: {  	[smem:$0x3FA8] =	sst s3  }
0xc: {  	[smem:$0x3FA9] =	sst s4  }
0xd: {  	[smem:$0x3FAA] =	sst s5  }
0xe: {  	[smem:$0x3FAB] =	sst s6  }
0xf: {  	[smem:$0x3FAC] =	sst s7  }
0x10: {  	[smem:$0x3FAD] =	sst s8  }
0x11: {  	[smem:$0x3FAE] =	sst s9;
	s0 =	simm.s32 @!p0 $0x0  }
0x12: {  	s1 =	sld [smem:$0x3F94];
	s0 =	simm.s32 @p0 $0x1  }
0x13: {  	[smem:$0x3FAF] =	sst s0;
	s0 =	simm.s32 @!p1 $0x0  }
0x14: {  	s2 =	sld [smem:$0x3F93];
	s0 =	simm.s32 @p1 $0x1  }
0x15: {  	[smem:$0x3FB0] =	sst s0;
	s0 =	simm.s32 @!p2 $0x0  }
0x16: {  	s3 =	sld [smem:$0x3FDB];
	s0 =	simm.s32 @p2 $0x1  }
0x17: {  	s4 =	simm.s32 $0x1BF5;
	[smem:$0x3FB2] =	sst s0  }
0x18: {  	s0 =	sld [smem:$0x3F95];
	_ =	swait.ge [sflag:s4], $0x0  }
0x19: {  	s7 =	sld [smem:$0x3F96]  }
0x1a: {  	s8 =	sadd.s32 $0xFFFFE003, lr  }
0x1b: {  	s9 =	sadd.s32 $0xFFFFFEF7, lr;
	s5 =	simm.s32 $0xFFFFFFFF;
	p2 =	slt.u32 s8, $0xFFFFF086  }
0x1c: {  	p1 =	slt.u32 s9, $0xF7A;
	s5 =	simm.s32 @!p2 $0x0  }
0x1d: {  	s5 =	simm.s32 @p1 $0x1;
	p0 =	seq.s32 s7, s2  }
0x1e: {  	s7 =	smul.u32 @!p0 $0xF7A, s2;
	p2 =	seq.s32 @!p0 s5, $0x0  }
0x1f: {  	s9 =	smul.u32 $0xF7A, s1;
	s8 =	simm.s32 @!p0 $0x1BF5;
	p2 =	por !p2, p0  }
0x20: {  	[sflag:s8] =	ssyncset.s32 @!p0 $0xFFFFF086;
	s6 =	sadd.s32 @!p0 s3, s7;
	s7 =	simm.s32 @!p0 $0x108  }
0x21: {  	s3 =	sadd.s32 s3, s9;
	s6 =	sadd.s32 @!p0 $0x88, s6;
	s7 =	simm.s32 @p2 $0x1082  }
0x22: {  	[simem:s7], [sflag:s8] =	dma.local @!p0 [hbm:s6], $0xF7A  }
0x23: {  	s9 =	sor.u32 $0xD0000000, s2;
	s6 =	simm.s32 $0x108;
	_ =	swait.ge @!p0 [sflag:s8], $0x0  }
0x24: {  	s3 =	sadd.s32 $0x88, s3;
	s6 =	simm.s32 @!p1 $0x1082;
	[sflag:s4] =	ssyncset.s32 $0xFFFFF086  }
0x25: {  	[simem:s6], [sflag:s4] =	dma.local [hbm:s3], $0xF7A  }
0x26: {  	[smem:$0x3F96] =	sst s1;
	(tag) =	ssettag s2;
	_ =	strace s9  }
0x27: {  	s1 =	sld [smem:$0x3FA6]  }
0x28: {  	s2 =	sld [smem:$0x3FA7]  }
0x29: {  	s4 =	sld [smem:$0x3FA9]  }
0x2a: {  	p0 =	seq.s32 s5, $0x0;
	s5 =	sld [smem:$0x3FAA]  }
0x2b: {  	s6 =	sld [smem:$0x3FAB]  }
0x2c: {  	s7 =	sld [smem:$0x3FAC]  }
0x2d: {  	s3 =	simm.s32 $0x108;
	s8 =	sld [smem:$0x3FAD]  }
0x2e: {  	s3 =	simm.s32 @!p0 $0x1082;
	s9 =	sld [smem:$0x3FAE]  }
0x2f: {  	lr =	sadd.s32 s0, s3;
	s0 =	sld [smem:$0x3FA5]  }
0x30: {  	s3 =	sld [smem:$0x3FA8]  }
0x31: {  	[smem:$0x3FB1] =	sst s10  }
0x32: {  	s10 =	sld [smem:$0x3FAF];
	_ =	sdelay $0x3  }
0x33: {  	p0 =	seq.s32 s10, $0x1;
	s10 =	sld [smem:$0x3FB1];
	_ =	sdelay $0x3  }
0x34: {  	[smem:$0x3FB1] =	sst s10  }
0x35: {  	s10 =	sld [smem:$0x3FB0];
	_ =	sdelay $0x3  }
0x36: {  	p1 =	seq.s32 s10, $0x1;
	s10 =	sld [smem:$0x3FB1];
	_ =	sdelay $0x3  }
0x37: {  	[smem:$0x3FB1] =	sst s10  }
0x38: {  	s10 =	sld [smem:$0x3FB2]  }
0x39: {  	_ = 	snop;
	(pc) =	sbr.ind lr, $3  }
0x3a: {  	_ = 	snop  }
0x3b: {  	_ = 	snop  }
0x3c: {  	p2 =	seq.s32 s10, $0x1;
	s10 =	sld [smem:$0x3FB1]  }
0x3d: {  	_ =	shalt  }
0x3e: {  	_ =	shalt  }
0x3f: {  	_ =	shalt  }
0x40: {  	_ =	shalt  }
0x41: {  	_ =	shalt  }
0x42: {  	_ =	shalt  }
0x43: {  	_ =	shalt  }
0x44: {  	_ =	shalt  }
0x45: {  	_ =	shalt  }
0x46: {  	_ =	shalt  }
0x47: {  	_ =	shalt  }
0x48: {  	_ =	shalt  }
0x49: {  	_ =	shalt  }
0x4a: {  	_ =	shalt  }
0x4b: {  	_ =	shalt  }
0x4c: {  	_ =	shalt  }
0x4d: {  	_ =	shalt  }
0x4e: {  	_ =	shalt  }
0x4f: {  	_ =	shalt  }
0x50: {  	_ =	shalt  }
0x51: {  	_ =	shalt  }
0x52: {  	_ =	shalt  }
0x53: {  	_ =	shalt  }
0x54: {  	_ =	shalt  }
0x55: {  	_ =	shalt  }
0x56: {  	_ =	shalt  }
0x57: {  	_ =	shalt  }
0x58: {  	_ =	shalt  }
0x59: {  	_ =	shalt  }
0x5a: {  	_ =	shalt  }
0x5b: {  	_ =	shalt  }
0x5c: {  	_ =	shalt  }
0x5d: {  	_ =	shalt  }
0x5e: {  	_ =	shalt  }
0x5f: {  	_ =	shalt  }
0x60: {  	_ =	shalt  }
0x61: {  	_ =	shalt  }
0x62: {  	_ =	shalt  }
0x63: {  	_ =	shalt  }
0x64: {  	_ =	shalt  }
0x65: {  	_ =	shalt  }
0x66: {  	_ =	shalt  }
0x67: {  	_ =	shalt  }
0x68: {  	_ =	shalt  }
0x69: {  	_ =	shalt  }
0x6a: {  	_ =	shalt  }
0x6b: {  	_ =	shalt  }
0x6c: {  	_ =	shalt  }
0x6d: {  	_ =	shalt  }
0x6e: {  	_ =	shalt  }
0x6f: {  	_ =	shalt  }
0x70: {  	_ =	shalt  }
0x71: {  	_ =	shalt  }
0x72: {  	_ =	shalt  }
0x73: {  	_ =	shalt  }
0x74: {  	_ =	shalt  }
0x75: {  	_ =	shalt  }
0x76: {  	_ =	shalt  }
0x77: {  	_ =	shalt  }
0x78: {  	_ =	shalt  }
0x79: {  	_ =	shalt  }
0x7a: {  	_ =	shalt  }
0x7b: {  	_ =	shalt  }
0x7c: {  	_ =	shalt  }
0x7d: {  	_ =	shalt  }
0x7e: {  	_ =	shalt  }
0x7f: {  	_ =	shalt  }
0x80: {  	_ =	shalt  }
0x81: {  	_ =	shalt  }
0x82: {  	_ =	shalt  }
0x83: {  	_ =	shalt  }
0x84: {  	_ =	shalt  }
0x85: {  	_ =	shalt  }
0x86: {  	_ =	shalt  }
0x87: {  	_ =	shalt  }
.Lfunc_end0:
.L_simem_size_0:
called_computation_lowered:
.L_overlay_start_0:
0x88: {  	s2 =	sld [smem:$0x3FD9]  }
0x89: {  	s3 =	sld [smem:$0x3FFE];
	_ =	sdelay $0x1  }
0x8a: {  	s1 =	srdreg.scid  }
0x8b: {  	s0 =	sand.u32 $0x1, s1  }
0x8c: {  	s16 =	sshll.u32 s0, $0xA;
	s2 =	sadd.s32 s3, s2  }
0x8d: {  	s2 =	sadd.s32 s2, s16  }
0x8e: {  	[smem:$0x3FBD] =	sst s2  }
0x8f: {  	_ = 	snop  }
0x90: {  	(tm) =	ssettm $0x1  }
0x91: {  	s17 =	sld [smem:$0x3FFB];
	_ =	sdelay $0x3  }
0x92: {  	_ =	strace s17  }
0x93: {  	s2 =	sld [smem:$0x3FFC];
	_ =	sdelay $0x3  }
0x94: {  	_ =	strace s2  }
0x95: {  	s2 =	sld [smem:$0x3FFD];
	_ =	sdelay $0x3  }
0x96: {  	_ =	strace s2  }
0x97: {  	_ =	strace $0x8FFFFFFF  }
0x98: {  	s18 =	sld [smem:$0x3FDB];
	_ =	sdelay $0x1  }
0x99: {  	s19 =	simm.s32 $_scs_section_size  }
0x9a: {  	s4 =	simm.s32 $_size__tile_overlayer_lowered;
	s5 =	simm.s32 $_tile_overlayer_lowered  }
0x9b: {  	s22 =	simm.s32 $0x1BFF;
	s21 =	sshll.u32 s5, $0x1;
	s2 =	sadd.s32 s19, s18  }
0x9c: {  	s6 =	simm.s32 $0x0;
	s20 =	sshll.u32 s4, $0x1;
	s4 =	sadd.s32 s21, s2  }
0x9d: {  	[timem:s6], [sflag:s22] =	dma.local [hbm:s4], s20  }
0x9e: {  	_ =	swait.ge [sflag:s22], s20  }
0x9f: {  	s3 =	ssub.s32 $0x0, s20;
	[sflag:s22] =	ssyncset.done $0x0  }
0xa0: {  	[sflag:s22] =	ssyncadd.s32 s3;
	_ =	sdelay $0x1  }
0xa1: {  	s23 =	simm.s32 $0x1B8B  }
0xa2: {  	_ =	swait.ge [sflag:s23], $0x1  }
0xa3: {  	[sflag:s23] =	ssyncset.done $0x0  }
0xa4: {  	s25 =	simm.s32 $0x1B8E;
	s24 =	sld [smem:$0x3FFE];
	[sflag:s23] =	ssyncadd.s32 $0xFFFFFFFF  }
0xa5: {  	s26 =	simm.s32 $execute0_lowered;
	[smem:$0x3FD2] =	sst s25  }
0xa6: {  	s4 =	sshll.u32 s26, $0x1;
	_ =	strace $0x80000046;
	[dreg:$0x1] =	wrdreg $0xFFFFFFFF  }
0xa7: {  	s28 =	simm.s32 $_size_execute0_lowered;
	s2 =	sadd.s32 s2, s4;
	[dreg:$0x0] =	wrdreg $0x0  }
0xa8: {  	s4 =	sshll.u32 s28, $0x1;
	[dreg:$0x2] =	wrdreg s2  }
0xa9: {  	[dreg:$0x3] =	wrdreg s4  }
0xaa: {  	[dreg:$0x4] =	wrdreg $0xC0  }
0xab: {  	_ =	task [dreg:s6], $0x5FFFF  }
0xac: {  	[dreg:$0x1] =	wrdreg $0xFFFFFFFF  }
0xad: {  	[dreg:$0x0] =	wrdreg $0x60  }
0xae: {  	[dreg:$0x2] =	wrdreg s24  }
0xaf: {  	[dreg:$0x3] =	wrdreg $0x90000  }
0xb0: {  	[dreg:$0x4] =	wrdreg $0x9  }
0xb1: {  	_ =	task.clear_ibuf [dreg:s6], $0x5FFFF;
	_ =	strace $0x90000046  }
0xb2: {  	s29 =	simm.s32 $0x9;
	_ =	strace $0x80000048  }
0xb3: {  	_ =	swait.ge [sflag:s29], $0x1  }
0xb4: {  	[sflag:s29] =	ssyncadd.s32 $0xFFFFFFFF  }
0xb5: {  	_ =	strace $0x90000048  }
0xb6: {  	_ =	sfence  }
0xb7: {  	s30 =	sld [smem:$0x0];
	_ =	sdelay $0x2  }
0xb8: {  	s31 =	sshll.u32 s1, $0xD;
	s1 =	sshrl.u32 s1, $0x2  }
0xb9: {  	s3 =	sand.u32 $0x4000, s31;
	s1 =	sadd.s32 s1, s30  }
0xba: {  	s0 =	sor.u32 s3, s0;
	s1 =	sshll.u32 s1, $0x11  }
0xbb: {  	s0 =	sor.u32 s1, s0  }
0xbc: {  	s0 =	sadd.s32 $0x8F2B, s0  }
0xbd: {  	[sflag:s0] =	ssyncadd.remote.s32 $0x1  }
0xbe: {  	_ =	sfence.sel $0xFFFF  }
0xbf: {  	[dreg:$0x0] =	wrdreg $0xFFFFFFFF;
	(pc) =	sbr.abs _section_cstart, $3  }
0xc0: {  	[dreg:$0x1] =	wrdreg $0xFFFFFFFF  }
0xc1: {  	_ =	task.clear_ibuf [dreg:s6], $0x2FFFF;
	_ =	strace $0x9FFFFFFF  }
0xc2: {  	(tm) =	ssettm $0x7FFFFFFF  }
0xc3: {  	_ =	shalt  }
tec
execute0_lowered:
.L_overlay_start_1:
0x0: {  	(tag) =	ssettag $0x1  }
0x1: {  	s0 =	rddreg [dreg:$0x0]  }
0x2: {  	s2 =	rddreg [dreg:$0x1];
	s3 =	simm.s32 $0x0  }
0x3: {  	s4 =	stileid.u32;
	s5 =	srdreg.scid;
	s28 =	simm.s32 $0x50  }
0x4: {  	s29 =	simm.s32 $0x1;
	s30 =	simm.s32 $0x2;
	[smem:$0x7FF] =	sst s3  }
0x5: {  	s1 =	sshll.u32 s4, $0xB;
	s6 =	sadd.s32 $0x11A00, s0;
	s7 =	smul.u32 $0x50000, s4  }
0x6: {  	s11 =	sand.u32 $0x1, s5;
	s23 =	sadd.s32 $0x11400, s0;
	s14 =	smul.u32 $0x14000, s4  }
0x7: {  	_ =	strace $0x80000047;
	s1 =	sadd.s32 s1, s0;
	[dreg:$0x3] =	wrdreg s6  }
0x8: {  	[dreg:$0x4] =	wrdreg s23;
	s24 =	ssub.s32 $0x2, s11;
	s0 =	sadd.s32 $0x12000, s0  }
0x9: {  	s9 =	sshll.u32 s11, $0xF;
	s21 =	smul.u32 $0x140000, s11;
	s8 =	sshrl.u32 s24, $0x1  }
0xa: {  	s1 =	sadd.s32 s9, s1;
	s7 =	sshrl.u32 s7, $0x2;
	s25 =	sor.u32 $0x2800, s14  }
0xb: {  	s17 =	sadd.s32 $0x5000, s14;
	s18 =	sadd.s32 $0x7800, s14;
	s19 =	sadd.s32 $0xA000, s14  }
0xc: {  	s20 =	sadd.s32 $0xC800, s14;
	s22 =	sadd.s32 $0xF000, s14;
	s23 =	ssub.s32 s24, s8  }
0xd: {  	s6 =	sadd.s32 $0x1400, s1;
	s7 =	sadd.s32 s7, s2;
	s8 =	sadd.s32 s25, s2  }
0xe: {  	s9 =	sadd.s32 s17, s2;
	s10 =	sadd.s32 s18, s2;
	s11 =	sadd.s32 s19, s2  }
0xf: {  	s12 =	sadd.s32 s20, s2;
	s13 =	sadd.s32 s22, s2;
	s15 =	sadd.s32 s14, s21  }
0x10: {  	s1 =	sadd.s32 s21, s25;
	s24 =	sadd.s32 $0x11800, s14;
	s26 =	sadd.s32 s21, s17  }
0x11: {  	s31 =	sadd.s32 s21, s18;
	s4 =	sadd.s32 s21, s19;
	s15 =	sshrl.u32 s15, $0x3  }
0x12: {  	s1 =	sshrl.u32 s1, $0x3;
	s14 =	sadd.s32 s24, s2;
	s5 =	sshrl.u32 s31, $0x3  }
0x13: {  	s25 =	sshrl.u32 s4, $0x3;
	s31 =	sadd.s32 s21, s22;
	s23 =	smax.u32 s23, $0x1  }
0x14: {  	s15 =	sadd.s32 s0, s15;
	s16 =	sadd.s32 s0, s1;
	s1 =	sshrl.u32 s26, $0x3  }
0x15: {  	s18 =	sadd.s32 s0, s5;
	s19 =	sadd.s32 s0, s25;
	s26 =	sadd.s32 s21, s20  }
0x16: {  	s21 =	sadd.s32 s21, s24;
	s22 =	sshrl.u32 s31, $0x3;
	s25 =	simm.s32 $0x4000  }
0x17: {  	s17 =	sadd.s32 s0, s1;
	s1 =	sshrl.u32 s26, $0x3;
	s24 =	sshrl.u32 s21, $0x3  }
0x18: {  	s21 =	sadd.s32 s0, s22;
	s26 =	simm.s32 $0x6800;
	s20 =	sadd.s32 s0, s1  }
0x19: {  	s22 =	sadd.s32 s0, s24;
	s24 =	simm.s32 $0x3;
	s0 =	simm.s32 $0x0  }
.LBB2_1:
0x1a: {  	[tilespmem:s3], [sflag:$0x3] =	stream.linear.gather [hbm4b:s6+s3], $0x3E80, $0x38;
	[tilespmem:$0x1D000] =	vst v63  }
0x1b: {  	_ =	swait.ge [sflag:s24], $0x3E80  }
0x1c: {  	[sflag:s24] =	ssyncset.done $0x0  }
0x1d: {  	s1 =	rddreg [dreg:$0x3];
	[sflag:s24] =	ssyncadd.s32 $0xFFFFC180  }
0x1e: {  	[tilespmem:s25], [sflag:$0x3] =	stream.linear.gather [hbm4b:s1+s3], $0x2800, $0x38;
	[tilespmem:$0x1D000] =	vst v63  }
0x1f: {  	_ =	swait.ge [sflag:s24], $0x2800  }
0x20: {  	[sflag:s24] =	ssyncset.done $0x0  }
0x21: {  	s5 =	rddreg [dreg:$0x4];
	[sflag:s24] =	ssyncadd.s32 $0xFFFFD800  }
0x22: {  	[tilespmem:s26], [sflag:$0x3] =	stream.linear.gather [hbm4b:s5+s3], $0x2800, $0x38;
	[tilespmem:$0x1D000] =	vst v63  }
0x23: {  	_ =	swait.ge [sflag:s24], $0x2800  }
0x24: {  	[sflag:s24] =	ssyncset.done $0x0  }
0x25: {  	[sflag:s24] =	ssyncadd.s32 $0xFFFFD800  }
0x26: {  	[spmem:s7] =	stream.linear.scatter [tilespmem:s26], [sflag:$0x3], $0x2800, $0x38;
	[tilespmem:$0x1D000] =	vst v63  }
0x27: {  	_ =	swait.ge [sflag:s24], $0x2800  }
0x28: {  	[sflag:s24] =	ssyncset.done $0x0  }
0x29: {  	[sflag:s24] =	ssyncadd.s32 $0xFFFFD800  }
0x2a: {  	[spmem:s8] =	stream.linear.scatter [tilespmem:s26], [sflag:$0x3], $0x2800, $0x38;
	[tilespmem:$0x1D000] =	vst v63  }
0x2b: {  	_ =	swait.ge [sflag:s24], $0x2800  }
0x2c: {  	[sflag:s24] =	ssyncset.done $0x0  }
0x2d: {  	[sflag:s24] =	ssyncadd.s32 $0xFFFFD800  }
0x2e: {  	[spmem:s9] =	stream.linear.scatter [tilespmem:s26], [sflag:$0x3], $0x2800, $0x38;
	[tilespmem:$0x1D000] =	vst v63  }
0x2f: {  	_ =	swait.ge [sflag:s24], $0x2800  }
0x30: {  	[sflag:s24] =	ssyncset.done $0x0  }
0x31: {  	[sflag:s24] =	ssyncadd.s32 $0xFFFFD800  }
0x32: {  	[spmem:s10] =	stream.linear.scatter [tilespmem:s26], [sflag:$0x3], $0x2800, $0x38;
	[tilespmem:$0x1D000] =	vst v63  }
0x33: {  	_ =	swait.ge [sflag:s24], $0x2800  }
0x34: {  	[sflag:s24] =	ssyncset.done $0x0  }
0x35: {  	[sflag:s24] =	ssyncadd.s32 $0xFFFFD800  }
0x36: {  	[spmem:s11] =	stream.linear.scatter [tilespmem:s26], [sflag:$0x3], $0x2800, $0x38;
	[tilespmem:$0x1D000] =	vst v63  }
0x37: {  	_ =	swait.ge [sflag:s24], $0x2800  }
0x38: {  	[sflag:s24] =	ssyncset.done $0x0  }
0x39: {  	[sflag:s24] =	ssyncadd.s32 $0xFFFFD800  }
0x3a: {  	[spmem:s12] =	stream.linear.scatter [tilespmem:s26], [sflag:$0x3], $0x2800, $0x38;
	[tilespmem:$0x1D000] =	vst v63  }
0x3b: {  	_ =	swait.ge [sflag:s24], $0x2800  }
0x3c: {  	[sflag:s24] =	ssyncset.done $0x0  }
0x3d: {  	[sflag:s24] =	ssyncadd.s32 $0xFFFFD800  }
0x3e: {  	[spmem:s13] =	stream.linear.scatter [tilespmem:s26], [sflag:$0x3], $0x2800, $0x38;
	[tilespmem:$0x1D000] =	vst v63  }
0x3f: {  	_ =	swait.ge [sflag:s24], $0x2800  }
0x40: {  	[sflag:s24] =	ssyncset.done $0x0  }
0x41: {  	[sflag:s24] =	ssyncadd.s32 $0xFFFFD800  }
0x42: {  	[spmem:s14] =	stream.linear.scatter [tilespmem:s26], [sflag:$0x3], $0x2800, $0x38;
	[tilespmem:$0x1D000] =	vst v63  }
0x43: {  	_ =	swait.ge [sflag:s24], $0x2800  }
0x44: {  	[sflag:s24] =	ssyncset.done $0x0  }
0x45: {  	[sflag:s24] =	ssyncadd.s32 $0xFFFFD800  }
0x46: {  	s4 =	simm.s32 $0x0;
	[bflag:$0x0] =	sbarrier.arrive $0xFFFF  }
0x47: {  	[spmem:s2] =	stream.indirect.scatter.add.f32 [tilespmem:s25], [sflag:$0x1], $0x80, s4, s28, $0xb8;
	[tilespmem:$0x1D000] =	vst v63  }
0x48: {  	s5 =	simm.s32 $0x80  }
0x49: {  	[spmem:s2] =	stream.indirect.scatter.add.f32 [tilespmem:s25], [sflag:$0x2], $0x80, s5, s28, $0xb8;
	[tilespmem:$0x1D000] =	vst v63  }
0x4a: {  	_ =	swait.ge [sflag:s29], $0x2800  }
0x4b: {  	[sflag:s29] =	ssyncset.done $0x0  }
0x4c: {  	[sflag:s29] =	ssyncadd.s32 $0xFFFFD800  }
0x4d: {  	_ =	swait.ge [sflag:s30], $0x2800  }
0x4e: {  	s31 =	simm.s32 $0x800;
	s1 =	simm.s32 $0x400;
	[sflag:s30] =	ssyncset.done $0x0  }
.LBB2_2:
0x4f: {  	s4 =	sshra.s32 s1, $0x2  }
0x50: {  	[sflag:s30] =	ssyncadd.s32 $0xFFFFD800;
	s1 =	smov.u32 s31;
	s5 =	sadd.s32 $0x400, s31  }
0x51: {  	[spmem:s2] =	stream.indirect.scatter.add.f32 [tilespmem:s25], [sflag:$0x1], $0x80, s4, s28, $0xb8;
	[tilespmem:$0x1D000] =	vst v63  }
0x52: {  	p0 =	sne.s32 s31, $0xF400;
	s4 =	sadd.s32 $0x80, s4  }
0x53: {  	[spmem:s2] =	stream.indirect.scatter.add.f32 [tilespmem:s25], [sflag:$0x2], $0x80, s4, s28, $0xb8;
	[tilespmem:$0x1D000] =	vst v63  }
.Ltmp0:
0x54: {  	_ =	swait.ge [sflag:s29], $0x2800;
	(pc) =	sbr.rel @p0 .LBB2_2-.Ltmp0, $4  }
0x55: {  	[sflag:s29] =	ssyncset.done $0x0  }
0x56: {  	[sflag:s29] =	ssyncadd.s32 $0xFFFFD800  }
0x57: {  	_ =	swait.ge [sflag:s30], $0x2800  }
0x58: {  	s31 =	smov.u32 s5;
	[sflag:s30] =	ssyncset.done $0x0  }
0x59: {  	s1 =	sshra.s32 s1, $0x2;
	[sflag:s30] =	ssyncadd.s32 $0xFFFFD800  }
0x5a: {  	[spmem:s2] =	stream.indirect.scatter.add.f32 [tilespmem:s25], [sflag:$0x1], $0x80, s1, s28, $0xb8;
	[tilespmem:$0x1D000] =	vst v63  }
0x5b: {  	s1 =	sadd.s32 $0x80, s1  }
0x5c: {  	[spmem:s2] =	stream.indirect.scatter.add.f32 [tilespmem:s25], [sflag:$0x2], $0x80, s1, s28, $0xb8;
	[tilespmem:$0x1D000] =	vst v63  }
0x5d: {  	_ =	swait.ge [sflag:s29], $0x2800  }
0x5e: {  	[sflag:s29] =	ssyncset.done $0x0  }
0x5f: {  	[sflag:s29] =	ssyncadd.s32 $0xFFFFD800  }
0x60: {  	_ =	swait.ge [sflag:s30], $0x2800  }
0x61: {  	[sflag:s30] =	ssyncset.done $0x0  }
0x62: {  	s31 =	simm.s32 $0x3E00;
	[sflag:s30] =	ssyncadd.s32 $0xFFFFD800  }
0x63: {  	[spmem:s2] =	stream.indirect.scatter.add.f32 [tilespmem:s25], [sflag:$0x1], $0x80, s31, s28, $0xb8;
	[tilespmem:$0x1D000] =	vst v63  }
0x64: {  	_ =	swait.ge [sflag:s29], $0x2800  }
0x65: {  	[sflag:s29] =	ssyncset.done $0x0  }
0x66: {  	[sflag:s29] =	ssyncadd.s32 $0xFFFFD800  }
0x67: {  	[bflag:$0x0] =	sbarrier.arrive $0xFFFF  }
0x68: {  	[tilespmem:s26], [sflag:$0x3] =	stream.linear.gather [spmem:s7], $0x2800, $0x38;
	[tilespmem:$0x1D000] =	vst v63  }
0x69: {  	_ =	swait.ge [sflag:s24], $0x2800  }
0x6a: {  	[sflag:s24] =	ssyncset.done $0x0  }
0x6b: {  	[sflag:s24] =	ssyncadd.s32 $0xFFFFD800  }
0x6c: {  	[hbm4b:s15+s3] =	stream.linear.scatter [tilespmem:s26], [sflag:$0x3], $0x2800, $0x38;
	[tilespmem:$0x1D000] =	vst v63  }
0x6d: {  	_ =	swait.ge [sflag:s24], $0x2800  }
0x6e: {  	[sflag:s24] =	ssyncset.done $0x0  }
0x6f: {  	[sflag:s24] =	ssyncadd.s32 $0xFFFFD800  }
0x70: {  	[tilespmem:s26], [sflag:$0x3] =	stream.linear.gather [spmem:s8], $0x2800, $0x38;
	[tilespmem:$0x1D000] =	vst v63  }
0x71: {  	_ =	swait.ge [sflag:s24], $0x2800  }
0x72: {  	[sflag:s24] =	ssyncset.done $0x0  }
0x73: {  	[sflag:s24] =	ssyncadd.s32 $0xFFFFD800  }
0x74: {  	[hbm4b:s16+s3] =	stream.linear.scatter [tilespmem:s26], [sflag:$0x3], $0x2800, $0x38;
	[tilespmem:$0x1D000] =	vst v63  }
0x75: {  	_ =	swait.ge [sflag:s24], $0x2800  }
0x76: {  	[sflag:s24] =	ssyncset.done $0x0  }
0x77: {  	[sflag:s24] =	ssyncadd.s32 $0xFFFFD800  }
0x78: {  	[tilespmem:s26], [sflag:$0x3] =	stream.linear.gather [spmem:s9], $0x2800, $0x38;
	[tilespmem:$0x1D000] =	vst v63  }
0x79: {  	_ =	swait.ge [sflag:s24], $0x2800  }
0x7a: {  	[sflag:s24] =	ssyncset.done $0x0  }
0x7b: {  	[sflag:s24] =	ssyncadd.s32 $0xFFFFD800  }
0x7c: {  	[hbm4b:s17+s3] =	stream.linear.scatter [tilespmem:s26], [sflag:$0x3], $0x2800, $0x38;
	[tilespmem:$0x1D000] =	vst v63  }
0x7d: {  	_ =	swait.ge [sflag:s24], $0x2800  }
0x7e: {  	[sflag:s24] =	ssyncset.done $0x0  }
0x7f: {  	[sflag:s24] =	ssyncadd.s32 $0xFFFFD800  }
0x80: {  	[tilespmem:s26], [sflag:$0x3] =	stream.linear.gather [spmem:s10], $0x2800, $0x38;
	[tilespmem:$0x1D000] =	vst v63  }
0x81: {  	_ =	swait.ge [sflag:s24], $0x2800  }
0x82: {  	[sflag:s24] =	ssyncset.done $0x0  }
0x83: {  	[sflag:s24] =	ssyncadd.s32 $0xFFFFD800  }
0x84: {  	[hbm4b:s18+s3] =	stream.linear.scatter [tilespmem:s26], [sflag:$0x3], $0x2800, $0x38;
	[tilespmem:$0x1D000] =	vst v63  }
0x85: {  	_ =	swait.ge [sflag:s24], $0x2800  }
0x86: {  	[sflag:s24] =	ssyncset.done $0x0  }
0x87: {  	[sflag:s24] =	ssyncadd.s32 $0xFFFFD800  }
0x88: {  	[tilespmem:s26], [sflag:$0x3] =	stream.linear.gather [spmem:s11], $0x2800, $0x38;
	[tilespmem:$0x1D000] =	vst v63  }
0x89: {  	_ =	swait.ge [sflag:s24], $0x2800  }
0x8a: {  	[sflag:s24] =	ssyncset.done $0x0  }
0x8b: {  	[sflag:s24] =	ssyncadd.s32 $0xFFFFD800  }
0x8c: {  	[hbm4b:s19+s3] =	stream.linear.scatter [tilespmem:s26], [sflag:$0x3], $0x2800, $0x38;
	[tilespmem:$0x1D000] =	vst v63  }
0x8d: {  	_ =	swait.ge [sflag:s24], $0x2800  }
0x8e: {  	[sflag:s24] =	ssyncset.done $0x0  }
0x8f: {  	[sflag:s24] =	ssyncadd.s32 $0xFFFFD800  }
0x90: {  	[tilespmem:s26], [sflag:$0x3] =	stream.linear.gather [spmem:s12], $0x2800, $0x38;
	[tilespmem:$0x1D000] =	vst v63  }
0x91: {  	_ =	swait.ge [sflag:s24], $0x2800  }
0x92: {  	[sflag:s24] =	ssyncset.done $0x0  }
0x93: {  	[sflag:s24] =	ssyncadd.s32 $0xFFFFD800  }
0x94: {  	[hbm4b:s20+s3] =	stream.linear.scatter [tilespmem:s26], [sflag:$0x3], $0x2800, $0x38;
	[tilespmem:$0x1D000] =	vst v63  }
0x95: {  	_ =	swait.ge [sflag:s24], $0x2800  }
0x96: {  	[sflag:s24] =	ssyncset.done $0x0  }
0x97: {  	[sflag:s24] =	ssyncadd.s32 $0xFFFFD800  }
0x98: {  	[tilespmem:s26], [sflag:$0x3] =	stream.linear.gather [spmem:s13], $0x2800, $0x38;
	[tilespmem:$0x1D000] =	vst v63  }
0x99: {  	_ =	swait.ge [sflag:s24], $0x2800  }
0x9a: {  	[sflag:s24] =	ssyncset.done $0x0  }
0x9b: {  	[sflag:s24] =	ssyncadd.s32 $0xFFFFD800  }
0x9c: {  	[hbm4b:s21+s3] =	stream.linear.scatter [tilespmem:s26], [sflag:$0x3], $0x2800, $0x38;
	[tilespmem:$0x1D000] =	vst v63  }
0x9d: {  	_ =	swait.ge [sflag:s24], $0x2800  }
0x9e: {  	[sflag:s24] =	ssyncset.done $0x0  }
0x9f: {  	[sflag:s24] =	ssyncadd.s32 $0xFFFFD800  }
0xa0: {  	[tilespmem:s26], [sflag:$0x3] =	stream.linear.gather [spmem:s14], $0x2800, $0x38;
	[tilespmem:$0x1D000] =	vst v63  }
0xa1: {  	s0 =	sadd.s32 $0x1, s0;
	_ =	swait.ge [sflag:s24], $0x2800  }
0xa2: {  	p0 =	sne.s32 s0, s23;
	[sflag:s24] =	ssyncset.done $0x0  }
.Ltmp1:
0xa3: {  	[sflag:s24] =	ssyncadd.s32 $0xFFFFD800;
	(pc) =	sbr.rel @p0 .LBB2_1-.Ltmp1, $4  }
0xa4: {  	[hbm4b:s22+s3] =	stream.linear.scatter [tilespmem:s26], [sflag:$0x3], $0x2800, $0x38;
	[tilespmem:$0x1D000] =	vst v63  }
0xa5: {  	_ =	swait.ge [sflag:s24], $0x2800  }
0xa6: {  	[sflag:s24] =	ssyncset.done $0x0  }
0xa7: {  	[sflag:s24] =	ssyncadd.s32 $0xFFFFD800  }
0xa8: {  	_ =	sfence.sel $0x180000  }
0xa9: {  	[bflag:$0x0] =	sbarrier.arrive $0xFFFF  }
0xaa: {  	_ =	strace $0x90000047  }
0xab: {  	s0 =	stileid.u32;
	[bflag:$0x2] =	sbarrier.arrive $0xFFFF  }
0xac: {  	p0 =	sne.s32 s0, $0x0;
	s0 =	rddreg [dreg:$0x2]  }
0xad: {  	s0 =	sadd.s32 @!p0 $0x100000, s0  }
0xae: {  	[sflag:s0] =	ssyncadd.tile.s32 @!p0 $0x1;
	_ =	shalt  }
.Lfunc_end2:
_tile_overlayer_lowered:
.L_overlay_start_2:
0xaf: {  	(tag) =	ssettag $0x2  }
0xb0: {  	s0 =	rddreg [dreg:$0x0];
	s2 =	stileid.u32  }
0xb1: {  	s1 =	rddreg [dreg:$0x1];
	p0 =	sne.s32 s2, $0x0  }
0xb2: {  	s3 =	rddreg [dreg:$0x2];
	[bflag:$0x3] =	sbarrier.arrive $0xFFFF;
	s2 =	simm.s32 @!p0 $0x1C03  }
0xb3: {  	[timem:s3], [sflag:s2] =	dma.local @!p0 [hbm:s0], s1  }
0xb4: {  	s0 =	simm.s32 @!p0 $0x3  }
0xb5: {  	_ =	swait.ge @!p0 [sflag:s0], s1  }
0xb6: {  	s1 =	ssub.s32 @!p0 $0x0, s1;
	[sflag:s0] =	ssyncset.done @!p0 $0x0  }
0xb7: {  	[sflag:s0] =	ssyncadd.s32 @!p0 s1  }
0xb8: {  	[bflag:$0x3] =	sbarrier.arrive $0xFFFF  }
0xb9: {  	_ =	shalt  }

</sc_bundles>
